<compile_context>
chip_gen: v7x
topology: tpu7x:2x2x1
jax: 0.10.2.dev20260603
libtpu: 0.0.44.dev20260713+nightly
codegen_flags: <defaults>
</compile_context>

<pallas_src>
import functools

import jax
import jax.numpy as jnp
from jax import lax
from jax.experimental import pallas as pl
from jax.experimental.pallas import tpu as pltpu
from jax.experimental.pallas import tpu_sc as plsc

N = 10000
E = 320000
D = 128
NT = 128
L = 3
SURF = 4
CEMB = 32

NC = 2
NS = 16
K = 128
CPT_A = 28
CPT_B = 129
CPTMAX = max(CPT_A, CPT_B)
RPT = 632
RPT_LAST = 528
NPAD = (NS - 1) * RPT + RPT_LAST
NIS = 4
NRS = 3

BLK = 5000


def _sc_body(idx_hbm, m_hbm, zrow_hbm, out_hbm,
             islots, rows, agg, isem, gsem, ssem):
    c = lax.axis_index("c")
    s = lax.axis_index("s")
    pltpu.sync_copy(zrow_hbm, rows.at[pl.ds(0, K)])

    def zblk(j, carry):
        pltpu.sync_copy(rows.at[pl.ds(0, K)],
                        agg.at[pl.ds(s * RPT + j * K, K)])
        return carry

    lax.fori_loop(0, RPT // K, zblk, 0)

    @pl.when(s < NS - 1)
    def _():
        pltpu.sync_copy(rows.at[pl.ds(0, RPT % K)],
                        agg.at[pl.ds(s * RPT + RPT - RPT % K, RPT % K)])

    @pl.when(s == NS - 1)
    def _():
        pltpu.sync_copy(rows.at[pl.ds(0, RPT_LAST % K)],
                        agg.at[pl.ds(s * RPT + RPT_LAST - RPT_LAST % K,
                                     RPT_LAST % K)])

    plsc.subcore_barrier()

    cptc = jnp.where(c == 0, CPT_A, CPT_B)

    def iload(j):
        pltpu.async_copy(idx_hbm.at[c, s, j], islots.at[lax.rem(j, NIS)],
                         isem)

    def iwait():
        pltpu.make_async_copy(idx_hbm.at[c, s, 0], islots.at[0], isem).wait()

    def gstart(i):
        pltpu.async_copy(m_hbm.at[islots.at[lax.rem(i, NIS), 0]],
                         rows.at[pl.ds(lax.rem(i, NRS) * K, K)], gsem)

    def prologue(j, carry):
        iload(j)
        return carry

    lax.fori_loop(0, NIS - 1, prologue, 0)
    iwait()
    iwait()
    gstart(0)
    gstart(1)

    def chunk(i, carry):
        boff = lax.rem(i, NRS) * K

        @pl.when(i >= 1)
        def _():
            pltpu.make_async_copy(m_hbm.at[pl.ds(0, K)],
                                  rows.at[pl.ds(lax.rem(i + 2, NRS) * K, K)],
                                  ssem).wait()

        @pl.when(i + NIS - 1 < cptc)
        def _():
            iload(i + NIS - 1)

        @pl.when(i + 2 < cptc)
        def _():
            iwait()
            gstart(i + 2)

        pltpu.make_async_copy(m_hbm.at[pl.ds(0, K)],
                              rows.at[pl.ds(boff, K)], gsem).wait()
        pltpu.async_copy(rows.at[pl.ds(boff, K)],
                         agg.at[islots.at[lax.rem(i, NIS), 1]], ssem,
                         add=True)

        return carry

    lax.fori_loop(0, cptc, chunk, 0)
    pltpu.make_async_copy(m_hbm.at[pl.ds(0, K)],
                          rows.at[pl.ds(lax.rem(cptc - 1, NRS) * K, K)],
                          ssem).wait()

    plsc.subcore_barrier()

    @pl.when(s < NS - 1)
    def _():
        pltpu.sync_copy(agg.at[pl.ds(s * RPT, RPT)],
                        out_hbm.at[c, pl.ds(s * RPT, RPT)])

    @pl.when(s == NS - 1)
    def _():
        pltpu.sync_copy(agg.at[pl.ds(s * RPT, RPT_LAST)],
                        out_hbm.at[c, pl.ds(s * RPT, RPT_LAST)])


_sc_scatter = functools.partial(
    pl.kernel,
    mesh=plsc.VectorSubcoreMesh(core_axis_name="c", subcore_axis_name="s"),
    out_type=jax.ShapeDtypeStruct((NC, NPAD, D), jnp.float32),
    scratch_types=[
        pltpu.VMEM((NIS, 2, K), jnp.int32),
        pltpu.VMEM((NRS * K, D), jnp.float32),
        pltpu.VMEM_SHARED((NPAD, D), jnp.float32),
        pltpu.SemaphoreType.DMA,
        pltpu.SemaphoreType.DMA,
        pltpu.SemaphoreType.DMA,
    ],
)(_sc_body)


def _pre_body(x_ref, w1t_ref, b1_ref, wg0_ref, h_ref, m_ref):
    h = jnp.dot(x_ref[...], w1t_ref[...], preferred_element_type=jnp.float32)
    h = jnp.maximum(h + b1_ref[...], 0.0)
    h_ref[...] = h
    m_ref[...] = jnp.dot(h, wg0_ref[...], preferred_element_type=jnp.float32)


def _gru_math(parts_ref, h_ref, wiht_ref, whht_ref, bih_ref, bhh_ref):
    agg = parts_ref[0] + parts_ref[1]
    h = h_ref[...]
    gi = jnp.dot(agg, wiht_ref[...], preferred_element_type=jnp.float32)
    gi = gi + bih_ref[...]
    gh = jnp.dot(h, whht_ref[...], preferred_element_type=jnp.float32)
    gh = gh + bhh_ref[...]
    r = jax.nn.sigmoid(gi[:, :D] + gh[:, :D])
    z = jax.nn.sigmoid(gi[:, D:2 * D] + gh[:, D:2 * D])
    n = jnp.tanh(gi[:, 2 * D:] + r * gh[:, 2 * D:])
    return (1.0 - z) * n + z * h


def _gru_body(parts_ref, h_ref, wiht_ref, whht_ref, bih_ref, bhh_ref,
              wgn_ref, hn_ref, mn_ref):
    hn = _gru_math(parts_ref, h_ref, wiht_ref, whht_ref, bih_ref, bhh_ref)
    hn_ref[...] = hn
    mn_ref[...] = jnp.dot(hn, wgn_ref[...], preferred_element_type=jnp.float32)


def _gru_out_body(parts_ref, h_ref, wiht_ref, whht_ref, bih_ref, bhh_ref,
                  w2t_ref, b2_ref, out_ref):
    hn = _gru_math(parts_ref, h_ref, wiht_ref, whht_ref, bih_ref, bhh_ref)
    hn = jnp.maximum(hn, 0.0)
    o = jnp.dot(hn, w2t_ref[...], preferred_element_type=jnp.float32)
    out_ref[...] = o + b2_ref[...]


def _row_spec(shape):
    nd = len(shape)
    if nd == 2:
        return pl.BlockSpec((BLK, shape[1]), lambda i: (i, 0))
    return pl.BlockSpec((shape[0], BLK, shape[2]), lambda i: (0, i, 0))


def _full_spec(shape):
    return pl.BlockSpec(shape, lambda i: tuple(0 for _ in shape))


def _tc_call(body, in_shapes, row_in, out_shapes):
    grid = (N // BLK,)
    in_specs = [_row_spec(s) if r else _full_spec(s)
                for s, r in zip(in_shapes, row_in)]
    out_specs = [_row_spec(s) for s in out_shapes]
    out_shape = [jax.ShapeDtypeStruct(s, jnp.float32) for s in out_shapes]
    if len(out_shapes) == 1:
        out_specs, out_shape = out_specs[0], out_shape[0]
    return pl.pallas_call(body, grid=grid, in_specs=in_specs,
                          out_specs=out_specs, out_shape=out_shape)


def kernel(x, edge_index, W1, b1, Wg, Wih, Whh, bih, bhh, W2, b2):
    w1t = W1.T
    wiht = Wih.T
    whht = Whh.T
    w2t = W2.T
    b1r = b1.reshape(1, D)
    bihr = bih.reshape(1, 3 * D)
    bhhr = bhh.reshape(1, 3 * D)
    b2r = b2.reshape(1, NT)

    src = edge_index[0]
    dst = edge_index[1]
    ecap0 = NS * CPT_A * K
    cap1 = NS * CPT_B * K
    pad1 = ecap0 + cap1 - E
    src0 = src[:ecap0].reshape(NS, CPT_A, K)
    dst0 = dst[:ecap0].reshape(NS, CPT_A, K)
    src1 = jnp.concatenate(
        [src[ecap0:], jnp.zeros((pad1,), jnp.int32)]).reshape(NS, CPT_B, K)
    dst1 = jnp.concatenate(
        [dst[ecap0:], jnp.full((pad1,), N, jnp.int32)]).reshape(NS, CPT_B, K)
    idx0 = jnp.stack([src0, dst0], axis=2)
    idx1 = jnp.stack([src1, dst1], axis=2)
    idx0 = jnp.pad(idx0, ((0, 0), (0, CPTMAX - CPT_A), (0, 0), (0, 0)))
    idx1 = jnp.pad(idx1, ((0, 0), (0, CPTMAX - CPT_B), (0, 0), (0, 0)))
    idx = jnp.stack([idx0, idx1], axis=0)
    zrow = jnp.zeros((K, D), jnp.float32)

    pre = _tc_call(_pre_body,
                   [(N, D), (D, D), (1, D), (D, D)],
                   [True, False, False, False],
                   [(N, D), (N, D)])
    h, m = pre(x, w1t, b1r, Wg[0])

    gru = _tc_call(_gru_body,
                   [(NC, NPAD, D), (N, D), (D, 3 * D), (D, 3 * D),
                    (1, 3 * D), (1, 3 * D), (D, D)],
                   [True, True, False, False, False, False, False],
                   [(N, D), (N, D)])
    gru_out = _tc_call(_gru_out_body,
                       [(NC, NPAD, D), (N, D), (D, 3 * D), (D, 3 * D),
                        (1, 3 * D), (1, 3 * D), (D, NT), (1, NT)],
                       [True, True, False, False, False, False, False, False],
                       [(N, NT)])

    for i in range(L):
        parts = _sc_scatter(idx, m, zrow)
        if i < L - 1:
            h, m = gru(parts, h, wiht, whht, bihr, bhhr, Wg[i + 1])
        else:
            out = gru_out(parts, h, wiht, whht, bihr, bhhr, w2t, b2r)
    return out.reshape(N, SURF, CEMB)

# --- scband reference (transcript-rebuilt; emitter-appended) ---
"""Pipeline reference for scband-simple-gated-gnn-70540542869535 (READ-ONLY COPY).

The authoritative reference and input builder live on the scoring server;
editing this copy changes nothing except your own understanding.
"""

import jax, jax.numpy as jnp
import numpy as np

N = 10000
E = 320000
D = 128          # node_embedding_dim * linear_layer_multiplier
NT = 128         # node_target_dim = surfaces(4) * combined_emb_dim(32)
L = 3            # gated_layer_count
SURF = 4
CEMB = 32


def _uni(key, shape, fan_in):
    s = 1.0 / np.sqrt(fan_in)
    return jax.random.uniform(key, shape, minval=-s, maxval=s, dtype=jnp.float32)


def setup_inputs(seed: int = 0) -> dict:
    key = jax.random.key(seed)
    ks = jax.random.split(key, 12)
    x = jax.random.normal(ks[0], (N, D), dtype=jnp.float32)
    edge_index = jax.random.randint(ks[1], (2, E), 0, N, dtype=jnp.int32)
    W1 = _uni(ks[2], (D, D), D)
    b1 = _uni(ks[3], (D,), D)
    Wg = _uni(ks[4], (L, D, D), D)           # GatedGraphConv per-layer message weight
    Wih = _uni(ks[5], (3 * D, D), D)          # GRUCell input-hidden
    Whh = _uni(ks[6], (3 * D, D), D)          # GRUCell hidden-hidden
    bih = _uni(ks[7], (3 * D,), D)
    bhh = _uni(ks[8], (3 * D,), D)
    W2 = _uni(ks[9], (NT, D), D)
    b2 = _uni(ks[10], (NT,), D)
    return {"x": x, "edge_index": edge_index, "W1": W1, "b1": b1, "Wg": Wg,
            "Wih": Wih, "Whh": Whh, "bih": bih, "bhh": bhh, "W2": W2, "b2": b2}


def _gru_cell(m, h, Wih, Whh, bih, bhh):
    gi = m @ Wih.T + bih
    gh = h @ Whh.T + bhh
    i_r, i_z, i_n = jnp.split(gi, 3, axis=-1)
    h_r, h_z, h_n = jnp.split(gh, 3, axis=-1)
    r = jax.nn.sigmoid(i_r + h_r)
    z = jax.nn.sigmoid(i_z + h_z)
    n = jnp.tanh(i_n + r * h_n)
    return (1.0 - z) * n + z * h


def reference(x, edge_index, W1, b1, Wg, Wih, Whh, bih, bhh, W2, b2):
    # linear1 (single Linear since linear_count=1) + ReLU
    h = x @ W1.T + b1
    h = jax.nn.relu(h)
    # GatedGraphConv: num_layers of (per-layer linear -> scatter-add over edges -> GRU update)
    src = edge_index[0]
    dst = edge_index[1]
    for i in range(L):
        m = h @ Wg[i]                                 # [N, D]
        msgs = jnp.take(m, src, axis=0)               # gather: [E, D]
        agg = jax.ops.segment_sum(msgs, dst, num_segments=N)  # scatter-add: [N, D]
        h = _gru_cell(agg, h, Wih, Whh, bih, bhh)
    h = jax.nn.relu(h)
    # linear2
    out = h @ W2.T + b2                               # [N, NT]
    return out.reshape(N, SURF, CEMB)

if __name__ == "__main__":
    import jax
    _d = setup_inputs()
    print(jax.jit(kernel)(*tuple(_d.values())))

</pallas_src>

<mosaic_0001>
#map = affine_map<(d0, d1) -> (0, 0, 0, 0, 0)>
#map1 = affine_map<(d0, d1) -> (0, 0)>
#map2 = affine_map<(d0, d1) -> (0, 0, 0)>
module attributes {stable_mosaic.version = 14 : i64} {
  func.func @_sc_body(%arg0: i32, %arg1: i32, %arg2: memref<2x16x129x2x128xi32, #tpu.memory_space<hbm>>, %arg3: memref<10000x128xf32, #tpu.memory_space<hbm>>, %arg4: memref<128x128xf32, #tpu.memory_space<hbm>>, %arg5: memref<2x10008x128xf32, #tpu.memory_space<hbm>>, %arg6: memref<4x2x128xi32, #tpu.memory_space<vmem>>, %arg7: memref<384x128xf32, #tpu.memory_space<vmem>>, %arg8: memref<10008x128xf32, #tpu.memory_space<vmem_shared>>, %arg9: memref<!tpu.dma_semaphore, #tpu.memory_space<semaphore_mem>>, %arg10: memref<!tpu.dma_semaphore, #tpu.memory_space<semaphore_mem>>, %arg11: memref<!tpu.dma_semaphore, #tpu.memory_space<semaphore_mem>>) attributes {dimension_semantics = [#tpu.dimension_semantics<core_parallel>, #tpu.dimension_semantics<subcore_parallel>], iteration_bounds = array<i64: 2, 16>, scalar_prefetch = 0 : i64, scratch_operands = 6 : i64, tpu.core_type = #tpu.core_type<sc_vector_subcore>, window_params = [{transform_indices = #map}, {transform_indices = #map1}, {transform_indices = #map1}, {transform_indices = #map2}]} {
    "tpu.region"() ({
      %run_scoped3A = tpu.sem_alloc : memref<!tpu.dma_semaphore, #tpu.memory_space<semaphore_mem>>
      %dma_start3A_121 = arith.constant 0 : i32
      %dma_start3A_122 = arith.constant 0 : i32
      %dma_start3A_123 = tpu.memref_slice %arg7[%dma_start3A_121, %dma_start3A_122] : memref<384x128xf32, #tpu.memory_space<vmem>> -> memref<128x128xf32, #tpu.memory_space<vmem>>
      %dma_start3A_124 = arith.constant 0 : i32
      %dma_start3A_125 = arith.constant 0 : i32
      %dma_start3A_126 = tpu.memref_slice %arg7[%dma_start3A_124, %dma_start3A_125] : memref<384x128xf32, #tpu.memory_space<vmem>> -> memref<128x128xf32, #tpu.memory_space<vmem>>
      tpu.enqueue_dma source(%arg4 : memref<128x128xf32, #tpu.memory_space<hbm>>) target(%dma_start3A_126 : memref<128x128xf32, #tpu.memory_space<vmem>>) target_semaphore(%run_scoped3A : memref<!tpu.dma_semaphore, #tpu.memory_space<semaphore_mem>>)
      %dma_wait3A_127 = arith.constant 0 : i32
      %dma_wait3A_128 = arith.constant 0 : i32
      %dma_wait3A_129 = tpu.memref_slice %arg7[%dma_wait3A_127, %dma_wait3A_128] : memref<384x128xf32, #tpu.memory_space<vmem>> -> memref<128x128xf32, #tpu.memory_space<vmem>>
      %dma_wait3A_130 = arith.constant 0 : i32
      %dma_wait3A_131 = arith.constant 0 : i32
      %dma_wait3A_132 = tpu.memref_slice %arg7[%dma_wait3A_130, %dma_wait3A_131] : memref<384x128xf32, #tpu.memory_space<vmem>> -> memref<128x128xf32, #tpu.memory_space<vmem>>
      tpu.wait_dma2 semaphore(%run_scoped3A : memref<!tpu.dma_semaphore, #tpu.memory_space<semaphore_mem>>) src(%arg4 : memref<128x128xf32, #tpu.memory_space<hbm>>) dst(%dma_wait3A_132 : memref<128x128xf32, #tpu.memory_space<vmem>>)
      tpu.yield
    }) : () -> ()
    %scan3A = arith.constant 0 : i32
    %scan3A_0 = arith.constant 0 : i32
    %scan3A_1 = arith.constant 4 : i32
    %scan3A_2 = arith.addi %scan3A_0, %scan3A_1 : i32
    %scan3A_3 = arith.constant 1 : i32
    scf.for %scan3A_121 = %scan3A_0 to %scan3A_2 step %scan3A_3  : i32 {
      %mul3A_122 = arith.constant 632 : i32
      %mul3A_123 = arith.muli %arg1, %mul3A_122 : i32
      %mul3A_124 = arith.constant 128 : i32
      %mul3A_125 = arith.muli %scan3A_121, %mul3A_124 : i32
      %add3A = arith.addi %mul3A_123, %mul3A_125 : i32
      "tpu.region"() ({
        %run_scoped3A = tpu.sem_alloc : memref<!tpu.dma_semaphore, #tpu.memory_space<semaphore_mem>>
        %dma_start3A_126 = arith.constant 0 : i32
        %dma_start3A_127 = arith.constant 0 : i32
        %dma_start3A_128 = tpu.memref_slice %arg7[%dma_start3A_126, %dma_start3A_127] : memref<384x128xf32, #tpu.memory_space<vmem>> -> memref<128x128xf32, #tpu.memory_space<vmem>>
        %dma_start3A_129 = arith.constant 0 : i32
        %dma_start3A_130 = tpu.memref_slice %arg8[%add3A, %dma_start3A_129] : memref<10008x128xf32, #tpu.memory_space<vmem_shared>> -> memref<128x128xf32, #tpu.memory_space<vmem_shared>>
        %dma_start3A_131 = arith.constant 0 : i32
        %dma_start3A_132 = tpu.memref_slice %arg8[%add3A, %dma_start3A_131] : memref<10008x128xf32, #tpu.memory_space<vmem_shared>> -> memref<128x128xf32, #tpu.memory_space<vmem_shared>>
        %dma_start3A_133 = arith.constant 0 : i32
        %dma_start3A_134 = arith.constant 0 : i32
        %dma_start3A_135 = tpu.memref_slice %arg7[%dma_start3A_133, %dma_start3A_134] : memref<384x128xf32, #tpu.memory_space<vmem>> -> memref<128x128xf32, #tpu.memory_space<vmem>>
        tpu.enqueue_dma source(%dma_start3A_135 : memref<128x128xf32, #tpu.memory_space<vmem>>) target(%dma_start3A_132 : memref<128x128xf32, #tpu.memory_space<vmem_shared>>) target_semaphore(%run_scoped3A : memref<!tpu.dma_semaphore, #tpu.memory_space<semaphore_mem>>)
        %dma_wait3A_136 = arith.constant 0 : i32
        %dma_wait3A_137 = arith.constant 0 : i32
        %dma_wait3A_138 = tpu.memref_slice %arg7[%dma_wait3A_136, %dma_wait3A_137] : memref<384x128xf32, #tpu.memory_space<vmem>> -> memref<128x128xf32, #tpu.memory_space<vmem>>
        %dma_wait3A_139 = arith.constant 0 : i32
        %dma_wait3A_140 = tpu.memref_slice %arg8[%add3A, %dma_wait3A_139] : memref<10008x128xf32, #tpu.memory_space<vmem_shared>> -> memref<128x128xf32, #tpu.memory_space<vmem_shared>>
        %dma_wait3A_141 = arith.constant 0 : i32
        %dma_wait3A_142 = tpu.memref_slice %arg8[%add3A, %dma_wait3A_141] : memref<10008x128xf32, #tpu.memory_space<vmem_shared>> -> memref<128x128xf32, #tpu.memory_space<vmem_shared>>
        %dma_wait3A_143 = arith.constant 0 : i32
        %dma_wait3A_144 = arith.constant 0 : i32
        %dma_wait3A_145 = tpu.memref_slice %arg7[%dma_wait3A_143, %dma_wait3A_144] : memref<384x128xf32, #tpu.memory_space<vmem>> -> memref<128x128xf32, #tpu.memory_space<vmem>>
        tpu.wait_dma2 semaphore(%run_scoped3A : memref<!tpu.dma_semaphore, #tpu.memory_space<semaphore_mem>>) src(%dma_wait3A_145 : memref<128x128xf32, #tpu.memory_space<vmem>>) dst(%dma_wait3A_142 : memref<128x128xf32, #tpu.memory_space<vmem_shared>>)
        tpu.yield
      }) : () -> ()
    }
    %scan3A_4 = arith.constant 4 : i32
    %lt3A = arith.constant 15 : i32
    %lt3A_5 = arith.cmpi slt, %arg1, %lt3A : i32
    %convert_element_type3A = arith.extui %lt3A_5 : i1 to i32
    %cond3A = arith.constant 0 : i32
    %cond3A_6 = arith.cmpi ne, %convert_element_type3A, %cond3A : i32
    scf.if %cond3A_6 {
      %mul3A_121 = arith.constant 632 : i32
      %mul3A_122 = arith.muli %arg1, %mul3A_121 : i32
      %add3A = arith.constant 632 : i32
      %add3A_123 = arith.addi %mul3A_122, %add3A : i32
      %sub3A_124 = arith.constant 120 : i32
      %sub3A_125 = arith.subi %add3A_123, %sub3A_124 : i32
      "tpu.region"() ({
        %run_scoped3A = tpu.sem_alloc : memref<!tpu.dma_semaphore, #tpu.memory_space<semaphore_mem>>
        %dma_start3A_126 = arith.constant 0 : i32
        %dma_start3A_127 = arith.constant 0 : i32
        %dma_start3A_128 = tpu.memref_slice %arg7[%dma_start3A_126, %dma_start3A_127] : memref<384x128xf32, #tpu.memory_space<vmem>> -> memref<120x128xf32, #tpu.memory_space<vmem>>
        %dma_start3A_129 = arith.constant 0 : i32
        %dma_start3A_130 = tpu.memref_slice %arg8[%sub3A_125, %dma_start3A_129] : memref<10008x128xf32, #tpu.memory_space<vmem_shared>> -> memref<120x128xf32, #tpu.memory_space<vmem_shared>>
        %dma_start3A_131 = arith.constant 0 : i32
        %dma_start3A_132 = tpu.memref_slice %arg8[%sub3A_125, %dma_start3A_131] : memref<10008x128xf32, #tpu.memory_space<vmem_shared>> -> memref<120x128xf32, #tpu.memory_space<vmem_shared>>
        %dma_start3A_133 = arith.constant 0 : i32
        %dma_start3A_134 = arith.constant 0 : i32
        %dma_start3A_135 = tpu.memref_slice %arg7[%dma_start3A_133, %dma_start3A_134] : memref<384x128xf32, #tpu.memory_space<vmem>> -> memref<120x128xf32, #tpu.memory_space<vmem>>
        tpu.enqueue_dma source(%dma_start3A_135 : memref<120x128xf32, #tpu.memory_space<vmem>>) target(%dma_start3A_132 : memref<120x128xf32, #tpu.memory_space<vmem_shared>>) target_semaphore(%run_scoped3A : memref<!tpu.dma_semaphore, #tpu.memory_space<semaphore_mem>>)
        %dma_wait3A_136 = arith.constant 0 : i32
        %dma_wait3A_137 = arith.constant 0 : i32
        %dma_wait3A_138 = tpu.memref_slice %arg7[%dma_wait3A_136, %dma_wait3A_137] : memref<384x128xf32, #tpu.memory_space<vmem>> -> memref<120x128xf32, #tpu.memory_space<vmem>>
        %dma_wait3A_139 = arith.constant 0 : i32
        %dma_wait3A_140 = tpu.memref_slice %arg8[%sub3A_125, %dma_wait3A_139] : memref<10008x128xf32, #tpu.memory_space<vmem_shared>> -> memref<120x128xf32, #tpu.memory_space<vmem_shared>>
        %dma_wait3A_141 = arith.constant 0 : i32
        %dma_wait3A_142 = tpu.memref_slice %arg8[%sub3A_125, %dma_wait3A_141] : memref<10008x128xf32, #tpu.memory_space<vmem_shared>> -> memref<120x128xf32, #tpu.memory_space<vmem_shared>>
        %dma_wait3A_143 = arith.constant 0 : i32
        %dma_wait3A_144 = arith.constant 0 : i32
        %dma_wait3A_145 = tpu.memref_slice %arg7[%dma_wait3A_143, %dma_wait3A_144] : memref<384x128xf32, #tpu.memory_space<vmem>> -> memref<120x128xf32, #tpu.memory_space<vmem>>
        tpu.wait_dma2 semaphore(%run_scoped3A : memref<!tpu.dma_semaphore, #tpu.memory_space<semaphore_mem>>) src(%dma_wait3A_145 : memref<120x128xf32, #tpu.memory_space<vmem>>) dst(%dma_wait3A_142 : memref<120x128xf32, #tpu.memory_space<vmem_shared>>)
        tpu.yield
      }) : () -> ()
    } else {
    }
    %eq3A = arith.constant 15 : i32
    %eq3A_7 = arith.cmpi eq, %arg1, %eq3A : i32
    %convert_element_type3A_8 = arith.extui %eq3A_7 : i1 to i32
    %cond3A_9 = arith.constant 0 : i32
    %cond3A_10 = arith.cmpi ne, %convert_element_type3A_8, %cond3A_9 : i32
    scf.if %cond3A_10 {
      %mul3A_121 = arith.constant 632 : i32
      %mul3A_122 = arith.muli %arg1, %mul3A_121 : i32
      %add3A = arith.constant 528 : i32
      %add3A_123 = arith.addi %mul3A_122, %add3A : i32
      %sub3A_124 = arith.constant 16 : i32
      %sub3A_125 = arith.subi %add3A_123, %sub3A_124 : i32
      "tpu.region"() ({
        %run_scoped3A = tpu.sem_alloc : memref<!tpu.dma_semaphore, #tpu.memory_space<semaphore_mem>>
        %dma_start3A_126 = arith.constant 0 : i32
        %dma_start3A_127 = arith.constant 0 : i32
        %dma_start3A_128 = tpu.memref_slice %arg7[%dma_start3A_126, %dma_start3A_127] : memref<384x128xf32, #tpu.memory_space<vmem>> -> memref<16x128xf32, #tpu.memory_space<vmem>>
        %dma_start3A_129 = arith.constant 0 : i32
        %dma_start3A_130 = tpu.memref_slice %arg8[%sub3A_125, %dma_start3A_129] : memref<10008x128xf32, #tpu.memory_space<vmem_shared>> -> memref<16x128xf32, #tpu.memory_space<vmem_shared>>
        %dma_start3A_131 = arith.constant 0 : i32
        %dma_start3A_132 = tpu.memref_slice %arg8[%sub3A_125, %dma_start3A_131] : memref<10008x128xf32, #tpu.memory_space<vmem_shared>> -> memref<16x128xf32, #tpu.memory_space<vmem_shared>>
        %dma_start3A_133 = arith.constant 0 : i32
        %dma_start3A_134 = arith.constant 0 : i32
        %dma_start3A_135 = tpu.memref_slice %arg7[%dma_start3A_133, %dma_start3A_134] : memref<384x128xf32, #tpu.memory_space<vmem>> -> memref<16x128xf32, #tpu.memory_space<vmem>>
        tpu.enqueue_dma source(%dma_start3A_135 : memref<16x128xf32, #tpu.memory_space<vmem>>) target(%dma_start3A_132 : memref<16x128xf32, #tpu.memory_space<vmem_shared>>) target_semaphore(%run_scoped3A : memref<!tpu.dma_semaphore, #tpu.memory_space<semaphore_mem>>)
        %dma_wait3A_136 = arith.constant 0 : i32
        %dma_wait3A_137 = arith.constant 0 : i32
        %dma_wait3A_138 = tpu.memref_slice %arg7[%dma_wait3A_136, %dma_wait3A_137] : memref<384x128xf32, #tpu.memory_space<vmem>> -> memref<16x128xf32, #tpu.memory_space<vmem>>
        %dma_wait3A_139 = arith.constant 0 : i32
        %dma_wait3A_140 = tpu.memref_slice %arg8[%sub3A_125, %dma_wait3A_139] : memref<10008x128xf32, #tpu.memory_space<vmem_shared>> -> memref<16x128xf32, #tpu.memory_space<vmem_shared>>
        %dma_wait3A_141 = arith.constant 0 : i32
        %dma_wait3A_142 = tpu.memref_slice %arg8[%sub3A_125, %dma_wait3A_141] : memref<10008x128xf32, #tpu.memory_space<vmem_shared>> -> memref<16x128xf32, #tpu.memory_space<vmem_shared>>
        %dma_wait3A_143 = arith.constant 0 : i32
        %dma_wait3A_144 = arith.constant 0 : i32
        %dma_wait3A_145 = tpu.memref_slice %arg7[%dma_wait3A_143, %dma_wait3A_144] : memref<384x128xf32, #tpu.memory_space<vmem>> -> memref<16x128xf32, #tpu.memory_space<vmem>>
        tpu.wait_dma2 semaphore(%run_scoped3A : memref<!tpu.dma_semaphore, #tpu.memory_space<semaphore_mem>>) src(%dma_wait3A_145 : memref<16x128xf32, #tpu.memory_space<vmem>>) dst(%dma_wait3A_142 : memref<16x128xf32, #tpu.memory_space<vmem_shared>>)
        tpu.yield
      }) : () -> ()
    } else {
    }
    %barrier3A = arith.constant 0 : index
    tpu.barrier barrier_id(%barrier3A)
    %eq3A_11 = arith.constant 0 : i32
    %eq3A_12 = arith.cmpi eq, %arg0, %eq3A_11 : i32
    %jit3A = arith.constant 28 : i32
    %jit3A_13 = arith.constant 129 : i32
    %select_n3A = arith.select %eq3A_12, %jit3A, %jit3A_13 : i32
    %scan3A_14 = arith.constant 0 : i32
    %scan3A_15 = arith.constant 0 : i32
    %scan3A_16 = arith.constant 3 : i32
    %scan3A_17 = arith.addi %scan3A_15, %scan3A_16 : i32
    %scan3A_18 = arith.constant 1 : i32
    scf.for %scan3A_121 = %scan3A_15 to %scan3A_17 step %scan3A_18  : i32 {
      %rem3A_122 = arith.constant 4 : i32
      %rem3A_123 = arith.remsi %scan3A_121, %rem3A_122 : i32
      %dma_start3A_124 = arith.constant 0 : i32
      %dma_start3A_125 = arith.constant 0 : i32
      %dma_start3A_126 = tpu.memref_slice %arg6[%rem3A_123, %dma_start3A_124, %dma_start3A_125] : memref<4x2x128xi32, #tpu.memory_space<vmem>> -> memref<1x2x128xi32, #tpu.memory_space<vmem>>
      %dma_start3A_127 = tpu.memref_squeeze %dma_start3A_126 : memref<1x2x128xi32, #tpu.memory_space<vmem>> -> memref<2x128xi32, #tpu.memory_space<vmem>>
      %dma_start3A_128 = arith.constant 0 : i32
      %dma_start3A_129 = arith.constant 0 : i32
      %dma_start3A_130 = tpu.memref_slice %arg2[%arg0, %arg1, %scan3A_121, %dma_start3A_128, %dma_start3A_129] : memref<2x16x129x2x128xi32, #tpu.memory_space<hbm>> -> memref<1x1x1x2x128xi32, #tpu.memory_space<hbm>>
      %dma_start3A_131 = tpu.memref_squeeze %dma_start3A_130 : memref<1x1x1x2x128xi32, #tpu.memory_space<hbm>> -> memref<2x128xi32, #tpu.memory_space<hbm>>
      %dma_start3A_132 = arith.constant 0 : i32
      %dma_start3A_133 = arith.constant 0 : i32
      %dma_start3A_134 = tpu.memref_slice %arg6[%rem3A_123, %dma_start3A_132, %dma_start3A_133] : memref<4x2x128xi32, #tpu.memory_space<vmem>> -> memref<1x2x128xi32, #tpu.memory_space<vmem>>
      %dma_start3A_135 = tpu.memref_squeeze %dma_start3A_134 : memref<1x2x128xi32, #tpu.memory_space<vmem>> -> memref<2x128xi32, #tpu.memory_space<vmem>>
      %dma_start3A_136 = arith.constant 0 : i32
      %dma_start3A_137 = arith.constant 0 : i32
      %dma_start3A_138 = tpu.memref_slice %arg2[%arg0, %arg1, %scan3A_121, %dma_start3A_136, %dma_start3A_137] : memref<2x16x129x2x128xi32, #tpu.memory_space<hbm>> -> memref<1x1x1x2x128xi32, #tpu.memory_space<hbm>>
      %dma_start3A_139 = tpu.memref_squeeze %dma_start3A_138 : memref<1x1x1x2x128xi32, #tpu.memory_space<hbm>> -> memref<2x128xi32, #tpu.memory_space<hbm>>
      tpu.enqueue_dma source(%dma_start3A_139 : memref<2x128xi32, #tpu.memory_space<hbm>>) target(%dma_start3A_135 : memref<2x128xi32, #tpu.memory_space<vmem>>) target_semaphore(%arg9 : memref<!tpu.dma_semaphore, #tpu.memory_space<semaphore_mem>>)
    }
    %scan3A_19 = arith.constant 3 : i32
    %dma_wait3A = arith.constant 0 : i32
    %dma_wait3A_20 = arith.constant 0 : i32
    %dma_wait3A_21 = arith.constant 0 : i32
    %dma_wait3A_22 = arith.constant 0 : i32
    %dma_wait3A_23 = tpu.memref_slice %arg6[%dma_wait3A_20, %dma_wait3A_21, %dma_wait3A_22] : memref<4x2x128xi32, #tpu.memory_space<vmem>> -> memref<1x2x128xi32, #tpu.memory_space<vmem>>
    %dma_wait3A_24 = tpu.memref_squeeze %dma_wait3A_23 : memref<1x2x128xi32, #tpu.memory_space<vmem>> -> memref<2x128xi32, #tpu.memory_space<vmem>>
    %dma_wait3A_25 = arith.constant 0 : i32
    %dma_wait3A_26 = arith.constant 0 : i32
    %dma_wait3A_27 = tpu.memref_slice %arg2[%arg0, %arg1, %dma_wait3A, %dma_wait3A_25, %dma_wait3A_26] : memref<2x16x129x2x128xi32, #tpu.memory_space<hbm>> -> memref<1x1x1x2x128xi32, #tpu.memory_space<hbm>>
    %dma_wait3A_28 = tpu.memref_squeeze %dma_wait3A_27 : memref<1x1x1x2x128xi32, #tpu.memory_space<hbm>> -> memref<2x128xi32, #tpu.memory_space<hbm>>
    %dma_wait3A_29 = arith.constant 0 : i32
    %dma_wait3A_30 = arith.constant 0 : i32
    %dma_wait3A_31 = tpu.memref_slice %arg6[%dma_wait3A_20, %dma_wait3A_29, %dma_wait3A_30] : memref<4x2x128xi32, #tpu.memory_space<vmem>> -> memref<1x2x128xi32, #tpu.memory_space<vmem>>
    %dma_wait3A_32 = tpu.memref_squeeze %dma_wait3A_31 : memref<1x2x128xi32, #tpu.memory_space<vmem>> -> memref<2x128xi32, #tpu.memory_space<vmem>>
    %dma_wait3A_33 = arith.constant 0 : i32
    %dma_wait3A_34 = arith.constant 0 : i32
    %dma_wait3A_35 = tpu.memref_slice %arg2[%arg0, %arg1, %dma_wait3A, %dma_wait3A_33, %dma_wait3A_34] : memref<2x16x129x2x128xi32, #tpu.memory_space<hbm>> -> memref<1x1x1x2x128xi32, #tpu.memory_space<hbm>>
    %dma_wait3A_36 = tpu.memref_squeeze %dma_wait3A_35 : memref<1x1x1x2x128xi32, #tpu.memory_space<hbm>> -> memref<2x128xi32, #tpu.memory_space<hbm>>
    tpu.wait_dma2 semaphore(%arg9 : memref<!tpu.dma_semaphore, #tpu.memory_space<semaphore_mem>>) src(%dma_wait3A_36 : memref<2x128xi32, #tpu.memory_space<hbm>>) dst(%dma_wait3A_32 : memref<2x128xi32, #tpu.memory_space<vmem>>)
    %dma_wait3A_37 = arith.constant 0 : i32
    %dma_wait3A_38 = arith.constant 0 : i32
    %dma_wait3A_39 = arith.constant 0 : i32
    %dma_wait3A_40 = arith.constant 0 : i32
    %dma_wait3A_41 = tpu.memref_slice %arg6[%dma_wait3A_38, %dma_wait3A_39, %dma_wait3A_40] : memref<4x2x128xi32, #tpu.memory_space<vmem>> -> memref<1x2x128xi32, #tpu.memory_space<vmem>>
    %dma_wait3A_42 = tpu.memref_squeeze %dma_wait3A_41 : memref<1x2x128xi32, #tpu.memory_space<vmem>> -> memref<2x128xi32, #tpu.memory_space<vmem>>
    %dma_wait3A_43 = arith.constant 0 : i32
    %dma_wait3A_44 = arith.constant 0 : i32
    %dma_wait3A_45 = tpu.memref_slice %arg2[%arg0, %arg1, %dma_wait3A_37, %dma_wait3A_43, %dma_wait3A_44] : memref<2x16x129x2x128xi32, #tpu.memory_space<hbm>> -> memref<1x1x1x2x128xi32, #tpu.memory_space<hbm>>
    %dma_wait3A_46 = tpu.memref_squeeze %dma_wait3A_45 : memref<1x1x1x2x128xi32, #tpu.memory_space<hbm>> -> memref<2x128xi32, #tpu.memory_space<hbm>>
    %dma_wait3A_47 = arith.constant 0 : i32
    %dma_wait3A_48 = arith.constant 0 : i32
    %dma_wait3A_49 = tpu.memref_slice %arg6[%dma_wait3A_38, %dma_wait3A_47, %dma_wait3A_48] : memref<4x2x128xi32, #tpu.memory_space<vmem>> -> memref<1x2x128xi32, #tpu.memory_space<vmem>>
    %dma_wait3A_50 = tpu.memref_squeeze %dma_wait3A_49 : memref<1x2x128xi32, #tpu.memory_space<vmem>> -> memref<2x128xi32, #tpu.memory_space<vmem>>
    %dma_wait3A_51 = arith.constant 0 : i32
    %dma_wait3A_52 = arith.constant 0 : i32
    %dma_wait3A_53 = tpu.memref_slice %arg2[%arg0, %arg1, %dma_wait3A_37, %dma_wait3A_51, %dma_wait3A_52] : memref<2x16x129x2x128xi32, #tpu.memory_space<hbm>> -> memref<1x1x1x2x128xi32, #tpu.memory_space<hbm>>
    %dma_wait3A_54 = tpu.memref_squeeze %dma_wait3A_53 : memref<1x1x1x2x128xi32, #tpu.memory_space<hbm>> -> memref<2x128xi32, #tpu.memory_space<hbm>>
    tpu.wait_dma2 semaphore(%arg9 : memref<!tpu.dma_semaphore, #tpu.memory_space<semaphore_mem>>) src(%dma_wait3A_54 : memref<2x128xi32, #tpu.memory_space<hbm>>) dst(%dma_wait3A_50 : memref<2x128xi32, #tpu.memory_space<vmem>>)
    %rem3A = arith.constant 0 : i32
    %rem3A_55 = arith.constant 4 : i32
    %rem3A_56 = arith.remsi %rem3A, %rem3A_55 : i32
    %rem3A_57 = arith.constant 0 : i32
    %rem3A_58 = arith.constant 3 : i32
    %rem3A_59 = arith.remsi %rem3A_57, %rem3A_58 : i32
    %mul3A = arith.constant 128 : i32
    %mul3A_60 = arith.muli %rem3A_59, %mul3A : i32
    %dma_start3A = arith.constant 0 : i32
    %dma_start3A_61 = arith.constant 0 : i32
    %dma_start3A_62 = tpu.memref_slice %arg7[%mul3A_60, %dma_start3A_61] : memref<384x128xf32, #tpu.memory_space<vmem>> -> memref<128x128xf32, #tpu.memory_space<vmem>>
    %dma_start3A_63 = arith.constant 0 : i32
    %dma_start3A_64 = tpu.memref_slice %arg6[%rem3A_56, %dma_start3A, %dma_start3A_63] : memref<4x2x128xi32, #tpu.memory_space<vmem>> -> memref<1x1x128xi32, #tpu.memory_space<vmem>>
    %dma_start3A_65 = tpu.memref_squeeze %dma_start3A_64 : memref<1x1x128xi32, #tpu.memory_space<vmem>> -> memref<128xi32, #tpu.memory_space<vmem>>
    %dma_start3A_66 = arith.constant 0 : i32
    %dma_start3A_67 = arith.constant 0 : i32
    %dma_start3A_68 = tpu.memref_slice %arg3[%dma_start3A_66, %dma_start3A_67] : memref<10000x128xf32, #tpu.memory_space<hbm>> -> memref<10000x128xf32, #tpu.memory_space<hbm>>
    tpu.enqueue_indirect_dma source(%dma_start3A_68 : memref<10000x128xf32, #tpu.memory_space<hbm>>) target(%dma_start3A_62 : memref<128x128xf32, #tpu.memory_space<vmem>>) offsets(%dma_start3A_65 : memref<128xi32, #tpu.memory_space<vmem>>) semaphore(%arg10 : memref<!tpu.dma_semaphore, #tpu.memory_space<semaphore_mem>>)
    %rem3A_69 = arith.constant 1 : i32
    %rem3A_70 = arith.constant 4 : i32
    %rem3A_71 = arith.remsi %rem3A_69, %rem3A_70 : i32
    %rem3A_72 = arith.constant 1 : i32
    %rem3A_73 = arith.constant 3 : i32
    %rem3A_74 = arith.remsi %rem3A_72, %rem3A_73 : i32
    %mul3A_75 = arith.constant 128 : i32
    %mul3A_76 = arith.muli %rem3A_74, %mul3A_75 : i32
    %dma_start3A_77 = arith.constant 0 : i32
    %dma_start3A_78 = arith.constant 0 : i32
    %dma_start3A_79 = tpu.memref_slice %arg7[%mul3A_76, %dma_start3A_78] : memref<384x128xf32, #tpu.memory_space<vmem>> -> memref<128x128xf32, #tpu.memory_space<vmem>>
    %dma_start3A_80 = arith.constant 0 : i32
    %dma_start3A_81 = tpu.memref_slice %arg6[%rem3A_71, %dma_start3A_77, %dma_start3A_80] : memref<4x2x128xi32, #tpu.memory_space<vmem>> -> memref<1x1x128xi32, #tpu.memory_space<vmem>>
    %dma_start3A_82 = tpu.memref_squeeze %dma_start3A_81 : memref<1x1x128xi32, #tpu.memory_space<vmem>> -> memref<128xi32, #tpu.memory_space<vmem>>
    %dma_start3A_83 = arith.constant 0 : i32
    %dma_start3A_84 = arith.constant 0 : i32
    %dma_start3A_85 = tpu.memref_slice %arg3[%dma_start3A_83, %dma_start3A_84] : memref<10000x128xf32, #tpu.memory_space<hbm>> -> memref<10000x128xf32, #tpu.memory_space<hbm>>
    tpu.enqueue_indirect_dma source(%dma_start3A_85 : memref<10000x128xf32, #tpu.memory_space<hbm>>) target(%dma_start3A_79 : memref<128x128xf32, #tpu.memory_space<vmem>>) offsets(%dma_start3A_82 : memref<128xi32, #tpu.memory_space<vmem>>) semaphore(%arg10 : memref<!tpu.dma_semaphore, #tpu.memory_space<semaphore_mem>>)
    %while3A = arith.constant 0 : i32
    %while3A_86 = arith.constant 0 : i32
    %while3A_87 = arith.subi %select_n3A, %while3A_86 : i32
    %while3A_88 = arith.addi %while3A_86, %while3A_87 : i32
    %while3A_89 = arith.constant 1 : i32
    %while3A_90 = arith.divsi %while3A_87, %while3A_89 : i32
    %while3A_91 = arith.muli %while3A_90, %while3A_89 : i32
    %while3A_92 = arith.addi %while3A_86, %while3A_91 : i32
    %while3A_93 = arith.constant 1 : i32
    scf.for %while3A_121 = %while3A_86 to %while3A_92 step %while3A_93  : i32 {
      %rem3A_122 = arith.constant 3 : i32
      %rem3A_123 = arith.remsi %while3A_121, %rem3A_122 : i32
      %mul3A_124 = arith.constant 128 : i32
      %mul3A_125 = arith.muli %rem3A_123, %mul3A_124 : i32
      %ge3A = arith.constant 1 : i32
      %ge3A_126 = arith.cmpi sge, %while3A_121, %ge3A : i32
      %convert_element_type3A_127 = arith.extui %ge3A_126 : i1 to i32
      %cond3A_128 = arith.constant 0 : i32
      %cond3A_129 = arith.cmpi ne, %convert_element_type3A_127, %cond3A_128 : i32
      scf.if %cond3A_129 {
        %add3A_164 = arith.constant 2 : i32
        %add3A_165 = arith.addi %while3A_121, %add3A_164 : i32
        %rem3A_166 = arith.constant 3 : i32
        %rem3A_167 = arith.remsi %add3A_165, %rem3A_166 : i32
        %mul3A_168 = arith.constant 128 : i32
        %mul3A_169 = arith.muli %rem3A_167, %mul3A_168 : i32
        %dma_wait3A_170 = arith.constant 0 : i32
        %dma_wait3A_171 = tpu.memref_slice %arg7[%mul3A_169, %dma_wait3A_170] : memref<384x128xf32, #tpu.memory_space<vmem>> -> memref<128x128xf32, #tpu.memory_space<vmem>>
        %dma_wait3A_172 = arith.constant 0 : i32
        %dma_wait3A_173 = arith.constant 0 : i32
        %dma_wait3A_174 = tpu.memref_slice %arg3[%dma_wait3A_172, %dma_wait3A_173] : memref<10000x128xf32, #tpu.memory_space<hbm>> -> memref<128x128xf32, #tpu.memory_space<hbm>>
        %dma_wait3A_175 = arith.constant 0 : i32
        %dma_wait3A_176 = tpu.memref_slice %arg7[%mul3A_169, %dma_wait3A_175] : memref<384x128xf32, #tpu.memory_space<vmem>> -> memref<128x128xf32, #tpu.memory_space<vmem>>
        %dma_wait3A_177 = arith.constant 0 : i32
        %dma_wait3A_178 = arith.constant 0 : i32
        %dma_wait3A_179 = tpu.memref_slice %arg3[%dma_wait3A_177, %dma_wait3A_178] : memref<10000x128xf32, #tpu.memory_space<hbm>> -> memref<128x128xf32, #tpu.memory_space<hbm>>
        tpu.wait_dma2 semaphore(%arg11 : memref<!tpu.dma_semaphore, #tpu.memory_space<semaphore_mem>>) src(%dma_wait3A_179 : memref<128x128xf32, #tpu.memory_space<hbm>>) dst(%dma_wait3A_176 : memref<128x128xf32, #tpu.memory_space<vmem>>)
      } else {
      }
      %add3A = arith.constant 4 : i32
      %add3A_130 = arith.addi %while3A_121, %add3A : i32
      %sub3A_131 = arith.constant 1 : i32
      %sub3A_132 = arith.subi %add3A_130, %sub3A_131 : i32
      %lt3A_133 = arith.cmpi slt, %sub3A_132, %select_n3A : i32
      %convert_element_type3A_134 = arith.extui %lt3A_133 : i1 to i32
      %cond3A_135 = arith.constant 0 : i32
      %cond3A_136 = arith.cmpi ne, %convert_element_type3A_134, %cond3A_135 : i32
      scf.if %cond3A_136 {
        %add3A_164 = arith.constant 4 : i32
        %add3A_165 = arith.addi %while3A_121, %add3A_164 : i32
        %sub3A_166 = arith.constant 1 : i32
        %sub3A_167 = arith.subi %add3A_165, %sub3A_166 : i32
        %rem3A_168 = arith.constant 4 : i32
        %rem3A_169 = arith.remsi %sub3A_167, %rem3A_168 : i32
        %dma_start3A_170 = arith.constant 0 : i32
        %dma_start3A_171 = arith.constant 0 : i32
        %dma_start3A_172 = tpu.memref_slice %arg6[%rem3A_169, %dma_start3A_170, %dma_start3A_171] : memref<4x2x128xi32, #tpu.memory_space<vmem>> -> memref<1x2x128xi32, #tpu.memory_space<vmem>>
        %dma_start3A_173 = tpu.memref_squeeze %dma_start3A_172 : memref<1x2x128xi32, #tpu.memory_space<vmem>> -> memref<2x128xi32, #tpu.memory_space<vmem>>
        %dma_start3A_174 = arith.constant 0 : i32
        %dma_start3A_175 = arith.constant 0 : i32
        %dma_start3A_176 = tpu.memref_slice %arg2[%arg0, %arg1, %sub3A_167, %dma_start3A_174, %dma_start3A_175] : memref<2x16x129x2x128xi32, #tpu.memory_space<hbm>> -> memref<1x1x1x2x128xi32, #tpu.memory_space<hbm>>
        %dma_start3A_177 = tpu.memref_squeeze %dma_start3A_176 : memref<1x1x1x2x128xi32, #tpu.memory_space<hbm>> -> memref<2x128xi32, #tpu.memory_space<hbm>>
        %dma_start3A_178 = arith.constant 0 : i32
        %dma_start3A_179 = arith.constant 0 : i32
        %dma_start3A_180 = tpu.memref_slice %arg6[%rem3A_169, %dma_start3A_178, %dma_start3A_179] : memref<4x2x128xi32, #tpu.memory_space<vmem>> -> memref<1x2x128xi32, #tpu.memory_space<vmem>>
        %dma_start3A_181 = tpu.memref_squeeze %dma_start3A_180 : memref<1x2x128xi32, #tpu.memory_space<vmem>> -> memref<2x128xi32, #tpu.memory_space<vmem>>
        %dma_start3A_182 = arith.constant 0 : i32
        %dma_start3A_183 = arith.constant 0 : i32
        %dma_start3A_184 = tpu.memref_slice %arg2[%arg0, %arg1, %sub3A_167, %dma_start3A_182, %dma_start3A_183] : memref<2x16x129x2x128xi32, #tpu.memory_space<hbm>> -> memref<1x1x1x2x128xi32, #tpu.memory_space<hbm>>
        %dma_start3A_185 = tpu.memref_squeeze %dma_start3A_184 : memref<1x1x1x2x128xi32, #tpu.memory_space<hbm>> -> memref<2x128xi32, #tpu.memory_space<hbm>>
        tpu.enqueue_dma source(%dma_start3A_185 : memref<2x128xi32, #tpu.memory_space<hbm>>) target(%dma_start3A_181 : memref<2x128xi32, #tpu.memory_space<vmem>>) target_semaphore(%arg9 : memref<!tpu.dma_semaphore, #tpu.memory_space<semaphore_mem>>)
      } else {
      }
      %add3A_137 = arith.constant 2 : i32
      %add3A_138 = arith.addi %while3A_121, %add3A_137 : i32
      %lt3A_139 = arith.cmpi slt, %add3A_138, %select_n3A : i32
      %convert_element_type3A_140 = arith.extui %lt3A_139 : i1 to i32
      %cond3A_141 = arith.constant 0 : i32
      %cond3A_142 = arith.cmpi ne, %convert_element_type3A_140, %cond3A_141 : i32
      scf.if %cond3A_142 {
        %dma_wait3A_164 = arith.constant 0 : i32
        %dma_wait3A_165 = arith.constant 0 : i32
        %dma_wait3A_166 = arith.constant 0 : i32
        %dma_wait3A_167 = arith.constant 0 : i32
        %dma_wait3A_168 = tpu.memref_slice %arg6[%dma_wait3A_165, %dma_wait3A_166, %dma_wait3A_167] : memref<4x2x128xi32, #tpu.memory_space<vmem>> -> memref<1x2x128xi32, #tpu.memory_space<vmem>>
        %dma_wait3A_169 = tpu.memref_squeeze %dma_wait3A_168 : memref<1x2x128xi32, #tpu.memory_space<vmem>> -> memref<2x128xi32, #tpu.memory_space<vmem>>
        %dma_wait3A_170 = arith.constant 0 : i32
        %dma_wait3A_171 = arith.constant 0 : i32
        %dma_wait3A_172 = tpu.memref_slice %arg2[%arg0, %arg1, %dma_wait3A_164, %dma_wait3A_170, %dma_wait3A_171] : memref<2x16x129x2x128xi32, #tpu.memory_space<hbm>> -> memref<1x1x1x2x128xi32, #tpu.memory_space<hbm>>
        %dma_wait3A_173 = tpu.memref_squeeze %dma_wait3A_172 : memref<1x1x1x2x128xi32, #tpu.memory_space<hbm>> -> memref<2x128xi32, #tpu.memory_space<hbm>>
        %dma_wait3A_174 = arith.constant 0 : i32
        %dma_wait3A_175 = arith.constant 0 : i32
        %dma_wait3A_176 = tpu.memref_slice %arg6[%dma_wait3A_165, %dma_wait3A_174, %dma_wait3A_175] : memref<4x2x128xi32, #tpu.memory_space<vmem>> -> memref<1x2x128xi32, #tpu.memory_space<vmem>>
        %dma_wait3A_177 = tpu.memref_squeeze %dma_wait3A_176 : memref<1x2x128xi32, #tpu.memory_space<vmem>> -> memref<2x128xi32, #tpu.memory_space<vmem>>
        %dma_wait3A_178 = arith.constant 0 : i32
        %dma_wait3A_179 = arith.constant 0 : i32
        %dma_wait3A_180 = tpu.memref_slice %arg2[%arg0, %arg1, %dma_wait3A_164, %dma_wait3A_178, %dma_wait3A_179] : memref<2x16x129x2x128xi32, #tpu.memory_space<hbm>> -> memref<1x1x1x2x128xi32, #tpu.memory_space<hbm>>
        %dma_wait3A_181 = tpu.memref_squeeze %dma_wait3A_180 : memref<1x1x1x2x128xi32, #tpu.memory_space<hbm>> -> memref<2x128xi32, #tpu.memory_space<hbm>>
        tpu.wait_dma2 semaphore(%arg9 : memref<!tpu.dma_semaphore, #tpu.memory_space<semaphore_mem>>) src(%dma_wait3A_181 : memref<2x128xi32, #tpu.memory_space<hbm>>) dst(%dma_wait3A_177 : memref<2x128xi32, #tpu.memory_space<vmem>>)
        %add3A_182 = arith.constant 2 : i32
        %add3A_183 = arith.addi %while3A_121, %add3A_182 : i32
        %rem3A_184 = arith.constant 4 : i32
        %rem3A_185 = arith.remsi %add3A_183, %rem3A_184 : i32
        %rem3A_186 = arith.constant 3 : i32
        %rem3A_187 = arith.remsi %add3A_183, %rem3A_186 : i32
        %mul3A_188 = arith.constant 128 : i32
        %mul3A_189 = arith.muli %rem3A_187, %mul3A_188 : i32
        %dma_start3A_190 = arith.constant 0 : i32
        %dma_start3A_191 = arith.constant 0 : i32
        %dma_start3A_192 = tpu.memref_slice %arg7[%mul3A_189, %dma_start3A_191] : memref<384x128xf32, #tpu.memory_space<vmem>> -> memref<128x128xf32, #tpu.memory_space<vmem>>
        %dma_start3A_193 = arith.constant 0 : i32
        %dma_start3A_194 = tpu.memref_slice %arg6[%rem3A_185, %dma_start3A_190, %dma_start3A_193] : memref<4x2x128xi32, #tpu.memory_space<vmem>> -> memref<1x1x128xi32, #tpu.memory_space<vmem>>
        %dma_start3A_195 = tpu.memref_squeeze %dma_start3A_194 : memref<1x1x128xi32, #tpu.memory_space<vmem>> -> memref<128xi32, #tpu.memory_space<vmem>>
        %dma_start3A_196 = arith.constant 0 : i32
        %dma_start3A_197 = arith.constant 0 : i32
        %dma_start3A_198 = tpu.memref_slice %arg3[%dma_start3A_196, %dma_start3A_197] : memref<10000x128xf32, #tpu.memory_space<hbm>> -> memref<10000x128xf32, #tpu.memory_space<hbm>>
        tpu.enqueue_indirect_dma source(%dma_start3A_198 : memref<10000x128xf32, #tpu.memory_space<hbm>>) target(%dma_start3A_192 : memref<128x128xf32, #tpu.memory_space<vmem>>) offsets(%dma_start3A_195 : memref<128xi32, #tpu.memory_space<vmem>>) semaphore(%arg10 : memref<!tpu.dma_semaphore, #tpu.memory_space<semaphore_mem>>)
      } else {
      }
      %dma_wait3A_143 = arith.constant 0 : i32
      %dma_wait3A_144 = tpu.memref_slice %arg7[%mul3A_125, %dma_wait3A_143] : memref<384x128xf32, #tpu.memory_space<vmem>> -> memref<128x128xf32, #tpu.memory_space<vmem>>
      %dma_wait3A_145 = arith.constant 0 : i32
      %dma_wait3A_146 = arith.constant 0 : i32
      %dma_wait3A_147 = tpu.memref_slice %arg3[%dma_wait3A_145, %dma_wait3A_146] : memref<10000x128xf32, #tpu.memory_space<hbm>> -> memref<128x128xf32, #tpu.memory_space<hbm>>
      %dma_wait3A_148 = arith.constant 0 : i32
      %dma_wait3A_149 = tpu.memref_slice %arg7[%mul3A_125, %dma_wait3A_148] : memref<384x128xf32, #tpu.memory_space<vmem>> -> memref<128x128xf32, #tpu.memory_space<vmem>>
      %dma_wait3A_150 = arith.constant 0 : i32
      %dma_wait3A_151 = arith.constant 0 : i32
      %dma_wait3A_152 = tpu.memref_slice %arg3[%dma_wait3A_150, %dma_wait3A_151] : memref<10000x128xf32, #tpu.memory_space<hbm>> -> memref<128x128xf32, #tpu.memory_space<hbm>>
      tpu.wait_dma2 semaphore(%arg10 : memref<!tpu.dma_semaphore, #tpu.memory_space<semaphore_mem>>) src(%dma_wait3A_152 : memref<128x128xf32, #tpu.memory_space<hbm>>) dst(%dma_wait3A_149 : memref<128x128xf32, #tpu.memory_space<vmem>>)
      %rem3A_153 = arith.constant 4 : i32
      %rem3A_154 = arith.remsi %while3A_121, %rem3A_153 : i32
      %dma_start3A_155 = arith.constant 1 : i32
      %dma_start3A_156 = arith.constant 0 : i32
      %dma_start3A_157 = tpu.memref_slice %arg7[%mul3A_125, %dma_start3A_156] : memref<384x128xf32, #tpu.memory_space<vmem>> -> memref<128x128xf32, #tpu.memory_space<vmem>>
      %dma_start3A_158 = arith.constant 0 : i32
      %dma_start3A_159 = tpu.memref_slice %arg6[%rem3A_154, %dma_start3A_155, %dma_start3A_158] : memref<4x2x128xi32, #tpu.memory_space<vmem>> -> memref<1x1x128xi32, #tpu.memory_space<vmem>>
      %dma_start3A_160 = tpu.memref_squeeze %dma_start3A_159 : memref<1x1x128xi32, #tpu.memory_space<vmem>> -> memref<128xi32, #tpu.memory_space<vmem>>
      %dma_start3A_161 = arith.constant 0 : i32
      %dma_start3A_162 = arith.constant 0 : i32
      %dma_start3A_163 = tpu.memref_slice %arg8[%dma_start3A_161, %dma_start3A_162] : memref<10008x128xf32, #tpu.memory_space<vmem_shared>> -> memref<10008x128xf32, #tpu.memory_space<vmem_shared>>
      tpu.enqueue_indirect_dma source(%dma_start3A_157 : memref<128x128xf32, #tpu.memory_space<vmem>>) target(%dma_start3A_163 : memref<10008x128xf32, #tpu.memory_space<vmem_shared>>) offsets(%dma_start3A_160 : memref<128xi32, #tpu.memory_space<vmem>>) semaphore(%arg11 : memref<!tpu.dma_semaphore, #tpu.memory_space<semaphore_mem>>) {add = true}
    }
    %while3A_94 = arith.constant 1 : i32
    scf.for %while3A_121 = %while3A_92 to %while3A_88 step %while3A_94  : i32 {
      %rem3A_122 = arith.constant 3 : i32
      %rem3A_123 = arith.remsi %while3A_121, %rem3A_122 : i32
      %mul3A_124 = arith.constant 128 : i32
      %mul3A_125 = arith.muli %rem3A_123, %mul3A_124 : i32
      %ge3A = arith.constant 1 : i32
      %ge3A_126 = arith.cmpi sge, %while3A_121, %ge3A : i32
      %convert_element_type3A_127 = arith.extui %ge3A_126 : i1 to i32
      %cond3A_128 = arith.constant 0 : i32
      %cond3A_129 = arith.cmpi ne, %convert_element_type3A_127, %cond3A_128 : i32
      scf.if %cond3A_129 {
        %add3A_164 = arith.constant 2 : i32
        %add3A_165 = arith.addi %while3A_121, %add3A_164 : i32
        %rem3A_166 = arith.constant 3 : i32
        %rem3A_167 = arith.remsi %add3A_165, %rem3A_166 : i32
        %mul3A_168 = arith.constant 128 : i32
        %mul3A_169 = arith.muli %rem3A_167, %mul3A_168 : i32
        %dma_wait3A_170 = arith.constant 0 : i32
        %dma_wait3A_171 = tpu.memref_slice %arg7[%mul3A_169, %dma_wait3A_170] : memref<384x128xf32, #tpu.memory_space<vmem>> -> memref<128x128xf32, #tpu.memory_space<vmem>>
        %dma_wait3A_172 = arith.constant 0 : i32
        %dma_wait3A_173 = arith.constant 0 : i32
        %dma_wait3A_174 = tpu.memref_slice %arg3[%dma_wait3A_172, %dma_wait3A_173] : memref<10000x128xf32, #tpu.memory_space<hbm>> -> memref<128x128xf32, #tpu.memory_space<hbm>>
        %dma_wait3A_175 = arith.constant 0 : i32
        %dma_wait3A_176 = tpu.memref_slice %arg7[%mul3A_169, %dma_wait3A_175] : memref<384x128xf32, #tpu.memory_space<vmem>> -> memref<128x128xf32, #tpu.memory_space<vmem>>
        %dma_wait3A_177 = arith.constant 0 : i32
        %dma_wait3A_178 = arith.constant 0 : i32
        %dma_wait3A_179 = tpu.memref_slice %arg3[%dma_wait3A_177, %dma_wait3A_178] : memref<10000x128xf32, #tpu.memory_space<hbm>> -> memref<128x128xf32, #tpu.memory_space<hbm>>
        tpu.wait_dma2 semaphore(%arg11 : memref<!tpu.dma_semaphore, #tpu.memory_space<semaphore_mem>>) src(%dma_wait3A_179 : memref<128x128xf32, #tpu.memory_space<hbm>>) dst(%dma_wait3A_176 : memref<128x128xf32, #tpu.memory_space<vmem>>)
      } else {
      }
      %add3A = arith.constant 4 : i32
      %add3A_130 = arith.addi %while3A_121, %add3A : i32
      %sub3A_131 = arith.constant 1 : i32
      %sub3A_132 = arith.subi %add3A_130, %sub3A_131 : i32
      %lt3A_133 = arith.cmpi slt, %sub3A_132, %select_n3A : i32
      %convert_element_type3A_134 = arith.extui %lt3A_133 : i1 to i32
      %cond3A_135 = arith.constant 0 : i32
      %cond3A_136 = arith.cmpi ne, %convert_element_type3A_134, %cond3A_135 : i32
      scf.if %cond3A_136 {
        %add3A_164 = arith.constant 4 : i32
        %add3A_165 = arith.addi %while3A_121, %add3A_164 : i32
        %sub3A_166 = arith.constant 1 : i32
        %sub3A_167 = arith.subi %add3A_165, %sub3A_166 : i32
        %rem3A_168 = arith.constant 4 : i32
        %rem3A_169 = arith.remsi %sub3A_167, %rem3A_168 : i32
        %dma_start3A_170 = arith.constant 0 : i32
        %dma_start3A_171 = arith.constant 0 : i32
        %dma_start3A_172 = tpu.memref_slice %arg6[%rem3A_169, %dma_start3A_170, %dma_start3A_171] : memref<4x2x128xi32, #tpu.memory_space<vmem>> -> memref<1x2x128xi32, #tpu.memory_space<vmem>>
        %dma_start3A_173 = tpu.memref_squeeze %dma_start3A_172 : memref<1x2x128xi32, #tpu.memory_space<vmem>> -> memref<2x128xi32, #tpu.memory_space<vmem>>
        %dma_start3A_174 = arith.constant 0 : i32
        %dma_start3A_175 = arith.constant 0 : i32
        %dma_start3A_176 = tpu.memref_slice %arg2[%arg0, %arg1, %sub3A_167, %dma_start3A_174, %dma_start3A_175] : memref<2x16x129x2x128xi32, #tpu.memory_space<hbm>> -> memref<1x1x1x2x128xi32, #tpu.memory_space<hbm>>
        %dma_start3A_177 = tpu.memref_squeeze %dma_start3A_176 : memref<1x1x1x2x128xi32, #tpu.memory_space<hbm>> -> memref<2x128xi32, #tpu.memory_space<hbm>>
        %dma_start3A_178 = arith.constant 0 : i32
        %dma_start3A_179 = arith.constant 0 : i32
        %dma_start3A_180 = tpu.memref_slice %arg6[%rem3A_169, %dma_start3A_178, %dma_start3A_179] : memref<4x2x128xi32, #tpu.memory_space<vmem>> -> memref<1x2x128xi32, #tpu.memory_space<vmem>>
        %dma_start3A_181 = tpu.memref_squeeze %dma_start3A_180 : memref<1x2x128xi32, #tpu.memory_space<vmem>> -> memref<2x128xi32, #tpu.memory_space<vmem>>
        %dma_start3A_182 = arith.constant 0 : i32
        %dma_start3A_183 = arith.constant 0 : i32
        %dma_start3A_184 = tpu.memref_slice %arg2[%arg0, %arg1, %sub3A_167, %dma_start3A_182, %dma_start3A_183] : memref<2x16x129x2x128xi32, #tpu.memory_space<hbm>> -> memref<1x1x1x2x128xi32, #tpu.memory_space<hbm>>
        %dma_start3A_185 = tpu.memref_squeeze %dma_start3A_184 : memref<1x1x1x2x128xi32, #tpu.memory_space<hbm>> -> memref<2x128xi32, #tpu.memory_space<hbm>>
        tpu.enqueue_dma source(%dma_start3A_185 : memref<2x128xi32, #tpu.memory_space<hbm>>) target(%dma_start3A_181 : memref<2x128xi32, #tpu.memory_space<vmem>>) target_semaphore(%arg9 : memref<!tpu.dma_semaphore, #tpu.memory_space<semaphore_mem>>)
      } else {
      }
      %add3A_137 = arith.constant 2 : i32
      %add3A_138 = arith.addi %while3A_121, %add3A_137 : i32
      %lt3A_139 = arith.cmpi slt, %add3A_138, %select_n3A : i32
      %convert_element_type3A_140 = arith.extui %lt3A_139 : i1 to i32
      %cond3A_141 = arith.constant 0 : i32
      %cond3A_142 = arith.cmpi ne, %convert_element_type3A_140, %cond3A_141 : i32
      scf.if %cond3A_142 {
        %dma_wait3A_164 = arith.constant 0 : i32
        %dma_wait3A_165 = arith.constant 0 : i32
        %dma_wait3A_166 = arith.constant 0 : i32
        %dma_wait3A_167 = arith.constant 0 : i32
        %dma_wait3A_168 = tpu.memref_slice %arg6[%dma_wait3A_165, %dma_wait3A_166, %dma_wait3A_167] : memref<4x2x128xi32, #tpu.memory_space<vmem>> -> memref<1x2x128xi32, #tpu.memory_space<vmem>>
        %dma_wait3A_169 = tpu.memref_squeeze %dma_wait3A_168 : memref<1x2x128xi32, #tpu.memory_space<vmem>> -> memref<2x128xi32, #tpu.memory_space<vmem>>
        %dma_wait3A_170 = arith.constant 0 : i32
        %dma_wait3A_171 = arith.constant 0 : i32
        %dma_wait3A_172 = tpu.memref_slice %arg2[%arg0, %arg1, %dma_wait3A_164, %dma_wait3A_170, %dma_wait3A_171] : memref<2x16x129x2x128xi32, #tpu.memory_space<hbm>> -> memref<1x1x1x2x128xi32, #tpu.memory_space<hbm>>
        %dma_wait3A_173 = tpu.memref_squeeze %dma_wait3A_172 : memref<1x1x1x2x128xi32, #tpu.memory_space<hbm>> -> memref<2x128xi32, #tpu.memory_space<hbm>>
        %dma_wait3A_174 = arith.constant 0 : i32
        %dma_wait3A_175 = arith.constant 0 : i32
        %dma_wait3A_176 = tpu.memref_slice %arg6[%dma_wait3A_165, %dma_wait3A_174, %dma_wait3A_175] : memref<4x2x128xi32, #tpu.memory_space<vmem>> -> memref<1x2x128xi32, #tpu.memory_space<vmem>>
        %dma_wait3A_177 = tpu.memref_squeeze %dma_wait3A_176 : memref<1x2x128xi32, #tpu.memory_space<vmem>> -> memref<2x128xi32, #tpu.memory_space<vmem>>
        %dma_wait3A_178 = arith.constant 0 : i32
        %dma_wait3A_179 = arith.constant 0 : i32
        %dma_wait3A_180 = tpu.memref_slice %arg2[%arg0, %arg1, %dma_wait3A_164, %dma_wait3A_178, %dma_wait3A_179] : memref<2x16x129x2x128xi32, #tpu.memory_space<hbm>> -> memref<1x1x1x2x128xi32, #tpu.memory_space<hbm>>
        %dma_wait3A_181 = tpu.memref_squeeze %dma_wait3A_180 : memref<1x1x1x2x128xi32, #tpu.memory_space<hbm>> -> memref<2x128xi32, #tpu.memory_space<hbm>>
        tpu.wait_dma2 semaphore(%arg9 : memref<!tpu.dma_semaphore, #tpu.memory_space<semaphore_mem>>) src(%dma_wait3A_181 : memref<2x128xi32, #tpu.memory_space<hbm>>) dst(%dma_wait3A_177 : memref<2x128xi32, #tpu.memory_space<vmem>>)
        %add3A_182 = arith.constant 2 : i32
        %add3A_183 = arith.addi %while3A_121, %add3A_182 : i32
        %rem3A_184 = arith.constant 4 : i32
        %rem3A_185 = arith.remsi %add3A_183, %rem3A_184 : i32
        %rem3A_186 = arith.constant 3 : i32
        %rem3A_187 = arith.remsi %add3A_183, %rem3A_186 : i32
        %mul3A_188 = arith.constant 128 : i32
        %mul3A_189 = arith.muli %rem3A_187, %mul3A_188 : i32
        %dma_start3A_190 = arith.constant 0 : i32
        %dma_start3A_191 = arith.constant 0 : i32
        %dma_start3A_192 = tpu.memref_slice %arg7[%mul3A_189, %dma_start3A_191] : memref<384x128xf32, #tpu.memory_space<vmem>> -> memref<128x128xf32, #tpu.memory_space<vmem>>
        %dma_start3A_193 = arith.constant 0 : i32
        %dma_start3A_194 = tpu.memref_slice %arg6[%rem3A_185, %dma_start3A_190, %dma_start3A_193] : memref<4x2x128xi32, #tpu.memory_space<vmem>> -> memref<1x1x128xi32, #tpu.memory_space<vmem>>
        %dma_start3A_195 = tpu.memref_squeeze %dma_start3A_194 : memref<1x1x128xi32, #tpu.memory_space<vmem>> -> memref<128xi32, #tpu.memory_space<vmem>>
        %dma_start3A_196 = arith.constant 0 : i32
        %dma_start3A_197 = arith.constant 0 : i32
        %dma_start3A_198 = tpu.memref_slice %arg3[%dma_start3A_196, %dma_start3A_197] : memref<10000x128xf32, #tpu.memory_space<hbm>> -> memref<10000x128xf32, #tpu.memory_space<hbm>>
        tpu.enqueue_indirect_dma source(%dma_start3A_198 : memref<10000x128xf32, #tpu.memory_space<hbm>>) target(%dma_start3A_192 : memref<128x128xf32, #tpu.memory_space<vmem>>) offsets(%dma_start3A_195 : memref<128xi32, #tpu.memory_space<vmem>>) semaphore(%arg10 : memref<!tpu.dma_semaphore, #tpu.memory_space<semaphore_mem>>)
      } else {
      }
      %dma_wait3A_143 = arith.constant 0 : i32
      %dma_wait3A_144 = tpu.memref_slice %arg7[%mul3A_125, %dma_wait3A_143] : memref<384x128xf32, #tpu.memory_space<vmem>> -> memref<128x128xf32, #tpu.memory_space<vmem>>
      %dma_wait3A_145 = arith.constant 0 : i32
      %dma_wait3A_146 = arith.constant 0 : i32
      %dma_wait3A_147 = tpu.memref_slice %arg3[%dma_wait3A_145, %dma_wait3A_146] : memref<10000x128xf32, #tpu.memory_space<hbm>> -> memref<128x128xf32, #tpu.memory_space<hbm>>
      %dma_wait3A_148 = arith.constant 0 : i32
      %dma_wait3A_149 = tpu.memref_slice %arg7[%mul3A_125, %dma_wait3A_148] : memref<384x128xf32, #tpu.memory_space<vmem>> -> memref<128x128xf32, #tpu.memory_space<vmem>>
      %dma_wait3A_150 = arith.constant 0 : i32
      %dma_wait3A_151 = arith.constant 0 : i32
      %dma_wait3A_152 = tpu.memref_slice %arg3[%dma_wait3A_150, %dma_wait3A_151] : memref<10000x128xf32, #tpu.memory_space<hbm>> -> memref<128x128xf32, #tpu.memory_space<hbm>>
      tpu.wait_dma2 semaphore(%arg10 : memref<!tpu.dma_semaphore, #tpu.memory_space<semaphore_mem>>) src(%dma_wait3A_152 : memref<128x128xf32, #tpu.memory_space<hbm>>) dst(%dma_wait3A_149 : memref<128x128xf32, #tpu.memory_space<vmem>>)
      %rem3A_153 = arith.constant 4 : i32
      %rem3A_154 = arith.remsi %while3A_121, %rem3A_153 : i32
      %dma_start3A_155 = arith.constant 1 : i32
      %dma_start3A_156 = arith.constant 0 : i32
      %dma_start3A_157 = tpu.memref_slice %arg7[%mul3A_125, %dma_start3A_156] : memref<384x128xf32, #tpu.memory_space<vmem>> -> memref<128x128xf32, #tpu.memory_space<vmem>>
      %dma_start3A_158 = arith.constant 0 : i32
      %dma_start3A_159 = tpu.memref_slice %arg6[%rem3A_154, %dma_start3A_155, %dma_start3A_158] : memref<4x2x128xi32, #tpu.memory_space<vmem>> -> memref<1x1x128xi32, #tpu.memory_space<vmem>>
      %dma_start3A_160 = tpu.memref_squeeze %dma_start3A_159 : memref<1x1x128xi32, #tpu.memory_space<vmem>> -> memref<128xi32, #tpu.memory_space<vmem>>
      %dma_start3A_161 = arith.constant 0 : i32
      %dma_start3A_162 = arith.constant 0 : i32
      %dma_start3A_163 = tpu.memref_slice %arg8[%dma_start3A_161, %dma_start3A_162] : memref<10008x128xf32, #tpu.memory_space<vmem_shared>> -> memref<10008x128xf32, #tpu.memory_space<vmem_shared>>
      tpu.enqueue_indirect_dma source(%dma_start3A_157 : memref<128x128xf32, #tpu.memory_space<vmem>>) target(%dma_start3A_163 : memref<10008x128xf32, #tpu.memory_space<vmem_shared>>) offsets(%dma_start3A_160 : memref<128xi32, #tpu.memory_space<vmem>>) semaphore(%arg11 : memref<!tpu.dma_semaphore, #tpu.memory_space<semaphore_mem>>) {add = true}
    }
    %sub3A = arith.constant 1 : i32
    %sub3A_95 = arith.subi %select_n3A, %sub3A : i32
    %rem3A_96 = arith.constant 3 : i32
    %rem3A_97 = arith.remsi %sub3A_95, %rem3A_96 : i32
    %mul3A_98 = arith.constant 128 : i32
    %mul3A_99 = arith.muli %rem3A_97, %mul3A_98 : i32
    %dma_wait3A_100 = arith.constant 0 : i32
    %dma_wait3A_101 = tpu.memref_slice %arg7[%mul3A_99, %dma_wait3A_100] : memref<384x128xf32, #tpu.memory_space<vmem>> -> memref<128x128xf32, #tpu.memory_space<vmem>>
    %dma_wait3A_102 = arith.constant 0 : i32
    %dma_wait3A_103 = arith.constant 0 : i32
    %dma_wait3A_104 = tpu.memref_slice %arg3[%dma_wait3A_102, %dma_wait3A_103] : memref<10000x128xf32, #tpu.memory_space<hbm>> -> memref<128x128xf32, #tpu.memory_space<hbm>>
    %dma_wait3A_105 = arith.constant 0 : i32
    %dma_wait3A_106 = tpu.memref_slice %arg7[%mul3A_99, %dma_wait3A_105] : memref<384x128xf32, #tpu.memory_space<vmem>> -> memref<128x128xf32, #tpu.memory_space<vmem>>
    %dma_wait3A_107 = arith.constant 0 : i32
    %dma_wait3A_108 = arith.constant 0 : i32
    %dma_wait3A_109 = tpu.memref_slice %arg3[%dma_wait3A_107, %dma_wait3A_108] : memref<10000x128xf32, #tpu.memory_space<hbm>> -> memref<128x128xf32, #tpu.memory_space<hbm>>
    tpu.wait_dma2 semaphore(%arg11 : memref<!tpu.dma_semaphore, #tpu.memory_space<semaphore_mem>>) src(%dma_wait3A_109 : memref<128x128xf32, #tpu.memory_space<hbm>>) dst(%dma_wait3A_106 : memref<128x128xf32, #tpu.memory_space<vmem>>)
    %barrier3A_110 = arith.constant 0 : index
    tpu.barrier barrier_id(%barrier3A_110)
    %lt3A_111 = arith.constant 15 : i32
    %lt3A_112 = arith.cmpi slt, %arg1, %lt3A_111 : i32
    %convert_element_type3A_113 = arith.extui %lt3A_112 : i1 to i32
    %cond3A_114 = arith.constant 0 : i32
    %cond3A_115 = arith.cmpi ne, %convert_element_type3A_113, %cond3A_114 : i32
    scf.if %cond3A_115 {
      %mul3A_121 = arith.constant 632 : i32
      %mul3A_122 = arith.muli %arg1, %mul3A_121 : i32
      %mul3A_123 = arith.constant 632 : i32
      %mul3A_124 = arith.muli %arg1, %mul3A_123 : i32
      "tpu.region"() ({
        %run_scoped3A = tpu.sem_alloc : memref<!tpu.dma_semaphore, #tpu.memory_space<semaphore_mem>>
        %dma_start3A_125 = arith.constant 0 : i32
        %dma_start3A_126 = tpu.memref_slice %arg5[%arg0, %mul3A_124, %dma_start3A_125] : memref<2x10008x128xf32, #tpu.memory_space<hbm>> -> memref<1x632x128xf32, #tpu.memory_space<hbm>>
        %dma_start3A_127 = tpu.memref_squeeze %dma_start3A_126 : memref<1x632x128xf32, #tpu.memory_space<hbm>> -> memref<632x128xf32, #tpu.memory_space<hbm>>
        %dma_start3A_128 = arith.constant 0 : i32
        %dma_start3A_129 = tpu.memref_slice %arg8[%mul3A_122, %dma_start3A_128] : memref<10008x128xf32, #tpu.memory_space<vmem_shared>> -> memref<632x128xf32, #tpu.memory_space<vmem_shared>>
        tpu.enqueue_dma source(%dma_start3A_129 : memref<632x128xf32, #tpu.memory_space<vmem_shared>>) target(%dma_start3A_127 : memref<632x128xf32, #tpu.memory_space<hbm>>) target_semaphore(%run_scoped3A : memref<!tpu.dma_semaphore, #tpu.memory_space<semaphore_mem>>)
        %dma_wait3A_130 = arith.constant 0 : i32
        %dma_wait3A_131 = tpu.memref_slice %arg5[%arg0, %mul3A_124, %dma_wait3A_130] : memref<2x10008x128xf32, #tpu.memory_space<hbm>> -> memref<1x632x128xf32, #tpu.memory_space<hbm>>
        %dma_wait3A_132 = tpu.memref_squeeze %dma_wait3A_131 : memref<1x632x128xf32, #tpu.memory_space<hbm>> -> memref<632x128xf32, #tpu.memory_space<hbm>>
        %dma_wait3A_133 = arith.constant 0 : i32
        %dma_wait3A_134 = tpu.memref_slice %arg8[%mul3A_122, %dma_wait3A_133] : memref<10008x128xf32, #tpu.memory_space<vmem_shared>> -> memref<632x128xf32, #tpu.memory_space<vmem_shared>>
        tpu.wait_dma2 semaphore(%run_scoped3A : memref<!tpu.dma_semaphore, #tpu.memory_space<semaphore_mem>>) src(%dma_wait3A_134 : memref<632x128xf32, #tpu.memory_space<vmem_shared>>) dst(%dma_wait3A_132 : memref<632x128xf32, #tpu.memory_space<hbm>>)
        tpu.yield
      }) : () -> ()
    } else {
    }
    %eq3A_116 = arith.constant 15 : i32
    %eq3A_117 = arith.cmpi eq, %arg1, %eq3A_116 : i32
    %convert_element_type3A_118 = arith.extui %eq3A_117 : i1 to i32
    %cond3A_119 = arith.constant 0 : i32
    %cond3A_120 = arith.cmpi ne, %convert_element_type3A_118, %cond3A_119 : i32
    scf.if %cond3A_120 {
      %mul3A_121 = arith.constant 632 : i32
      %mul3A_122 = arith.muli %arg1, %mul3A_121 : i32
      %mul3A_123 = arith.constant 632 : i32
      %mul3A_124 = arith.muli %arg1, %mul3A_123 : i32
      "tpu.region"() ({
        %run_scoped3A = tpu.sem_alloc : memref<!tpu.dma_semaphore, #tpu.memory_space<semaphore_mem>>
        %dma_start3A_125 = arith.constant 0 : i32
        %dma_start3A_126 = tpu.memref_slice %arg5[%arg0, %mul3A_124, %dma_start3A_125] : memref<2x10008x128xf32, #tpu.memory_space<hbm>> -> memref<1x528x128xf32, #tpu.memory_space<hbm>>
        %dma_start3A_127 = tpu.memref_squeeze %dma_start3A_126 : memref<1x528x128xf32, #tpu.memory_space<hbm>> -> memref<528x128xf32, #tpu.memory_space<hbm>>
        %dma_start3A_128 = arith.constant 0 : i32
        %dma_start3A_129 = tpu.memref_slice %arg8[%mul3A_122, %dma_start3A_128] : memref<10008x128xf32, #tpu.memory_space<vmem_shared>> -> memref<528x128xf32, #tpu.memory_space<vmem_shared>>
        tpu.enqueue_dma source(%dma_start3A_129 : memref<528x128xf32, #tpu.memory_space<vmem_shared>>) target(%dma_start3A_127 : memref<528x128xf32, #tpu.memory_space<hbm>>) target_semaphore(%run_scoped3A : memref<!tpu.dma_semaphore, #tpu.memory_space<semaphore_mem>>)
        %dma_wait3A_130 = arith.constant 0 : i32
        %dma_wait3A_131 = tpu.memref_slice %arg5[%arg0, %mul3A_124, %dma_wait3A_130] : memref<2x10008x128xf32, #tpu.memory_space<hbm>> -> memref<1x528x128xf32, #tpu.memory_space<hbm>>
        %dma_wait3A_132 = tpu.memref_squeeze %dma_wait3A_131 : memref<1x528x128xf32, #tpu.memory_space<hbm>> -> memref<528x128xf32, #tpu.memory_space<hbm>>
        %dma_wait3A_133 = arith.constant 0 : i32
        %dma_wait3A_134 = tpu.memref_slice %arg8[%mul3A_122, %dma_wait3A_133] : memref<10008x128xf32, #tpu.memory_space<vmem_shared>> -> memref<528x128xf32, #tpu.memory_space<vmem_shared>>
        tpu.wait_dma2 semaphore(%run_scoped3A : memref<!tpu.dma_semaphore, #tpu.memory_space<semaphore_mem>>) src(%dma_wait3A_134 : memref<528x128xf32, #tpu.memory_space<vmem_shared>>) dst(%dma_wait3A_132 : memref<528x128xf32, #tpu.memory_space<hbm>>)
        tpu.yield
      }) : () -> ()
    } else {
    }
    return
  }
}

#map = affine_map<(d0, d1) -> (0, 0, 0, 0, 0)>
#map1 = affine_map<(d0, d1) -> (0, 0)>
#map2 = affine_map<(d0, d1) -> (0, 0, 0)>
module attributes {stable_mosaic.version = 14 : i64} {
  func.func @_sc_body(%arg0: i32, %arg1: i32, %arg2: memref<2x16x129x2x128xi32, #tpu.memory_space<hbm>>, %arg3: memref<10000x128xf32, #tpu.memory_space<hbm>>, %arg4: memref<128x128xf32, #tpu.memory_space<hbm>>, %arg5: memref<2x10008x128xf32, #tpu.memory_space<hbm>>, %arg6: memref<4x2x128xi32, #tpu.memory_space<vmem>>, %arg7: memref<384x128xf32, #tpu.memory_space<vmem>>, %arg8: memref<10008x128xf32, #tpu.memory_space<vmem_shared>>, %arg9: memref<!tpu.dma_semaphore, #tpu.memory_space<semaphore_mem>>, %arg10: memref<!tpu.dma_semaphore, #tpu.memory_space<semaphore_mem>>, %arg11: memref<!tpu.dma_semaphore, #tpu.memory_space<semaphore_mem>>) attributes {dimension_semantics = [#tpu.dimension_semantics<core_parallel>, #tpu.dimension_semantics<subcore_parallel>], iteration_bounds = array<i64: 2, 16>, scalar_prefetch = 0 : i64, scratch_operands = 6 : i64, tpu.core_type = #tpu.core_type<sc_vector_subcore>, window_params = [{transform_indices = #map}, {transform_indices = #map1}, {transform_indices = #map1}, {transform_indices = #map2}]} {
    "tpu.region"() ({
      %run_scoped3A = tpu.sem_alloc : memref<!tpu.dma_semaphore, #tpu.memory_space<semaphore_mem>>
      %dma_start3A_121 = arith.constant 0 : i32
      %dma_start3A_122 = arith.constant 0 : i32
      %dma_start3A_123 = tpu.memref_slice %arg7[%dma_start3A_121, %dma_start3A_122] : memref<384x128xf32, #tpu.memory_space<vmem>> -> memref<128x128xf32, #tpu.memory_space<vmem>>
      %dma_start3A_124 = arith.constant 0 : i32
      %dma_start3A_125 = arith.constant 0 : i32
      %dma_start3A_126 = tpu.memref_slice %arg7[%dma_start3A_124, %dma_start3A_125] : memref<384x128xf32, #tpu.memory_space<vmem>> -> memref<128x128xf32, #tpu.memory_space<vmem>>
      tpu.enqueue_dma source(%arg4 : memref<128x128xf32, #tpu.memory_space<hbm>>) target(%dma_start3A_126 : memref<128x128xf32, #tpu.memory_space<vmem>>) target_semaphore(%run_scoped3A : memref<!tpu.dma_semaphore, #tpu.memory_space<semaphore_mem>>)
      %dma_wait3A_127 = arith.constant 0 : i32
      %dma_wait3A_128 = arith.constant 0 : i32
      %dma_wait3A_129 = tpu.memref_slice %arg7[%dma_wait3A_127, %dma_wait3A_128] : memref<384x128xf32, #tpu.memory_space<vmem>> -> memref<128x128xf32, #tpu.memory_space<vmem>>
      %dma_wait3A_130 = arith.constant 0 : i32
      %dma_wait3A_131 = arith.constant 0 : i32
      %dma_wait3A_132 = tpu.memref_slice %arg7[%dma_wait3A_130, %dma_wait3A_131] : memref<384x128xf32, #tpu.memory_space<vmem>> -> memref<128x128xf32, #tpu.memory_space<vmem>>
      tpu.wait_dma2 semaphore(%run_scoped3A : memref<!tpu.dma_semaphore, #tpu.memory_space<semaphore_mem>>) src(%arg4 : memref<128x128xf32, #tpu.memory_space<hbm>>) dst(%dma_wait3A_132 : memref<128x128xf32, #tpu.memory_space<vmem>>)
      tpu.yield
    }) : () -> ()
    %scan3A = arith.constant 0 : i32
    %scan3A_0 = arith.constant 0 : i32
    %scan3A_1 = arith.constant 4 : i32
    %scan3A_2 = arith.addi %scan3A_0, %scan3A_1 : i32
    %scan3A_3 = arith.constant 1 : i32
    scf.for %scan3A_121 = %scan3A_0 to %scan3A_2 step %scan3A_3  : i32 {
      %mul3A_122 = arith.constant 632 : i32
      %mul3A_123 = arith.muli %arg1, %mul3A_122 : i32
      %mul3A_124 = arith.constant 128 : i32
      %mul3A_125 = arith.muli %scan3A_121, %mul3A_124 : i32
      %add3A = arith.addi %mul3A_123, %mul3A_125 : i32
      "tpu.region"() ({
        %run_scoped3A = tpu.sem_alloc : memref<!tpu.dma_semaphore, #tpu.memory_space<semaphore_mem>>
        %dma_start3A_126 = arith.constant 0 : i32
        %dma_start3A_127 = arith.constant 0 : i32
        %dma_start3A_128 = tpu.memref_slice %arg7[%dma_start3A_126, %dma_start3A_127] : memref<384x128xf32, #tpu.memory_space<vmem>> -> memref<128x128xf32, #tpu.memory_space<vmem>>
        %dma_start3A_129 = arith.constant 0 : i32
        %dma_start3A_130 = tpu.memref_slice %arg8[%add3A, %dma_start3A_129] : memref<10008x128xf32, #tpu.memory_space<vmem_shared>> -> memref<128x128xf32, #tpu.memory_space<vmem_shared>>
        %dma_start3A_131 = arith.constant 0 : i32
        %dma_start3A_132 = tpu.memref_slice %arg8[%add3A, %dma_start3A_131] : memref<10008x128xf32, #tpu.memory_space<vmem_shared>> -> memref<128x128xf32, #tpu.memory_space<vmem_shared>>
        %dma_start3A_133 = arith.constant 0 : i32
        %dma_start3A_134 = arith.constant 0 : i32
        %dma_start3A_135 = tpu.memref_slice %arg7[%dma_start3A_133, %dma_start3A_134] : memref<384x128xf32, #tpu.memory_space<vmem>> -> memref<128x128xf32, #tpu.memory_space<vmem>>
        tpu.enqueue_dma source(%dma_start3A_135 : memref<128x128xf32, #tpu.memory_space<vmem>>) target(%dma_start3A_132 : memref<128x128xf32, #tpu.memory_space<vmem_shared>>) target_semaphore(%run_scoped3A : memref<!tpu.dma_semaphore, #tpu.memory_space<semaphore_mem>>)
        %dma_wait3A_136 = arith.constant 0 : i32
        %dma_wait3A_137 = arith.constant 0 : i32
        %dma_wait3A_138 = tpu.memref_slice %arg7[%dma_wait3A_136, %dma_wait3A_137] : memref<384x128xf32, #tpu.memory_space<vmem>> -> memref<128x128xf32, #tpu.memory_space<vmem>>
        %dma_wait3A_139 = arith.constant 0 : i32
        %dma_wait3A_140 = tpu.memref_slice %arg8[%add3A, %dma_wait3A_139] : memref<10008x128xf32, #tpu.memory_space<vmem_shared>> -> memref<128x128xf32, #tpu.memory_space<vmem_shared>>
        %dma_wait3A_141 = arith.constant 0 : i32
        %dma_wait3A_142 = tpu.memref_slice %arg8[%add3A, %dma_wait3A_141] : memref<10008x128xf32, #tpu.memory_space<vmem_shared>> -> memref<128x128xf32, #tpu.memory_space<vmem_shared>>
        %dma_wait3A_143 = arith.constant 0 : i32
        %dma_wait3A_144 = arith.constant 0 : i32
        %dma_wait3A_145 = tpu.memref_slice %arg7[%dma_wait3A_143, %dma_wait3A_144] : memref<384x128xf32, #tpu.memory_space<vmem>> -> memref<128x128xf32, #tpu.memory_space<vmem>>
        tpu.wait_dma2 semaphore(%run_scoped3A : memref<!tpu.dma_semaphore, #tpu.memory_space<semaphore_mem>>) src(%dma_wait3A_145 : memref<128x128xf32, #tpu.memory_space<vmem>>) dst(%dma_wait3A_142 : memref<128x128xf32, #tpu.memory_space<vmem_shared>>)
        tpu.yield
      }) : () -> ()
    }
    %scan3A_4 = arith.constant 4 : i32
    %lt3A = arith.constant 15 : i32
    %lt3A_5 = arith.cmpi slt, %arg1, %lt3A : i32
    %convert_element_type3A = arith.extui %lt3A_5 : i1 to i32
    %cond3A = arith.constant 0 : i32
    %cond3A_6 = arith.cmpi ne, %convert_element_type3A, %cond3A : i32
    scf.if %cond3A_6 {
      %mul3A_121 = arith.constant 632 : i32
      %mul3A_122 = arith.muli %arg1, %mul3A_121 : i32
      %add3A = arith.constant 632 : i32
      %add3A_123 = arith.addi %mul3A_122, %add3A : i32
      %sub3A_124 = arith.constant 120 : i32
      %sub3A_125 = arith.subi %add3A_123, %sub3A_124 : i32
      "tpu.region"() ({
        %run_scoped3A = tpu.sem_alloc : memref<!tpu.dma_semaphore, #tpu.memory_space<semaphore_mem>>
        %dma_start3A_126 = arith.constant 0 : i32
        %dma_start3A_127 = arith.constant 0 : i32
        %dma_start3A_128 = tpu.memref_slice %arg7[%dma_start3A_126, %dma_start3A_127] : memref<384x128xf32, #tpu.memory_space<vmem>> -> memref<120x128xf32, #tpu.memory_space<vmem>>
        %dma_start3A_129 = arith.constant 0 : i32
        %dma_start3A_130 = tpu.memref_slice %arg8[%sub3A_125, %dma_start3A_129] : memref<10008x128xf32, #tpu.memory_space<vmem_shared>> -> memref<120x128xf32, #tpu.memory_space<vmem_shared>>
        %dma_start3A_131 = arith.constant 0 : i32
        %dma_start3A_132 = tpu.memref_slice %arg8[%sub3A_125, %dma_start3A_131] : memref<10008x128xf32, #tpu.memory_space<vmem_shared>> -> memref<120x128xf32, #tpu.memory_space<vmem_shared>>
        %dma_start3A_133 = arith.constant 0 : i32
        %dma_start3A_134 = arith.constant 0 : i32
        %dma_start3A_135 = tpu.memref_slice %arg7[%dma_start3A_133, %dma_start3A_134] : memref<384x128xf32, #tpu.memory_space<vmem>> -> memref<120x128xf32, #tpu.memory_space<vmem>>
        tpu.enqueue_dma source(%dma_start3A_135 : memref<120x128xf32, #tpu.memory_space<vmem>>) target(%dma_start3A_132 : memref<120x128xf32, #tpu.memory_space<vmem_shared>>) target_semaphore(%run_scoped3A : memref<!tpu.dma_semaphore, #tpu.memory_space<semaphore_mem>>)
        %dma_wait3A_136 = arith.constant 0 : i32
        %dma_wait3A_137 = arith.constant 0 : i32
        %dma_wait3A_138 = tpu.memref_slice %arg7[%dma_wait3A_136, %dma_wait3A_137] : memref<384x128xf32, #tpu.memory_space<vmem>> -> memref<120x128xf32, #tpu.memory_space<vmem>>
        %dma_wait3A_139 = arith.constant 0 : i32
        %dma_wait3A_140 = tpu.memref_slice %arg8[%sub3A_125, %dma_wait3A_139] : memref<10008x128xf32, #tpu.memory_space<vmem_shared>> -> memref<120x128xf32, #tpu.memory_space<vmem_shared>>
        %dma_wait3A_141 = arith.constant 0 : i32
        %dma_wait3A_142 = tpu.memref_slice %arg8[%sub3A_125, %dma_wait3A_141] : memref<10008x128xf32, #tpu.memory_space<vmem_shared>> -> memref<120x128xf32, #tpu.memory_space<vmem_shared>>
        %dma_wait3A_143 = arith.constant 0 : i32
        %dma_wait3A_144 = arith.constant 0 : i32
        %dma_wait3A_145 = tpu.memref_slice %arg7[%dma_wait3A_143, %dma_wait3A_144] : memref<384x128xf32, #tpu.memory_space<vmem>> -> memref<120x128xf32, #tpu.memory_space<vmem>>
        tpu.wait_dma2 semaphore(%run_scoped3A : memref<!tpu.dma_semaphore, #tpu.memory_space<semaphore_mem>>) src(%dma_wait3A_145 : memref<120x128xf32, #tpu.memory_space<vmem>>) dst(%dma_wait3A_142 : memref<120x128xf32, #tpu.memory_space<vmem_shared>>)
        tpu.yield
      }) : () -> ()
    } else {
    }
    %eq3A = arith.constant 15 : i32
    %eq3A_7 = arith.cmpi eq, %arg1, %eq3A : i32
    %convert_element_type3A_8 = arith.extui %eq3A_7 : i1 to i32
    %cond3A_9 = arith.constant 0 : i32
    %cond3A_10 = arith.cmpi ne, %convert_element_type3A_8, %cond3A_9 : i32
    scf.if %cond3A_10 {
      %mul3A_121 = arith.constant 632 : i32
      %mul3A_122 = arith.muli %arg1, %mul3A_121 : i32
      %add3A = arith.constant 528 : i32
      %add3A_123 = arith.addi %mul3A_122, %add3A : i32
      %sub3A_124 = arith.constant 16 : i32
      %sub3A_125 = arith.subi %add3A_123, %sub3A_124 : i32
      "tpu.region"() ({
        %run_scoped3A = tpu.sem_alloc : memref<!tpu.dma_semaphore, #tpu.memory_space<semaphore_mem>>
        %dma_start3A_126 = arith.constant 0 : i32
        %dma_start3A_127 = arith.constant 0 : i32
        %dma_start3A_128 = tpu.memref_slice %arg7[%dma_start3A_126, %dma_start3A_127] : memref<384x128xf32, #tpu.memory_space<vmem>> -> memref<16x128xf32, #tpu.memory_space<vmem>>
        %dma_start3A_129 = arith.constant 0 : i32
        %dma_start3A_130 = tpu.memref_slice %arg8[%sub3A_125, %dma_start3A_129] : memref<10008x128xf32, #tpu.memory_space<vmem_shared>> -> memref<16x128xf32, #tpu.memory_space<vmem_shared>>
        %dma_start3A_131 = arith.constant 0 : i32
        %dma_start3A_132 = tpu.memref_slice %arg8[%sub3A_125, %dma_start3A_131] : memref<10008x128xf32, #tpu.memory_space<vmem_shared>> -> memref<16x128xf32, #tpu.memory_space<vmem_shared>>
        %dma_start3A_133 = arith.constant 0 : i32
        %dma_start3A_134 = arith.constant 0 : i32
        %dma_start3A_135 = tpu.memref_slice %arg7[%dma_start3A_133, %dma_start3A_134] : memref<384x128xf32, #tpu.memory_space<vmem>> -> memref<16x128xf32, #tpu.memory_space<vmem>>
        tpu.enqueue_dma source(%dma_start3A_135 : memref<16x128xf32, #tpu.memory_space<vmem>>) target(%dma_start3A_132 : memref<16x128xf32, #tpu.memory_space<vmem_shared>>) target_semaphore(%run_scoped3A : memref<!tpu.dma_semaphore, #tpu.memory_space<semaphore_mem>>)
        %dma_wait3A_136 = arith.constant 0 : i32
        %dma_wait3A_137 = arith.constant 0 : i32
        %dma_wait3A_138 = tpu.memref_slice %arg7[%dma_wait3A_136, %dma_wait3A_137] : memref<384x128xf32, #tpu.memory_space<vmem>> -> memref<16x128xf32, #tpu.memory_space<vmem>>
        %dma_wait3A_139 = arith.constant 0 : i32
        %dma_wait3A_140 = tpu.memref_slice %arg8[%sub3A_125, %dma_wait3A_139] : memref<10008x128xf32, #tpu.memory_space<vmem_shared>> -> memref<16x128xf32, #tpu.memory_space<vmem_shared>>
        %dma_wait3A_141 = arith.constant 0 : i32
        %dma_wait3A_142 = tpu.memref_slice %arg8[%sub3A_125, %dma_wait3A_141] : memref<10008x128xf32, #tpu.memory_space<vmem_shared>> -> memref<16x128xf32, #tpu.memory_space<vmem_shared>>
        %dma_wait3A_143 = arith.constant 0 : i32
        %dma_wait3A_144 = arith.constant 0 : i32
        %dma_wait3A_145 = tpu.memref_slice %arg7[%dma_wait3A_143, %dma_wait3A_144] : memref<384x128xf32, #tpu.memory_space<vmem>> -> memref<16x128xf32, #tpu.memory_space<vmem>>
        tpu.wait_dma2 semaphore(%run_scoped3A : memref<!tpu.dma_semaphore, #tpu.memory_space<semaphore_mem>>) src(%dma_wait3A_145 : memref<16x128xf32, #tpu.memory_space<vmem>>) dst(%dma_wait3A_142 : memref<16x128xf32, #tpu.memory_space<vmem_shared>>)
        tpu.yield
      }) : () -> ()
    } else {
    }
    %barrier3A = arith.constant 0 : index
    tpu.barrier barrier_id(%barrier3A)
    %eq3A_11 = arith.constant 0 : i32
    %eq3A_12 = arith.cmpi eq, %arg0, %eq3A_11 : i32
    %jit3A = arith.constant 28 : i32
    %jit3A_13 = arith.constant 129 : i32
    %select_n3A = arith.select %eq3A_12, %jit3A, %jit3A_13 : i32
    %scan3A_14 = arith.constant 0 : i32
    %scan3A_15 = arith.constant 0 : i32
    %scan3A_16 = arith.constant 3 : i32
    %scan3A_17 = arith.addi %scan3A_15, %scan3A_16 : i32
    %scan3A_18 = arith.constant 1 : i32
    scf.for %scan3A_121 = %scan3A_15 to %scan3A_17 step %scan3A_18  : i32 {
      %rem3A_122 = arith.constant 4 : i32
      %rem3A_123 = arith.remsi %scan3A_121, %rem3A_122 : i32
      %dma_start3A_124 = arith.constant 0 : i32
      %dma_start3A_125 = arith.constant 0 : i32
      %dma_start3A_126 = tpu.memref_slice %arg6[%rem3A_123, %dma_start3A_124, %dma_start3A_125] : memref<4x2x128xi32, #tpu.memory_space<vmem>> -> memref<1x2x128xi32, #tpu.memory_space<vmem>>
      %dma_start3A_127 = tpu.memref_squeeze %dma_start3A_126 : memref<1x2x128xi32, #tpu.memory_space<vmem>> -> memref<2x128xi32, #tpu.memory_space<vmem>>
      %dma_start3A_128 = arith.constant 0 : i32
      %dma_start3A_129 = arith.constant 0 : i32
      %dma_start3A_130 = tpu.memref_slice %arg2[%arg0, %arg1, %scan3A_121, %dma_start3A_128, %dma_start3A_129] : memref<2x16x129x2x128xi32, #tpu.memory_space<hbm>> -> memref<1x1x1x2x128xi32, #tpu.memory_space<hbm>>
      %dma_start3A_131 = tpu.memref_squeeze %dma_start3A_130 : memref<1x1x1x2x128xi32, #tpu.memory_space<hbm>> -> memref<2x128xi32, #tpu.memory_space<hbm>>
      %dma_start3A_132 = arith.constant 0 : i32
      %dma_start3A_133 = arith.constant 0 : i32
      %dma_start3A_134 = tpu.memref_slice %arg6[%rem3A_123, %dma_start3A_132, %dma_start3A_133] : memref<4x2x128xi32, #tpu.memory_space<vmem>> -> memref<1x2x128xi32, #tpu.memory_space<vmem>>
      %dma_start3A_135 = tpu.memref_squeeze %dma_start3A_134 : memref<1x2x128xi32, #tpu.memory_space<vmem>> -> memref<2x128xi32, #tpu.memory_space<vmem>>
      %dma_start3A_136 = arith.constant 0 : i32
      %dma_start3A_137 = arith.constant 0 : i32
      %dma_start3A_138 = tpu.memref_slice %arg2[%arg0, %arg1, %scan3A_121, %dma_start3A_136, %dma_start3A_137] : memref<2x16x129x2x128xi32, #tpu.memory_space<hbm>> -> memref<1x1x1x2x128xi32, #tpu.memory_space<hbm>>
      %dma_start3A_139 = tpu.memref_squeeze %dma_start3A_138 : memref<1x1x1x2x128xi32, #tpu.memory_space<hbm>> -> memref<2x128xi32, #tpu.memory_space<hbm>>
      tpu.enqueue_dma source(%dma_start3A_139 : memref<2x128xi32, #tpu.memory_space<hbm>>) target(%dma_start3A_135 : memref<2x128xi32, #tpu.memory_space<vmem>>) target_semaphore(%arg9 : memref<!tpu.dma_semaphore, #tpu.memory_space<semaphore_mem>>)
    }
    %scan3A_19 = arith.constant 3 : i32
    %dma_wait3A = arith.constant 0 : i32
    %dma_wait3A_20 = arith.constant 0 : i32
    %dma_wait3A_21 = arith.constant 0 : i32
    %dma_wait3A_22 = arith.constant 0 : i32
    %dma_wait3A_23 = tpu.memref_slice %arg6[%dma_wait3A_20, %dma_wait3A_21, %dma_wait3A_22] : memref<4x2x128xi32, #tpu.memory_space<vmem>> -> memref<1x2x128xi32, #tpu.memory_space<vmem>>
    %dma_wait3A_24 = tpu.memref_squeeze %dma_wait3A_23 : memref<1x2x128xi32, #tpu.memory_space<vmem>> -> memref<2x128xi32, #tpu.memory_space<vmem>>
    %dma_wait3A_25 = arith.constant 0 : i32
    %dma_wait3A_26 = arith.constant 0 : i32
    %dma_wait3A_27 = tpu.memref_slice %arg2[%arg0, %arg1, %dma_wait3A, %dma_wait3A_25, %dma_wait3A_26] : memref<2x16x129x2x128xi32, #tpu.memory_space<hbm>> -> memref<1x1x1x2x128xi32, #tpu.memory_space<hbm>>
    %dma_wait3A_28 = tpu.memref_squeeze %dma_wait3A_27 : memref<1x1x1x2x128xi32, #tpu.memory_space<hbm>> -> memref<2x128xi32, #tpu.memory_space<hbm>>
    %dma_wait3A_29 = arith.constant 0 : i32
    %dma_wait3A_30 = arith.constant 0 : i32
    %dma_wait3A_31 = tpu.memref_slice %arg6[%dma_wait3A_20, %dma_wait3A_29, %dma_wait3A_30] : memref<4x2x128xi32, #tpu.memory_space<vmem>> -> memref<1x2x128xi32, #tpu.memory_space<vmem>>
    %dma_wait3A_32 = tpu.memref_squeeze %dma_wait3A_31 : memref<1x2x128xi32, #tpu.memory_space<vmem>> -> memref<2x128xi32, #tpu.memory_space<vmem>>
    %dma_wait3A_33 = arith.constant 0 : i32
    %dma_wait3A_34 = arith.constant 0 : i32
    %dma_wait3A_35 = tpu.memref_slice %arg2[%arg0, %arg1, %dma_wait3A, %dma_wait3A_33, %dma_wait3A_34] : memref<2x16x129x2x128xi32, #tpu.memory_space<hbm>> -> memref<1x1x1x2x128xi32, #tpu.memory_space<hbm>>
    %dma_wait3A_36 = tpu.memref_squeeze %dma_wait3A_35 : memref<1x1x1x2x128xi32, #tpu.memory_space<hbm>> -> memref<2x128xi32, #tpu.memory_space<hbm>>
    tpu.wait_dma2 semaphore(%arg9 : memref<!tpu.dma_semaphore, #tpu.memory_space<semaphore_mem>>) src(%dma_wait3A_36 : memref<2x128xi32, #tpu.memory_space<hbm>>) dst(%dma_wait3A_32 : memref<2x128xi32, #tpu.memory_space<vmem>>)
    %dma_wait3A_37 = arith.constant 0 : i32
    %dma_wait3A_38 = arith.constant 0 : i32
    %dma_wait3A_39 = arith.constant 0 : i32
    %dma_wait3A_40 = arith.constant 0 : i32
    %dma_wait3A_41 = tpu.memref_slice %arg6[%dma_wait3A_38, %dma_wait3A_39, %dma_wait3A_40] : memref<4x2x128xi32, #tpu.memory_space<vmem>> -> memref<1x2x128xi32, #tpu.memory_space<vmem>>
    %dma_wait3A_42 = tpu.memref_squeeze %dma_wait3A_41 : memref<1x2x128xi32, #tpu.memory_space<vmem>> -> memref<2x128xi32, #tpu.memory_space<vmem>>
    %dma_wait3A_43 = arith.constant 0 : i32
    %dma_wait3A_44 = arith.constant 0 : i32
    %dma_wait3A_45 = tpu.memref_slice %arg2[%arg0, %arg1, %dma_wait3A_37, %dma_wait3A_43, %dma_wait3A_44] : memref<2x16x129x2x128xi32, #tpu.memory_space<hbm>> -> memref<1x1x1x2x128xi32, #tpu.memory_space<hbm>>
    %dma_wait3A_46 = tpu.memref_squeeze %dma_wait3A_45 : memref<1x1x1x2x128xi32, #tpu.memory_space<hbm>> -> memref<2x128xi32, #tpu.memory_space<hbm>>
    %dma_wait3A_47 = arith.constant 0 : i32
    %dma_wait3A_48 = arith.constant 0 : i32
    %dma_wait3A_49 = tpu.memref_slice %arg6[%dma_wait3A_38, %dma_wait3A_47, %dma_wait3A_48] : memref<4x2x128xi32, #tpu.memory_space<vmem>> -> memref<1x2x128xi32, #tpu.memory_space<vmem>>
    %dma_wait3A_50 = tpu.memref_squeeze %dma_wait3A_49 : memref<1x2x128xi32, #tpu.memory_space<vmem>> -> memref<2x128xi32, #tpu.memory_space<vmem>>
    %dma_wait3A_51 = arith.constant 0 : i32
    %dma_wait3A_52 = arith.constant 0 : i32
    %dma_wait3A_53 = tpu.memref_slice %arg2[%arg0, %arg1, %dma_wait3A_37, %dma_wait3A_51, %dma_wait3A_52] : memref<2x16x129x2x128xi32, #tpu.memory_space<hbm>> -> memref<1x1x1x2x128xi32, #tpu.memory_space<hbm>>
    %dma_wait3A_54 = tpu.memref_squeeze %dma_wait3A_53 : memref<1x1x1x2x128xi32, #tpu.memory_space<hbm>> -> memref<2x128xi32, #tpu.memory_space<hbm>>
    tpu.wait_dma2 semaphore(%arg9 : memref<!tpu.dma_semaphore, #tpu.memory_space<semaphore_mem>>) src(%dma_wait3A_54 : memref<2x128xi32, #tpu.memory_space<hbm>>) dst(%dma_wait3A_50 : memref<2x128xi32, #tpu.memory_space<vmem>>)
    %rem3A = arith.constant 0 : i32
    %rem3A_55 = arith.constant 4 : i32
    %rem3A_56 = arith.remsi %rem3A, %rem3A_55 : i32
    %rem3A_57 = arith.constant 0 : i32
    %rem3A_58 = arith.constant 3 : i32
    %rem3A_59 = arith.remsi %rem3A_57, %rem3A_58 : i32
    %mul3A = arith.constant 128 : i32
    %mul3A_60 = arith.muli %rem3A_59, %mul3A : i32
    %dma_start3A = arith.constant 0 : i32
    %dma_start3A_61 = arith.constant 0 : i32
    %dma_start3A_62 = tpu.memref_slice %arg7[%mul3A_60, %dma_start3A_61] : memref<384x128xf32, #tpu.memory_space<vmem>> -> memref<128x128xf32, #tpu.memory_space<vmem>>
    %dma_start3A_63 = arith.constant 0 : i32
    %dma_start3A_64 = tpu.memref_slice %arg6[%rem3A_56, %dma_start3A, %dma_start3A_63] : memref<4x2x128xi32, #tpu.memory_space<vmem>> -> memref<1x1x128xi32, #tpu.memory_space<vmem>>
    %dma_start3A_65 = tpu.memref_squeeze %dma_start3A_64 : memref<1x1x128xi32, #tpu.memory_space<vmem>> -> memref<128xi32, #tpu.memory_space<vmem>>
    %dma_start3A_66 = arith.constant 0 : i32
    %dma_start3A_67 = arith.constant 0 : i32
    %dma_start3A_68 = tpu.memref_slice %arg3[%dma_start3A_66, %dma_start3A_67] : memref<10000x128xf32, #tpu.memory_space<hbm>> -> memref<10000x128xf32, #tpu.memory_space<hbm>>
    tpu.enqueue_indirect_dma source(%dma_start3A_68 : memref<10000x128xf32, #tpu.memory_space<hbm>>) target(%dma_start3A_62 : memref<128x128xf32, #tpu.memory_space<vmem>>) offsets(%dma_start3A_65 : memref<128xi32, #tpu.memory_space<vmem>>) semaphore(%arg10 : memref<!tpu.dma_semaphore, #tpu.memory_space<semaphore_mem>>)
    %rem3A_69 = arith.constant 1 : i32
    %rem3A_70 = arith.constant 4 : i32
    %rem3A_71 = arith.remsi %rem3A_69, %rem3A_70 : i32
    %rem3A_72 = arith.constant 1 : i32
    %rem3A_73 = arith.constant 3 : i32
    %rem3A_74 = arith.remsi %rem3A_72, %rem3A_73 : i32
    %mul3A_75 = arith.constant 128 : i32
    %mul3A_76 = arith.muli %rem3A_74, %mul3A_75 : i32
    %dma_start3A_77 = arith.constant 0 : i32
    %dma_start3A_78 = arith.constant 0 : i32
    %dma_start3A_79 = tpu.memref_slice %arg7[%mul3A_76, %dma_start3A_78] : memref<384x128xf32, #tpu.memory_space<vmem>> -> memref<128x128xf32, #tpu.memory_space<vmem>>
    %dma_start3A_80 = arith.constant 0 : i32
    %dma_start3A_81 = tpu.memref_slice %arg6[%rem3A_71, %dma_start3A_77, %dma_start3A_80] : memref<4x2x128xi32, #tpu.memory_space<vmem>> -> memref<1x1x128xi32, #tpu.memory_space<vmem>>
    %dma_start3A_82 = tpu.memref_squeeze %dma_start3A_81 : memref<1x1x128xi32, #tpu.memory_space<vmem>> -> memref<128xi32, #tpu.memory_space<vmem>>
    %dma_start3A_83 = arith.constant 0 : i32
    %dma_start3A_84 = arith.constant 0 : i32
    %dma_start3A_85 = tpu.memref_slice %arg3[%dma_start3A_83, %dma_start3A_84] : memref<10000x128xf32, #tpu.memory_space<hbm>> -> memref<10000x128xf32, #tpu.memory_space<hbm>>
    tpu.enqueue_indirect_dma source(%dma_start3A_85 : memref<10000x128xf32, #tpu.memory_space<hbm>>) target(%dma_start3A_79 : memref<128x128xf32, #tpu.memory_space<vmem>>) offsets(%dma_start3A_82 : memref<128xi32, #tpu.memory_space<vmem>>) semaphore(%arg10 : memref<!tpu.dma_semaphore, #tpu.memory_space<semaphore_mem>>)
    %while3A = arith.constant 0 : i32
    %while3A_86 = arith.constant 0 : i32
    %while3A_87 = arith.subi %select_n3A, %while3A_86 : i32
    %while3A_88 = arith.addi %while3A_86, %while3A_87 : i32
    %while3A_89 = arith.constant 1 : i32
    %while3A_90 = arith.divsi %while3A_87, %while3A_89 : i32
    %while3A_91 = arith.muli %while3A_90, %while3A_89 : i32
    %while3A_92 = arith.addi %while3A_86, %while3A_91 : i32
    %while3A_93 = arith.constant 1 : i32
    scf.for %while3A_121 = %while3A_86 to %while3A_92 step %while3A_93  : i32 {
      %rem3A_122 = arith.constant 3 : i32
      %rem3A_123 = arith.remsi %while3A_121, %rem3A_122 : i32
      %mul3A_124 = arith.constant 128 : i32
      %mul3A_125 = arith.muli %rem3A_123, %mul3A_124 : i32
      %ge3A = arith.constant 1 : i32
      %ge3A_126 = arith.cmpi sge, %while3A_121, %ge3A : i32
      %convert_element_type3A_127 = arith.extui %ge3A_126 : i1 to i32
      %cond3A_128 = arith.constant 0 : i32
      %cond3A_129 = arith.cmpi ne, %convert_element_type3A_127, %cond3A_128 : i32
      scf.if %cond3A_129 {
        %add3A_164 = arith.constant 2 : i32
        %add3A_165 = arith.addi %while3A_121, %add3A_164 : i32
        %rem3A_166 = arith.constant 3 : i32
        %rem3A_167 = arith.remsi %add3A_165, %rem3A_166 : i32
        %mul3A_168 = arith.constant 128 : i32
        %mul3A_169 = arith.muli %rem3A_167, %mul3A_168 : i32
        %dma_wait3A_170 = arith.constant 0 : i32
        %dma_wait3A_171 = tpu.memref_slice %arg7[%mul3A_169, %dma_wait3A_170] : memref<384x128xf32, #tpu.memory_space<vmem>> -> memref<128x128xf32, #tpu.memory_space<vmem>>
        %dma_wait3A_172 = arith.constant 0 : i32
        %dma_wait3A_173 = arith.constant 0 : i32
        %dma_wait3A_174 = tpu.memref_slice %arg3[%dma_wait3A_172, %dma_wait3A_173] : memref<10000x128xf32, #tpu.memory_space<hbm>> -> memref<128x128xf32, #tpu.memory_space<hbm>>
        %dma_wait3A_175 = arith.constant 0 : i32
        %dma_wait3A_176 = tpu.memref_slice %arg7[%mul3A_169, %dma_wait3A_175] : memref<384x128xf32, #tpu.memory_space<vmem>> -> memref<128x128xf32, #tpu.memory_space<vmem>>
        %dma_wait3A_177 = arith.constant 0 : i32
        %dma_wait3A_178 = arith.constant 0 : i32
        %dma_wait3A_179 = tpu.memref_slice %arg3[%dma_wait3A_177, %dma_wait3A_178] : memref<10000x128xf32, #tpu.memory_space<hbm>> -> memref<128x128xf32, #tpu.memory_space<hbm>>
        tpu.wait_dma2 semaphore(%arg11 : memref<!tpu.dma_semaphore, #tpu.memory_space<semaphore_mem>>) src(%dma_wait3A_179 : memref<128x128xf32, #tpu.memory_space<hbm>>) dst(%dma_wait3A_176 : memref<128x128xf32, #tpu.memory_space<vmem>>)
      } else {
      }
      %add3A = arith.constant 4 : i32
      %add3A_130 = arith.addi %while3A_121, %add3A : i32
      %sub3A_131 = arith.constant 1 : i32
      %sub3A_132 = arith.subi %add3A_130, %sub3A_131 : i32
      %lt3A_133 = arith.cmpi slt, %sub3A_132, %select_n3A : i32
      %convert_element_type3A_134 = arith.extui %lt3A_133 : i1 to i32
      %cond3A_135 = arith.constant 0 : i32
      %cond3A_136 = arith.cmpi ne, %convert_element_type3A_134, %cond3A_135 : i32
      scf.if %cond3A_136 {
        %add3A_164 = arith.constant 4 : i32
        %add3A_165 = arith.addi %while3A_121, %add3A_164 : i32
        %sub3A_166 = arith.constant 1 : i32
        %sub3A_167 = arith.subi %add3A_165, %sub3A_166 : i32
        %rem3A_168 = arith.constant 4 : i32
        %rem3A_169 = arith.remsi %sub3A_167, %rem3A_168 : i32
        %dma_start3A_170 = arith.constant 0 : i32
        %dma_start3A_171 = arith.constant 0 : i32
        %dma_start3A_172 = tpu.memref_slice %arg6[%rem3A_169, %dma_start3A_170, %dma_start3A_171] : memref<4x2x128xi32, #tpu.memory_space<vmem>> -> memref<1x2x128xi32, #tpu.memory_space<vmem>>
        %dma_start3A_173 = tpu.memref_squeeze %dma_start3A_172 : memref<1x2x128xi32, #tpu.memory_space<vmem>> -> memref<2x128xi32, #tpu.memory_space<vmem>>
        %dma_start3A_174 = arith.constant 0 : i32
        %dma_start3A_175 = arith.constant 0 : i32
        %dma_start3A_176 = tpu.memref_slice %arg2[%arg0, %arg1, %sub3A_167, %dma_start3A_174, %dma_start3A_175] : memref<2x16x129x2x128xi32, #tpu.memory_space<hbm>> -> memref<1x1x1x2x128xi32, #tpu.memory_space<hbm>>
        %dma_start3A_177 = tpu.memref_squeeze %dma_start3A_176 : memref<1x1x1x2x128xi32, #tpu.memory_space<hbm>> -> memref<2x128xi32, #tpu.memory_space<hbm>>
        %dma_start3A_178 = arith.constant 0 : i32
        %dma_start3A_179 = arith.constant 0 : i32
        %dma_start3A_180 = tpu.memref_slice %arg6[%rem3A_169, %dma_start3A_178, %dma_start3A_179] : memref<4x2x128xi32, #tpu.memory_space<vmem>> -> memref<1x2x128xi32, #tpu.memory_space<vmem>>
        %dma_start3A_181 = tpu.memref_squeeze %dma_start3A_180 : memref<1x2x128xi32, #tpu.memory_space<vmem>> -> memref<2x128xi32, #tpu.memory_space<vmem>>
        %dma_start3A_182 = arith.constant 0 : i32
        %dma_start3A_183 = arith.constant 0 : i32
        %dma_start3A_184 = tpu.memref_slice %arg2[%arg0, %arg1, %sub3A_167, %dma_start3A_182, %dma_start3A_183] : memref<2x16x129x2x128xi32, #tpu.memory_space<hbm>> -> memref<1x1x1x2x128xi32, #tpu.memory_space<hbm>>
        %dma_start3A_185 = tpu.memref_squeeze %dma_start3A_184 : memref<1x1x1x2x128xi32, #tpu.memory_space<hbm>> -> memref<2x128xi32, #tpu.memory_space<hbm>>
        tpu.enqueue_dma source(%dma_start3A_185 : memref<2x128xi32, #tpu.memory_space<hbm>>) target(%dma_start3A_181 : memref<2x128xi32, #tpu.memory_space<vmem>>) target_semaphore(%arg9 : memref<!tpu.dma_semaphore, #tpu.memory_space<semaphore_mem>>)
      } else {
      }
      %add3A_137 = arith.constant 2 : i32
      %add3A_138 = arith.addi %while3A_121, %add3A_137 : i32
      %lt3A_139 = arith.cmpi slt, %add3A_138, %select_n3A : i32
      %convert_element_type3A_140 = arith.extui %lt3A_139 : i1 to i32
      %cond3A_141 = arith.constant 0 : i32
      %cond3A_142 = arith.cmpi ne, %convert_element_type3A_140, %cond3A_141 : i32
      scf.if %cond3A_142 {
        %dma_wait3A_164 = arith.constant 0 : i32
        %dma_wait3A_165 = arith.constant 0 : i32
        %dma_wait3A_166 = arith.constant 0 : i32
        %dma_wait3A_167 = arith.constant 0 : i32
        %dma_wait3A_168 = tpu.memref_slice %arg6[%dma_wait3A_165, %dma_wait3A_166, %dma_wait3A_167] : memref<4x2x128xi32, #tpu.memory_space<vmem>> -> memref<1x2x128xi32, #tpu.memory_space<vmem>>
        %dma_wait3A_169 = tpu.memref_squeeze %dma_wait3A_168 : memref<1x2x128xi32, #tpu.memory_space<vmem>> -> memref<2x128xi32, #tpu.memory_space<vmem>>
        %dma_wait3A_170 = arith.constant 0 : i32
        %dma_wait3A_171 = arith.constant 0 : i32
        %dma_wait3A_172 = tpu.memref_slice %arg2[%arg0, %arg1, %dma_wait3A_164, %dma_wait3A_170, %dma_wait3A_171] : memref<2x16x129x2x128xi32, #tpu.memory_space<hbm>> -> memref<1x1x1x2x128xi32, #tpu.memory_space<hbm>>
        %dma_wait3A_173 = tpu.memref_squeeze %dma_wait3A_172 : memref<1x1x1x2x128xi32, #tpu.memory_space<hbm>> -> memref<2x128xi32, #tpu.memory_space<hbm>>
        %dma_wait3A_174 = arith.constant 0 : i32
        %dma_wait3A_175 = arith.constant 0 : i32
        %dma_wait3A_176 = tpu.memref_slice %arg6[%dma_wait3A_165, %dma_wait3A_174, %dma_wait3A_175] : memref<4x2x128xi32, #tpu.memory_space<vmem>> -> memref<1x2x128xi32, #tpu.memory_space<vmem>>
        %dma_wait3A_177 = tpu.memref_squeeze %dma_wait3A_176 : memref<1x2x128xi32, #tpu.memory_space<vmem>> -> memref<2x128xi32, #tpu.memory_space<vmem>>
        %dma_wait3A_178 = arith.constant 0 : i32
        %dma_wait3A_179 = arith.constant 0 : i32
        %dma_wait3A_180 = tpu.memref_slice %arg2[%arg0, %arg1, %dma_wait3A_164, %dma_wait3A_178, %dma_wait3A_179] : memref<2x16x129x2x128xi32, #tpu.memory_space<hbm>> -> memref<1x1x1x2x128xi32, #tpu.memory_space<hbm>>
        %dma_wait3A_181 = tpu.memref_squeeze %dma_wait3A_180 : memref<1x1x1x2x128xi32, #tpu.memory_space<hbm>> -> memref<2x128xi32, #tpu.memory_space<hbm>>
        tpu.wait_dma2 semaphore(%arg9 : memref<!tpu.dma_semaphore, #tpu.memory_space<semaphore_mem>>) src(%dma_wait3A_181 : memref<2x128xi32, #tpu.memory_space<hbm>>) dst(%dma_wait3A_177 : memref<2x128xi32, #tpu.memory_space<vmem>>)
        %add3A_182 = arith.constant 2 : i32
        %add3A_183 = arith.addi %while3A_121, %add3A_182 : i32
        %rem3A_184 = arith.constant 4 : i32
        %rem3A_185 = arith.remsi %add3A_183, %rem3A_184 : i32
        %rem3A_186 = arith.constant 3 : i32
        %rem3A_187 = arith.remsi %add3A_183, %rem3A_186 : i32
        %mul3A_188 = arith.constant 128 : i32
        %mul3A_189 = arith.muli %rem3A_187, %mul3A_188 : i32
        %dma_start3A_190 = arith.constant 0 : i32
        %dma_start3A_191 = arith.constant 0 : i32
        %dma_start3A_192 = tpu.memref_slice %arg7[%mul3A_189, %dma_start3A_191] : memref<384x128xf32, #tpu.memory_space<vmem>> -> memref<128x128xf32, #tpu.memory_space<vmem>>
        %dma_start3A_193 = arith.constant 0 : i32
        %dma_start3A_194 = tpu.memref_slice %arg6[%rem3A_185, %dma_start3A_190, %dma_start3A_193] : memref<4x2x128xi32, #tpu.memory_space<vmem>> -> memref<1x1x128xi32, #tpu.memory_space<vmem>>
        %dma_start3A_195 = tpu.memref_squeeze %dma_start3A_194 : memref<1x1x128xi32, #tpu.memory_space<vmem>> -> memref<128xi32, #tpu.memory_space<vmem>>
        %dma_start3A_196 = arith.constant 0 : i32
        %dma_start3A_197 = arith.constant 0 : i32
        %dma_start3A_198 = tpu.memref_slice %arg3[%dma_start3A_196, %dma_start3A_197] : memref<10000x128xf32, #tpu.memory_space<hbm>> -> memref<10000x128xf32, #tpu.memory_space<hbm>>
        tpu.enqueue_indirect_dma source(%dma_start3A_198 : memref<10000x128xf32, #tpu.memory_space<hbm>>) target(%dma_start3A_192 : memref<128x128xf32, #tpu.memory_space<vmem>>) offsets(%dma_start3A_195 : memref<128xi32, #tpu.memory_space<vmem>>) semaphore(%arg10 : memref<!tpu.dma_semaphore, #tpu.memory_space<semaphore_mem>>)
      } else {
      }
      %dma_wait3A_143 = arith.constant 0 : i32
      %dma_wait3A_144 = tpu.memref_slice %arg7[%mul3A_125, %dma_wait3A_143] : memref<384x128xf32, #tpu.memory_space<vmem>> -> memref<128x128xf32, #tpu.memory_space<vmem>>
      %dma_wait3A_145 = arith.constant 0 : i32
      %dma_wait3A_146 = arith.constant 0 : i32
      %dma_wait3A_147 = tpu.memref_slice %arg3[%dma_wait3A_145, %dma_wait3A_146] : memref<10000x128xf32, #tpu.memory_space<hbm>> -> memref<128x128xf32, #tpu.memory_space<hbm>>
      %dma_wait3A_148 = arith.constant 0 : i32
      %dma_wait3A_149 = tpu.memref_slice %arg7[%mul3A_125, %dma_wait3A_148] : memref<384x128xf32, #tpu.memory_space<vmem>> -> memref<128x128xf32, #tpu.memory_space<vmem>>
      %dma_wait3A_150 = arith.constant 0 : i32
      %dma_wait3A_151 = arith.constant 0 : i32
      %dma_wait3A_152 = tpu.memref_slice %arg3[%dma_wait3A_150, %dma_wait3A_151] : memref<10000x128xf32, #tpu.memory_space<hbm>> -> memref<128x128xf32, #tpu.memory_space<hbm>>
      tpu.wait_dma2 semaphore(%arg10 : memref<!tpu.dma_semaphore, #tpu.memory_space<semaphore_mem>>) src(%dma_wait3A_152 : memref<128x128xf32, #tpu.memory_space<hbm>>) dst(%dma_wait3A_149 : memref<128x128xf32, #tpu.memory_space<vmem>>)
      %rem3A_153 = arith.constant 4 : i32
      %rem3A_154 = arith.remsi %while3A_121, %rem3A_153 : i32
      %dma_start3A_155 = arith.constant 1 : i32
      %dma_start3A_156 = arith.constant 0 : i32
      %dma_start3A_157 = tpu.memref_slice %arg7[%mul3A_125, %dma_start3A_156] : memref<384x128xf32, #tpu.memory_space<vmem>> -> memref<128x128xf32, #tpu.memory_space<vmem>>
      %dma_start3A_158 = arith.constant 0 : i32
      %dma_start3A_159 = tpu.memref_slice %arg6[%rem3A_154, %dma_start3A_155, %dma_start3A_158] : memref<4x2x128xi32, #tpu.memory_space<vmem>> -> memref<1x1x128xi32, #tpu.memory_space<vmem>>
      %dma_start3A_160 = tpu.memref_squeeze %dma_start3A_159 : memref<1x1x128xi32, #tpu.memory_space<vmem>> -> memref<128xi32, #tpu.memory_space<vmem>>
      %dma_start3A_161 = arith.constant 0 : i32
      %dma_start3A_162 = arith.constant 0 : i32
      %dma_start3A_163 = tpu.memref_slice %arg8[%dma_start3A_161, %dma_start3A_162] : memref<10008x128xf32, #tpu.memory_space<vmem_shared>> -> memref<10008x128xf32, #tpu.memory_space<vmem_shared>>
      tpu.enqueue_indirect_dma source(%dma_start3A_157 : memref<128x128xf32, #tpu.memory_space<vmem>>) target(%dma_start3A_163 : memref<10008x128xf32, #tpu.memory_space<vmem_shared>>) offsets(%dma_start3A_160 : memref<128xi32, #tpu.memory_space<vmem>>) semaphore(%arg11 : memref<!tpu.dma_semaphore, #tpu.memory_space<semaphore_mem>>) {add = true}
    }
    %while3A_94 = arith.constant 1 : i32
    scf.for %while3A_121 = %while3A_92 to %while3A_88 step %while3A_94  : i32 {
      %rem3A_122 = arith.constant 3 : i32
      %rem3A_123 = arith.remsi %while3A_121, %rem3A_122 : i32
      %mul3A_124 = arith.constant 128 : i32
      %mul3A_125 = arith.muli %rem3A_123, %mul3A_124 : i32
      %ge3A = arith.constant 1 : i32
      %ge3A_126 = arith.cmpi sge, %while3A_121, %ge3A : i32
      %convert_element_type3A_127 = arith.extui %ge3A_126 : i1 to i32
      %cond3A_128 = arith.constant 0 : i32
      %cond3A_129 = arith.cmpi ne, %convert_element_type3A_127, %cond3A_128 : i32
      scf.if %cond3A_129 {
        %add3A_164 = arith.constant 2 : i32
        %add3A_165 = arith.addi %while3A_121, %add3A_164 : i32
        %rem3A_166 = arith.constant 3 : i32
        %rem3A_167 = arith.remsi %add3A_165, %rem3A_166 : i32
        %mul3A_168 = arith.constant 128 : i32
        %mul3A_169 = arith.muli %rem3A_167, %mul3A_168 : i32
        %dma_wait3A_170 = arith.constant 0 : i32
        %dma_wait3A_171 = tpu.memref_slice %arg7[%mul3A_169, %dma_wait3A_170] : memref<384x128xf32, #tpu.memory_space<vmem>> -> memref<128x128xf32, #tpu.memory_space<vmem>>
        %dma_wait3A_172 = arith.constant 0 : i32
        %dma_wait3A_173 = arith.constant 0 : i32
        %dma_wait3A_174 = tpu.memref_slice %arg3[%dma_wait3A_172, %dma_wait3A_173] : memref<10000x128xf32, #tpu.memory_space<hbm>> -> memref<128x128xf32, #tpu.memory_space<hbm>>
        %dma_wait3A_175 = arith.constant 0 : i32
        %dma_wait3A_176 = tpu.memref_slice %arg7[%mul3A_169, %dma_wait3A_175] : memref<384x128xf32, #tpu.memory_space<vmem>> -> memref<128x128xf32, #tpu.memory_space<vmem>>
        %dma_wait3A_177 = arith.constant 0 : i32
        %dma_wait3A_178 = arith.constant 0 : i32
        %dma_wait3A_179 = tpu.memref_slice %arg3[%dma_wait3A_177, %dma_wait3A_178] : memref<10000x128xf32, #tpu.memory_space<hbm>> -> memref<128x128xf32, #tpu.memory_space<hbm>>
        tpu.wait_dma2 semaphore(%arg11 : memref<!tpu.dma_semaphore, #tpu.memory_space<semaphore_mem>>) src(%dma_wait3A_179 : memref<128x128xf32, #tpu.memory_space<hbm>>) dst(%dma_wait3A_176 : memref<128x128xf32, #tpu.memory_space<vmem>>)
      } else {
      }
      %add3A = arith.constant 4 : i32
      %add3A_130 = arith.addi %while3A_121, %add3A : i32
      %sub3A_131 = arith.constant 1 : i32
      %sub3A_132 = arith.subi %add3A_130, %sub3A_131 : i32
      %lt3A_133 = arith.cmpi slt, %sub3A_132, %select_n3A : i32
      %convert_element_type3A_134 = arith.extui %lt3A_133 : i1 to i32
      %cond3A_135 = arith.constant 0 : i32
      %cond3A_136 = arith.cmpi ne, %convert_element_type3A_134, %cond3A_135 : i32
      scf.if %cond3A_136 {
        %add3A_164 = arith.constant 4 : i32
        %add3A_165 = arith.addi %while3A_121, %add3A_164 : i32
        %sub3A_166 = arith.constant 1 : i32
        %sub3A_167 = arith.subi %add3A_165, %sub3A_166 : i32
        %rem3A_168 = arith.constant 4 : i32
        %rem3A_169 = arith.remsi %sub3A_167, %rem3A_168 : i32
        %dma_start3A_170 = arith.constant 0 : i32
        %dma_start3A_171 = arith.constant 0 : i32
        %dma_start3A_172 = tpu.memref_slice %arg6[%rem3A_169, %dma_start3A_170, %dma_start3A_171] : memref<4x2x128xi32, #tpu.memory_space<vmem>> -> memref<1x2x128xi32, #tpu.memory_space<vmem>>
        %dma_start3A_173 = tpu.memref_squeeze %dma_start3A_172 : memref<1x2x128xi32, #tpu.memory_space<vmem>> -> memref<2x128xi32, #tpu.memory_space<vmem>>
        %dma_start3A_174 = arith.constant 0 : i32
        %dma_start3A_175 = arith.constant 0 : i32
        %dma_start3A_176 = tpu.memref_slice %arg2[%arg0, %arg1, %sub3A_167, %dma_start3A_174, %dma_start3A_175] : memref<2x16x129x2x128xi32, #tpu.memory_space<hbm>> -> memref<1x1x1x2x128xi32, #tpu.memory_space<hbm>>
        %dma_start3A_177 = tpu.memref_squeeze %dma_start3A_176 : memref<1x1x1x2x128xi32, #tpu.memory_space<hbm>> -> memref<2x128xi32, #tpu.memory_space<hbm>>
        %dma_start3A_178 = arith.constant 0 : i32
        %dma_start3A_179 = arith.constant 0 : i32
        %dma_start3A_180 = tpu.memref_slice %arg6[%rem3A_169, %dma_start3A_178, %dma_start3A_179] : memref<4x2x128xi32, #tpu.memory_space<vmem>> -> memref<1x2x128xi32, #tpu.memory_space<vmem>>
        %dma_start3A_181 = tpu.memref_squeeze %dma_start3A_180 : memref<1x2x128xi32, #tpu.memory_space<vmem>> -> memref<2x128xi32, #tpu.memory_space<vmem>>
        %dma_start3A_182 = arith.constant 0 : i32
        %dma_start3A_183 = arith.constant 0 : i32
        %dma_start3A_184 = tpu.memref_slice %arg2[%arg0, %arg1, %sub3A_167, %dma_start3A_182, %dma_start3A_183] : memref<2x16x129x2x128xi32, #tpu.memory_space<hbm>> -> memref<1x1x1x2x128xi32, #tpu.memory_space<hbm>>
        %dma_start3A_185 = tpu.memref_squeeze %dma_start3A_184 : memref<1x1x1x2x128xi32, #tpu.memory_space<hbm>> -> memref<2x128xi32, #tpu.memory_space<hbm>>
        tpu.enqueue_dma source(%dma_start3A_185 : memref<2x128xi32, #tpu.memory_space<hbm>>) target(%dma_start3A_181 : memref<2x128xi32, #tpu.memory_space<vmem>>) target_semaphore(%arg9 : memref<!tpu.dma_semaphore, #tpu.memory_space<semaphore_mem>>)
      } else {
      }
      %add3A_137 = arith.constant 2 : i32
      %add3A_138 = arith.addi %while3A_121, %add3A_137 : i32
      %lt3A_139 = arith.cmpi slt, %add3A_138, %select_n3A : i32
      %convert_element_type3A_140 = arith.extui %lt3A_139 : i1 to i32
      %cond3A_141 = arith.constant 0 : i32
      %cond3A_142 = arith.cmpi ne, %convert_element_type3A_140, %cond3A_141 : i32
      scf.if %cond3A_142 {
        %dma_wait3A_164 = arith.constant 0 : i32
        %dma_wait3A_165 = arith.constant 0 : i32
        %dma_wait3A_166 = arith.constant 0 : i32
        %dma_wait3A_167 = arith.constant 0 : i32
        %dma_wait3A_168 = tpu.memref_slice %arg6[%dma_wait3A_165, %dma_wait3A_166, %dma_wait3A_167] : memref<4x2x128xi32, #tpu.memory_space<vmem>> -> memref<1x2x128xi32, #tpu.memory_space<vmem>>
        %dma_wait3A_169 = tpu.memref_squeeze %dma_wait3A_168 : memref<1x2x128xi32, #tpu.memory_space<vmem>> -> memref<2x128xi32, #tpu.memory_space<vmem>>
        %dma_wait3A_170 = arith.constant 0 : i32
        %dma_wait3A_171 = arith.constant 0 : i32
        %dma_wait3A_172 = tpu.memref_slice %arg2[%arg0, %arg1, %dma_wait3A_164, %dma_wait3A_170, %dma_wait3A_171] : memref<2x16x129x2x128xi32, #tpu.memory_space<hbm>> -> memref<1x1x1x2x128xi32, #tpu.memory_space<hbm>>
        %dma_wait3A_173 = tpu.memref_squeeze %dma_wait3A_172 : memref<1x1x1x2x128xi32, #tpu.memory_space<hbm>> -> memref<2x128xi32, #tpu.memory_space<hbm>>
        %dma_wait3A_174 = arith.constant 0 : i32
        %dma_wait3A_175 = arith.constant 0 : i32
        %dma_wait3A_176 = tpu.memref_slice %arg6[%dma_wait3A_165, %dma_wait3A_174, %dma_wait3A_175] : memref<4x2x128xi32, #tpu.memory_space<vmem>> -> memref<1x2x128xi32, #tpu.memory_space<vmem>>
        %dma_wait3A_177 = tpu.memref_squeeze %dma_wait3A_176 : memref<1x2x128xi32, #tpu.memory_space<vmem>> -> memref<2x128xi32, #tpu.memory_space<vmem>>
        %dma_wait3A_178 = arith.constant 0 : i32
        %dma_wait3A_179 = arith.constant 0 : i32
        %dma_wait3A_180 = tpu.memref_slice %arg2[%arg0, %arg1, %dma_wait3A_164, %dma_wait3A_178, %dma_wait3A_179] : memref<2x16x129x2x128xi32, #tpu.memory_space<hbm>> -> memref<1x1x1x2x128xi32, #tpu.memory_space<hbm>>
        %dma_wait3A_181 = tpu.memref_squeeze %dma_wait3A_180 : memref<1x1x1x2x128xi32, #tpu.memory_space<hbm>> -> memref<2x128xi32, #tpu.memory_space<hbm>>
        tpu.wait_dma2 semaphore(%arg9 : memref<!tpu.dma_semaphore, #tpu.memory_space<semaphore_mem>>) src(%dma_wait3A_181 : memref<2x128xi32, #tpu.memory_space<hbm>>) dst(%dma_wait3A_177 : memref<2x128xi32, #tpu.memory_space<vmem>>)
        %add3A_182 = arith.constant 2 : i32
        %add3A_183 = arith.addi %while3A_121, %add3A_182 : i32
        %rem3A_184 = arith.constant 4 : i32
        %rem3A_185 = arith.remsi %add3A_183, %rem3A_184 : i32
        %rem3A_186 = arith.constant 3 : i32
        %rem3A_187 = arith.remsi %add3A_183, %rem3A_186 : i32
        %mul3A_188 = arith.constant 128 : i32
        %mul3A_189 = arith.muli %rem3A_187, %mul3A_188 : i32
        %dma_start3A_190 = arith.constant 0 : i32
        %dma_start3A_191 = arith.constant 0 : i32
        %dma_start3A_192 = tpu.memref_slice %arg7[%mul3A_189, %dma_start3A_191] : memref<384x128xf32, #tpu.memory_space<vmem>> -> memref<128x128xf32, #tpu.memory_space<vmem>>
        %dma_start3A_193 = arith.constant 0 : i32
        %dma_start3A_194 = tpu.memref_slice %arg6[%rem3A_185, %dma_start3A_190, %dma_start3A_193] : memref<4x2x128xi32, #tpu.memory_space<vmem>> -> memref<1x1x128xi32, #tpu.memory_space<vmem>>
        %dma_start3A_195 = tpu.memref_squeeze %dma_start3A_194 : memref<1x1x128xi32, #tpu.memory_space<vmem>> -> memref<128xi32, #tpu.memory_space<vmem>>
        %dma_start3A_196 = arith.constant 0 : i32
        %dma_start3A_197 = arith.constant 0 : i32
        %dma_start3A_198 = tpu.memref_slice %arg3[%dma_start3A_196, %dma_start3A_197] : memref<10000x128xf32, #tpu.memory_space<hbm>> -> memref<10000x128xf32, #tpu.memory_space<hbm>>
        tpu.enqueue_indirect_dma source(%dma_start3A_198 : memref<10000x128xf32, #tpu.memory_space<hbm>>) target(%dma_start3A_192 : memref<128x128xf32, #tpu.memory_space<vmem>>) offsets(%dma_start3A_195 : memref<128xi32, #tpu.memory_space<vmem>>) semaphore(%arg10 : memref<!tpu.dma_semaphore, #tpu.memory_space<semaphore_mem>>)
      } else {
      }
      %dma_wait3A_143 = arith.constant 0 : i32
      %dma_wait3A_144 = tpu.memref_slice %arg7[%mul3A_125, %dma_wait3A_143] : memref<384x128xf32, #tpu.memory_space<vmem>> -> memref<128x128xf32, #tpu.memory_space<vmem>>
      %dma_wait3A_145 = arith.constant 0 : i32
      %dma_wait3A_146 = arith.constant 0 : i32
      %dma_wait3A_147 = tpu.memref_slice %arg3[%dma_wait3A_145, %dma_wait3A_146] : memref<10000x128xf32, #tpu.memory_space<hbm>> -> memref<128x128xf32, #tpu.memory_space<hbm>>
      %dma_wait3A_148 = arith.constant 0 : i32
      %dma_wait3A_149 = tpu.memref_slice %arg7[%mul3A_125, %dma_wait3A_148] : memref<384x128xf32, #tpu.memory_space<vmem>> -> memref<128x128xf32, #tpu.memory_space<vmem>>
      %dma_wait3A_150 = arith.constant 0 : i32
      %dma_wait3A_151 = arith.constant 0 : i32
      %dma_wait3A_152 = tpu.memref_slice %arg3[%dma_wait3A_150, %dma_wait3A_151] : memref<10000x128xf32, #tpu.memory_space<hbm>> -> memref<128x128xf32, #tpu.memory_space<hbm>>
      tpu.wait_dma2 semaphore(%arg10 : memref<!tpu.dma_semaphore, #tpu.memory_space<semaphore_mem>>) src(%dma_wait3A_152 : memref<128x128xf32, #tpu.memory_space<hbm>>) dst(%dma_wait3A_149 : memref<128x128xf32, #tpu.memory_space<vmem>>)
      %rem3A_153 = arith.constant 4 : i32
      %rem3A_154 = arith.remsi %while3A_121, %rem3A_153 : i32
      %dma_start3A_155 = arith.constant 1 : i32
      %dma_start3A_156 = arith.constant 0 : i32
      %dma_start3A_157 = tpu.memref_slice %arg7[%mul3A_125, %dma_start3A_156] : memref<384x128xf32, #tpu.memory_space<vmem>> -> memref<128x128xf32, #tpu.memory_space<vmem>>
      %dma_start3A_158 = arith.constant 0 : i32
      %dma_start3A_159 = tpu.memref_slice %arg6[%rem3A_154, %dma_start3A_155, %dma_start3A_158] : memref<4x2x128xi32, #tpu.memory_space<vmem>> -> memref<1x1x128xi32, #tpu.memory_space<vmem>>
      %dma_start3A_160 = tpu.memref_squeeze %dma_start3A_159 : memref<1x1x128xi32, #tpu.memory_space<vmem>> -> memref<128xi32, #tpu.memory_space<vmem>>
      %dma_start3A_161 = arith.constant 0 : i32
      %dma_start3A_162 = arith.constant 0 : i32
      %dma_start3A_163 = tpu.memref_slice %arg8[%dma_start3A_161, %dma_start3A_162] : memref<10008x128xf32, #tpu.memory_space<vmem_shared>> -> memref<10008x128xf32, #tpu.memory_space<vmem_shared>>
      tpu.enqueue_indirect_dma source(%dma_start3A_157 : memref<128x128xf32, #tpu.memory_space<vmem>>) target(%dma_start3A_163 : memref<10008x128xf32, #tpu.memory_space<vmem_shared>>) offsets(%dma_start3A_160 : memref<128xi32, #tpu.memory_space<vmem>>) semaphore(%arg11 : memref<!tpu.dma_semaphore, #tpu.memory_space<semaphore_mem>>) {add = true}
    }
    %sub3A = arith.constant 1 : i32
    %sub3A_95 = arith.subi %select_n3A, %sub3A : i32
    %rem3A_96 = arith.constant 3 : i32
    %rem3A_97 = arith.remsi %sub3A_95, %rem3A_96 : i32
    %mul3A_98 = arith.constant 128 : i32
    %mul3A_99 = arith.muli %rem3A_97, %mul3A_98 : i32
    %dma_wait3A_100 = arith.constant 0 : i32
    %dma_wait3A_101 = tpu.memref_slice %arg7[%mul3A_99, %dma_wait3A_100] : memref<384x128xf32, #tpu.memory_space<vmem>> -> memref<128x128xf32, #tpu.memory_space<vmem>>
    %dma_wait3A_102 = arith.constant 0 : i32
    %dma_wait3A_103 = arith.constant 0 : i32
    %dma_wait3A_104 = tpu.memref_slice %arg3[%dma_wait3A_102, %dma_wait3A_103] : memref<10000x128xf32, #tpu.memory_space<hbm>> -> memref<128x128xf32, #tpu.memory_space<hbm>>
    %dma_wait3A_105 = arith.constant 0 : i32
    %dma_wait3A_106 = tpu.memref_slice %arg7[%mul3A_99, %dma_wait3A_105] : memref<384x128xf32, #tpu.memory_space<vmem>> -> memref<128x128xf32, #tpu.memory_space<vmem>>
    %dma_wait3A_107 = arith.constant 0 : i32
    %dma_wait3A_108 = arith.constant 0 : i32
    %dma_wait3A_109 = tpu.memref_slice %arg3[%dma_wait3A_107, %dma_wait3A_108] : memref<10000x128xf32, #tpu.memory_space<hbm>> -> memref<128x128xf32, #tpu.memory_space<hbm>>
    tpu.wait_dma2 semaphore(%arg11 : memref<!tpu.dma_semaphore, #tpu.memory_space<semaphore_mem>>) src(%dma_wait3A_109 : memref<128x128xf32, #tpu.memory_space<hbm>>) dst(%dma_wait3A_106 : memref<128x128xf32, #tpu.memory_space<vmem>>)
    %barrier3A_110 = arith.constant 0 : index
    tpu.barrier barrier_id(%barrier3A_110)
    %lt3A_111 = arith.constant 15 : i32
    %lt3A_112 = arith.cmpi slt, %arg1, %lt3A_111 : i32
    %convert_element_type3A_113 = arith.extui %lt3A_112 : i1 to i32
    %cond3A_114 = arith.constant 0 : i32
    %cond3A_115 = arith.cmpi ne, %convert_element_type3A_113, %cond3A_114 : i32
    scf.if %cond3A_115 {
      %mul3A_121 = arith.constant 632 : i32
      %mul3A_122 = arith.muli %arg1, %mul3A_121 : i32
      %mul3A_123 = arith.constant 632 : i32
      %mul3A_124 = arith.muli %arg1, %mul3A_123 : i32
      "tpu.region"() ({
        %run_scoped3A = tpu.sem_alloc : memref<!tpu.dma_semaphore, #tpu.memory_space<semaphore_mem>>
        %dma_start3A_125 = arith.constant 0 : i32
        %dma_start3A_126 = tpu.memref_slice %arg5[%arg0, %mul3A_124, %dma_start3A_125] : memref<2x10008x128xf32, #tpu.memory_space<hbm>> -> memref<1x632x128xf32, #tpu.memory_space<hbm>>
        %dma_start3A_127 = tpu.memref_squeeze %dma_start3A_126 : memref<1x632x128xf32, #tpu.memory_space<hbm>> -> memref<632x128xf32, #tpu.memory_space<hbm>>
        %dma_start3A_128 = arith.constant 0 : i32
        %dma_start3A_129 = tpu.memref_slice %arg8[%mul3A_122, %dma_start3A_128] : memref<10008x128xf32, #tpu.memory_space<vmem_shared>> -> memref<632x128xf32, #tpu.memory_space<vmem_shared>>
        tpu.enqueue_dma source(%dma_start3A_129 : memref<632x128xf32, #tpu.memory_space<vmem_shared>>) target(%dma_start3A_127 : memref<632x128xf32, #tpu.memory_space<hbm>>) target_semaphore(%run_scoped3A : memref<!tpu.dma_semaphore, #tpu.memory_space<semaphore_mem>>)
        %dma_wait3A_130 = arith.constant 0 : i32
        %dma_wait3A_131 = tpu.memref_slice %arg5[%arg0, %mul3A_124, %dma_wait3A_130] : memref<2x10008x128xf32, #tpu.memory_space<hbm>> -> memref<1x632x128xf32, #tpu.memory_space<hbm>>
        %dma_wait3A_132 = tpu.memref_squeeze %dma_wait3A_131 : memref<1x632x128xf32, #tpu.memory_space<hbm>> -> memref<632x128xf32, #tpu.memory_space<hbm>>
        %dma_wait3A_133 = arith.constant 0 : i32
        %dma_wait3A_134 = tpu.memref_slice %arg8[%mul3A_122, %dma_wait3A_133] : memref<10008x128xf32, #tpu.memory_space<vmem_shared>> -> memref<632x128xf32, #tpu.memory_space<vmem_shared>>
        tpu.wait_dma2 semaphore(%run_scoped3A : memref<!tpu.dma_semaphore, #tpu.memory_space<semaphore_mem>>) src(%dma_wait3A_134 : memref<632x128xf32, #tpu.memory_space<vmem_shared>>) dst(%dma_wait3A_132 : memref<632x128xf32, #tpu.memory_space<hbm>>)
        tpu.yield
      }) : () -> ()
    } else {
    }
    %eq3A_116 = arith.constant 15 : i32
    %eq3A_117 = arith.cmpi eq, %arg1, %eq3A_116 : i32
    %convert_element_type3A_118 = arith.extui %eq3A_117 : i1 to i32
    %cond3A_119 = arith.constant 0 : i32
    %cond3A_120 = arith.cmpi ne, %convert_element_type3A_118, %cond3A_119 : i32
    scf.if %cond3A_120 {
      %mul3A_121 = arith.constant 632 : i32
      %mul3A_122 = arith.muli %arg1, %mul3A_121 : i32
      %mul3A_123 = arith.constant 632 : i32
      %mul3A_124 = arith.muli %arg1, %mul3A_123 : i32
      "tpu.region"() ({
        %run_scoped3A = tpu.sem_alloc : memref<!tpu.dma_semaphore, #tpu.memory_space<semaphore_mem>>
        %dma_start3A_125 = arith.constant 0 : i32
        %dma_start3A_126 = tpu.memref_slice %arg5[%arg0, %mul3A_124, %dma_start3A_125] : memref<2x10008x128xf32, #tpu.memory_space<hbm>> -> memref<1x528x128xf32, #tpu.memory_space<hbm>>
        %dma_start3A_127 = tpu.memref_squeeze %dma_start3A_126 : memref<1x528x128xf32, #tpu.memory_space<hbm>> -> memref<528x128xf32, #tpu.memory_space<hbm>>
        %dma_start3A_128 = arith.constant 0 : i32
        %dma_start3A_129 = tpu.memref_slice %arg8[%mul3A_122, %dma_start3A_128] : memref<10008x128xf32, #tpu.memory_space<vmem_shared>> -> memref<528x128xf32, #tpu.memory_space<vmem_shared>>
        tpu.enqueue_dma source(%dma_start3A_129 : memref<528x128xf32, #tpu.memory_space<vmem_shared>>) target(%dma_start3A_127 : memref<528x128xf32, #tpu.memory_space<hbm>>) target_semaphore(%run_scoped3A : memref<!tpu.dma_semaphore, #tpu.memory_space<semaphore_mem>>)
        %dma_wait3A_130 = arith.constant 0 : i32
        %dma_wait3A_131 = tpu.memref_slice %arg5[%arg0, %mul3A_124, %dma_wait3A_130] : memref<2x10008x128xf32, #tpu.memory_space<hbm>> -> memref<1x528x128xf32, #tpu.memory_space<hbm>>
        %dma_wait3A_132 = tpu.memref_squeeze %dma_wait3A_131 : memref<1x528x128xf32, #tpu.memory_space<hbm>> -> memref<528x128xf32, #tpu.memory_space<hbm>>
        %dma_wait3A_133 = arith.constant 0 : i32
        %dma_wait3A_134 = tpu.memref_slice %arg8[%mul3A_122, %dma_wait3A_133] : memref<10008x128xf32, #tpu.memory_space<vmem_shared>> -> memref<528x128xf32, #tpu.memory_space<vmem_shared>>
        tpu.wait_dma2 semaphore(%run_scoped3A : memref<!tpu.dma_semaphore, #tpu.memory_space<semaphore_mem>>) src(%dma_wait3A_134 : memref<528x128xf32, #tpu.memory_space<vmem_shared>>) dst(%dma_wait3A_132 : memref<528x128xf32, #tpu.memory_space<hbm>>)
        tpu.yield
      }) : () -> ()
    } else {
    }
    return
  }
}

#map = affine_map<(d0, d1) -> (0, 0, 0, 0, 0)>
#map1 = affine_map<(d0, d1) -> (0, 0)>
#map2 = affine_map<(d0, d1) -> (0, 0, 0)>
module attributes {stable_mosaic.version = 14 : i64} {
  func.func @_sc_body(%arg0: i32, %arg1: i32, %arg2: memref<2x16x129x2x128xi32, #tpu.memory_space<hbm>>, %arg3: memref<10000x128xf32, #tpu.memory_space<hbm>>, %arg4: memref<128x128xf32, #tpu.memory_space<hbm>>, %arg5: memref<2x10008x128xf32, #tpu.memory_space<hbm>>, %arg6: memref<4x2x128xi32, #tpu.memory_space<vmem>>, %arg7: memref<384x128xf32, #tpu.memory_space<vmem>>, %arg8: memref<10008x128xf32, #tpu.memory_space<vmem_shared>>, %arg9: memref<!tpu.dma_semaphore, #tpu.memory_space<semaphore_mem>>, %arg10: memref<!tpu.dma_semaphore, #tpu.memory_space<semaphore_mem>>, %arg11: memref<!tpu.dma_semaphore, #tpu.memory_space<semaphore_mem>>) attributes {dimension_semantics = [#tpu.dimension_semantics<core_parallel>, #tpu.dimension_semantics<subcore_parallel>], iteration_bounds = array<i64: 2, 16>, scalar_prefetch = 0 : i64, scratch_operands = 6 : i64, tpu.core_type = #tpu.core_type<sc_vector_subcore>, window_params = [{transform_indices = #map}, {transform_indices = #map1}, {transform_indices = #map1}, {transform_indices = #map2}]} {
    "tpu.region"() ({
      %run_scoped3A = tpu.sem_alloc : memref<!tpu.dma_semaphore, #tpu.memory_space<semaphore_mem>>
      %dma_start3A_121 = arith.constant 0 : i32
      %dma_start3A_122 = arith.constant 0 : i32
      %dma_start3A_123 = tpu.memref_slice %arg7[%dma_start3A_121, %dma_start3A_122] : memref<384x128xf32, #tpu.memory_space<vmem>> -> memref<128x128xf32, #tpu.memory_space<vmem>>
      %dma_start3A_124 = arith.constant 0 : i32
      %dma_start3A_125 = arith.constant 0 : i32
      %dma_start3A_126 = tpu.memref_slice %arg7[%dma_start3A_124, %dma_start3A_125] : memref<384x128xf32, #tpu.memory_space<vmem>> -> memref<128x128xf32, #tpu.memory_space<vmem>>
      tpu.enqueue_dma source(%arg4 : memref<128x128xf32, #tpu.memory_space<hbm>>) target(%dma_start3A_126 : memref<128x128xf32, #tpu.memory_space<vmem>>) target_semaphore(%run_scoped3A : memref<!tpu.dma_semaphore, #tpu.memory_space<semaphore_mem>>)
      %dma_wait3A_127 = arith.constant 0 : i32
      %dma_wait3A_128 = arith.constant 0 : i32
      %dma_wait3A_129 = tpu.memref_slice %arg7[%dma_wait3A_127, %dma_wait3A_128] : memref<384x128xf32, #tpu.memory_space<vmem>> -> memref<128x128xf32, #tpu.memory_space<vmem>>
      %dma_wait3A_130 = arith.constant 0 : i32
      %dma_wait3A_131 = arith.constant 0 : i32
      %dma_wait3A_132 = tpu.memref_slice %arg7[%dma_wait3A_130, %dma_wait3A_131] : memref<384x128xf32, #tpu.memory_space<vmem>> -> memref<128x128xf32, #tpu.memory_space<vmem>>
      tpu.wait_dma2 semaphore(%run_scoped3A : memref<!tpu.dma_semaphore, #tpu.memory_space<semaphore_mem>>) src(%arg4 : memref<128x128xf32, #tpu.memory_space<hbm>>) dst(%dma_wait3A_132 : memref<128x128xf32, #tpu.memory_space<vmem>>)
      tpu.yield
    }) : () -> ()
    %scan3A = arith.constant 0 : i32
    %scan3A_0 = arith.constant 0 : i32
    %scan3A_1 = arith.constant 4 : i32
    %scan3A_2 = arith.addi %scan3A_0, %scan3A_1 : i32
    %scan3A_3 = arith.constant 1 : i32
    scf.for %scan3A_121 = %scan3A_0 to %scan3A_2 step %scan3A_3  : i32 {
      %mul3A_122 = arith.constant 632 : i32
      %mul3A_123 = arith.muli %arg1, %mul3A_122 : i32
      %mul3A_124 = arith.constant 128 : i32
      %mul3A_125 = arith.muli %scan3A_121, %mul3A_124 : i32
      %add3A = arith.addi %mul3A_123, %mul3A_125 : i32
      "tpu.region"() ({
        %run_scoped3A = tpu.sem_alloc : memref<!tpu.dma_semaphore, #tpu.memory_space<semaphore_mem>>
        %dma_start3A_126 = arith.constant 0 : i32
        %dma_start3A_127 = arith.constant 0 : i32
        %dma_start3A_128 = tpu.memref_slice %arg7[%dma_start3A_126, %dma_start3A_127] : memref<384x128xf32, #tpu.memory_space<vmem>> -> memref<128x128xf32, #tpu.memory_space<vmem>>
        %dma_start3A_129 = arith.constant 0 : i32
        %dma_start3A_130 = tpu.memref_slice %arg8[%add3A, %dma_start3A_129] : memref<10008x128xf32, #tpu.memory_space<vmem_shared>> -> memref<128x128xf32, #tpu.memory_space<vmem_shared>>
        %dma_start3A_131 = arith.constant 0 : i32
        %dma_start3A_132 = tpu.memref_slice %arg8[%add3A, %dma_start3A_131] : memref<10008x128xf32, #tpu.memory_space<vmem_shared>> -> memref<128x128xf32, #tpu.memory_space<vmem_shared>>
        %dma_start3A_133 = arith.constant 0 : i32
        %dma_start3A_134 = arith.constant 0 : i32
        %dma_start3A_135 = tpu.memref_slice %arg7[%dma_start3A_133, %dma_start3A_134] : memref<384x128xf32, #tpu.memory_space<vmem>> -> memref<128x128xf32, #tpu.memory_space<vmem>>
        tpu.enqueue_dma source(%dma_start3A_135 : memref<128x128xf32, #tpu.memory_space<vmem>>) target(%dma_start3A_132 : memref<128x128xf32, #tpu.memory_space<vmem_shared>>) target_semaphore(%run_scoped3A : memref<!tpu.dma_semaphore, #tpu.memory_space<semaphore_mem>>)
        %dma_wait3A_136 = arith.constant 0 : i32
        %dma_wait3A_137 = arith.constant 0 : i32
        %dma_wait3A_138 = tpu.memref_slice %arg7[%dma_wait3A_136, %dma_wait3A_137] : memref<384x128xf32, #tpu.memory_space<vmem>> -> memref<128x128xf32, #tpu.memory_space<vmem>>
        %dma_wait3A_139 = arith.constant 0 : i32
        %dma_wait3A_140 = tpu.memref_slice %arg8[%add3A, %dma_wait3A_139] : memref<10008x128xf32, #tpu.memory_space<vmem_shared>> -> memref<128x128xf32, #tpu.memory_space<vmem_shared>>
        %dma_wait3A_141 = arith.constant 0 : i32
        %dma_wait3A_142 = tpu.memref_slice %arg8[%add3A, %dma_wait3A_141] : memref<10008x128xf32, #tpu.memory_space<vmem_shared>> -> memref<128x128xf32, #tpu.memory_space<vmem_shared>>
        %dma_wait3A_143 = arith.constant 0 : i32
        %dma_wait3A_144 = arith.constant 0 : i32
        %dma_wait3A_145 = tpu.memref_slice %arg7[%dma_wait3A_143, %dma_wait3A_144] : memref<384x128xf32, #tpu.memory_space<vmem>> -> memref<128x128xf32, #tpu.memory_space<vmem>>
        tpu.wait_dma2 semaphore(%run_scoped3A : memref<!tpu.dma_semaphore, #tpu.memory_space<semaphore_mem>>) src(%dma_wait3A_145 : memref<128x128xf32, #tpu.memory_space<vmem>>) dst(%dma_wait3A_142 : memref<128x128xf32, #tpu.memory_space<vmem_shared>>)
        tpu.yield
      }) : () -> ()
    }
    %scan3A_4 = arith.constant 4 : i32
    %lt3A = arith.constant 15 : i32
    %lt3A_5 = arith.cmpi slt, %arg1, %lt3A : i32
    %convert_element_type3A = arith.extui %lt3A_5 : i1 to i32
    %cond3A = arith.constant 0 : i32
    %cond3A_6 = arith.cmpi ne, %convert_element_type3A, %cond3A : i32
    scf.if %cond3A_6 {
      %mul3A_121 = arith.constant 632 : i32
      %mul3A_122 = arith.muli %arg1, %mul3A_121 : i32
      %add3A = arith.constant 632 : i32
      %add3A_123 = arith.addi %mul3A_122, %add3A : i32
      %sub3A_124 = arith.constant 120 : i32
      %sub3A_125 = arith.subi %add3A_123, %sub3A_124 : i32
      "tpu.region"() ({
        %run_scoped3A = tpu.sem_alloc : memref<!tpu.dma_semaphore, #tpu.memory_space<semaphore_mem>>
        %dma_start3A_126 = arith.constant 0 : i32
        %dma_start3A_127 = arith.constant 0 : i32
        %dma_start3A_128 = tpu.memref_slice %arg7[%dma_start3A_126, %dma_start3A_127] : memref<384x128xf32, #tpu.memory_space<vmem>> -> memref<120x128xf32, #tpu.memory_space<vmem>>
        %dma_start3A_129 = arith.constant 0 : i32
        %dma_start3A_130 = tpu.memref_slice %arg8[%sub3A_125, %dma_start3A_129] : memref<10008x128xf32, #tpu.memory_space<vmem_shared>> -> memref<120x128xf32, #tpu.memory_space<vmem_shared>>
        %dma_start3A_131 = arith.constant 0 : i32
        %dma_start3A_132 = tpu.memref_slice %arg8[%sub3A_125, %dma_start3A_131] : memref<10008x128xf32, #tpu.memory_space<vmem_shared>> -> memref<120x128xf32, #tpu.memory_space<vmem_shared>>
        %dma_start3A_133 = arith.constant 0 : i32
        %dma_start3A_134 = arith.constant 0 : i32
        %dma_start3A_135 = tpu.memref_slice %arg7[%dma_start3A_133, %dma_start3A_134] : memref<384x128xf32, #tpu.memory_space<vmem>> -> memref<120x128xf32, #tpu.memory_space<vmem>>
        tpu.enqueue_dma source(%dma_start3A_135 : memref<120x128xf32, #tpu.memory_space<vmem>>) target(%dma_start3A_132 : memref<120x128xf32, #tpu.memory_space<vmem_shared>>) target_semaphore(%run_scoped3A : memref<!tpu.dma_semaphore, #tpu.memory_space<semaphore_mem>>)
        %dma_wait3A_136 = arith.constant 0 : i32
        %dma_wait3A_137 = arith.constant 0 : i32
        %dma_wait3A_138 = tpu.memref_slice %arg7[%dma_wait3A_136, %dma_wait3A_137] : memref<384x128xf32, #tpu.memory_space<vmem>> -> memref<120x128xf32, #tpu.memory_space<vmem>>
        %dma_wait3A_139 = arith.constant 0 : i32
        %dma_wait3A_140 = tpu.memref_slice %arg8[%sub3A_125, %dma_wait3A_139] : memref<10008x128xf32, #tpu.memory_space<vmem_shared>> -> memref<120x128xf32, #tpu.memory_space<vmem_shared>>
        %dma_wait3A_141 = arith.constant 0 : i32
        %dma_wait3A_142 = tpu.memref_slice %arg8[%sub3A_125, %dma_wait3A_141] : memref<10008x128xf32, #tpu.memory_space<vmem_shared>> -> memref<120x128xf32, #tpu.memory_space<vmem_shared>>
        %dma_wait3A_143 = arith.constant 0 : i32
        %dma_wait3A_144 = arith.constant 0 : i32
        %dma_wait3A_145 = tpu.memref_slice %arg7[%dma_wait3A_143, %dma_wait3A_144] : memref<384x128xf32, #tpu.memory_space<vmem>> -> memref<120x128xf32, #tpu.memory_space<vmem>>
        tpu.wait_dma2 semaphore(%run_scoped3A : memref<!tpu.dma_semaphore, #tpu.memory_space<semaphore_mem>>) src(%dma_wait3A_145 : memref<120x128xf32, #tpu.memory_space<vmem>>) dst(%dma_wait3A_142 : memref<120x128xf32, #tpu.memory_space<vmem_shared>>)
        tpu.yield
      }) : () -> ()
    } else {
    }
    %eq3A = arith.constant 15 : i32
    %eq3A_7 = arith.cmpi eq, %arg1, %eq3A : i32
    %convert_element_type3A_8 = arith.extui %eq3A_7 : i1 to i32
    %cond3A_9 = arith.constant 0 : i32
    %cond3A_10 = arith.cmpi ne, %convert_element_type3A_8, %cond3A_9 : i32
    scf.if %cond3A_10 {
      %mul3A_121 = arith.constant 632 : i32
      %mul3A_122 = arith.muli %arg1, %mul3A_121 : i32
      %add3A = arith.constant 528 : i32
      %add3A_123 = arith.addi %mul3A_122, %add3A : i32
      %sub3A_124 = arith.constant 16 : i32
      %sub3A_125 = arith.subi %add3A_123, %sub3A_124 : i32
      "tpu.region"() ({
        %run_scoped3A = tpu.sem_alloc : memref<!tpu.dma_semaphore, #tpu.memory_space<semaphore_mem>>
        %dma_start3A_126 = arith.constant 0 : i32
        %dma_start3A_127 = arith.constant 0 : i32
        %dma_start3A_128 = tpu.memref_slice %arg7[%dma_start3A_126, %dma_start3A_127] : memref<384x128xf32, #tpu.memory_space<vmem>> -> memref<16x128xf32, #tpu.memory_space<vmem>>
        %dma_start3A_129 = arith.constant 0 : i32
        %dma_start3A_130 = tpu.memref_slice %arg8[%sub3A_125, %dma_start3A_129] : memref<10008x128xf32, #tpu.memory_space<vmem_shared>> -> memref<16x128xf32, #tpu.memory_space<vmem_shared>>
        %dma_start3A_131 = arith.constant 0 : i32
        %dma_start3A_132 = tpu.memref_slice %arg8[%sub3A_125, %dma_start3A_131] : memref<10008x128xf32, #tpu.memory_space<vmem_shared>> -> memref<16x128xf32, #tpu.memory_space<vmem_shared>>
        %dma_start3A_133 = arith.constant 0 : i32
        %dma_start3A_134 = arith.constant 0 : i32
        %dma_start3A_135 = tpu.memref_slice %arg7[%dma_start3A_133, %dma_start3A_134] : memref<384x128xf32, #tpu.memory_space<vmem>> -> memref<16x128xf32, #tpu.memory_space<vmem>>
        tpu.enqueue_dma source(%dma_start3A_135 : memref<16x128xf32, #tpu.memory_space<vmem>>) target(%dma_start3A_132 : memref<16x128xf32, #tpu.memory_space<vmem_shared>>) target_semaphore(%run_scoped3A : memref<!tpu.dma_semaphore, #tpu.memory_space<semaphore_mem>>)
        %dma_wait3A_136 = arith.constant 0 : i32
        %dma_wait3A_137 = arith.constant 0 : i32
        %dma_wait3A_138 = tpu.memref_slice %arg7[%dma_wait3A_136, %dma_wait3A_137] : memref<384x128xf32, #tpu.memory_space<vmem>> -> memref<16x128xf32, #tpu.memory_space<vmem>>
        %dma_wait3A_139 = arith.constant 0 : i32
        %dma_wait3A_140 = tpu.memref_slice %arg8[%sub3A_125, %dma_wait3A_139] : memref<10008x128xf32, #tpu.memory_space<vmem_shared>> -> memref<16x128xf32, #tpu.memory_space<vmem_shared>>
        %dma_wait3A_141 = arith.constant 0 : i32
        %dma_wait3A_142 = tpu.memref_slice %arg8[%sub3A_125, %dma_wait3A_141] : memref<10008x128xf32, #tpu.memory_space<vmem_shared>> -> memref<16x128xf32, #tpu.memory_space<vmem_shared>>
        %dma_wait3A_143 = arith.constant 0 : i32
        %dma_wait3A_144 = arith.constant 0 : i32
        %dma_wait3A_145 = tpu.memref_slice %arg7[%dma_wait3A_143, %dma_wait3A_144] : memref<384x128xf32, #tpu.memory_space<vmem>> -> memref<16x128xf32, #tpu.memory_space<vmem>>
        tpu.wait_dma2 semaphore(%run_scoped3A : memref<!tpu.dma_semaphore, #tpu.memory_space<semaphore_mem>>) src(%dma_wait3A_145 : memref<16x128xf32, #tpu.memory_space<vmem>>) dst(%dma_wait3A_142 : memref<16x128xf32, #tpu.memory_space<vmem_shared>>)
        tpu.yield
      }) : () -> ()
    } else {
    }
    %barrier3A = arith.constant 0 : index
    tpu.barrier barrier_id(%barrier3A)
    %eq3A_11 = arith.constant 0 : i32
    %eq3A_12 = arith.cmpi eq, %arg0, %eq3A_11 : i32
    %jit3A = arith.constant 28 : i32
    %jit3A_13 = arith.constant 129 : i32
    %select_n3A = arith.select %eq3A_12, %jit3A, %jit3A_13 : i32
    %scan3A_14 = arith.constant 0 : i32
    %scan3A_15 = arith.constant 0 : i32
    %scan3A_16 = arith.constant 3 : i32
    %scan3A_17 = arith.addi %scan3A_15, %scan3A_16 : i32
    %scan3A_18 = arith.constant 1 : i32
    scf.for %scan3A_121 = %scan3A_15 to %scan3A_17 step %scan3A_18  : i32 {
      %rem3A_122 = arith.constant 4 : i32
      %rem3A_123 = arith.remsi %scan3A_121, %rem3A_122 : i32
      %dma_start3A_124 = arith.constant 0 : i32
      %dma_start3A_125 = arith.constant 0 : i32
      %dma_start3A_126 = tpu.memref_slice %arg6[%rem3A_123, %dma_start3A_124, %dma_start3A_125] : memref<4x2x128xi32, #tpu.memory_space<vmem>> -> memref<1x2x128xi32, #tpu.memory_space<vmem>>
      %dma_start3A_127 = tpu.memref_squeeze %dma_start3A_126 : memref<1x2x128xi32, #tpu.memory_space<vmem>> -> memref<2x128xi32, #tpu.memory_space<vmem>>
      %dma_start3A_128 = arith.constant 0 : i32
      %dma_start3A_129 = arith.constant 0 : i32
      %dma_start3A_130 = tpu.memref_slice %arg2[%arg0, %arg1, %scan3A_121, %dma_start3A_128, %dma_start3A_129] : memref<2x16x129x2x128xi32, #tpu.memory_space<hbm>> -> memref<1x1x1x2x128xi32, #tpu.memory_space<hbm>>
      %dma_start3A_131 = tpu.memref_squeeze %dma_start3A_130 : memref<1x1x1x2x128xi32, #tpu.memory_space<hbm>> -> memref<2x128xi32, #tpu.memory_space<hbm>>
      %dma_start3A_132 = arith.constant 0 : i32
      %dma_start3A_133 = arith.constant 0 : i32
      %dma_start3A_134 = tpu.memref_slice %arg6[%rem3A_123, %dma_start3A_132, %dma_start3A_133] : memref<4x2x128xi32, #tpu.memory_space<vmem>> -> memref<1x2x128xi32, #tpu.memory_space<vmem>>
      %dma_start3A_135 = tpu.memref_squeeze %dma_start3A_134 : memref<1x2x128xi32, #tpu.memory_space<vmem>> -> memref<2x128xi32, #tpu.memory_space<vmem>>
      %dma_start3A_136 = arith.constant 0 : i32
      %dma_start3A_137 = arith.constant 0 : i32
      %dma_start3A_138 = tpu.memref_slice %arg2[%arg0, %arg1, %scan3A_121, %dma_start3A_136, %dma_start3A_137] : memref<2x16x129x2x128xi32, #tpu.memory_space<hbm>> -> memref<1x1x1x2x128xi32, #tpu.memory_space<hbm>>
      %dma_start3A_139 = tpu.memref_squeeze %dma_start3A_138 : memref<1x1x1x2x128xi32, #tpu.memory_space<hbm>> -> memref<2x128xi32, #tpu.memory_space<hbm>>
      tpu.enqueue_dma source(%dma_start3A_139 : memref<2x128xi32, #tpu.memory_space<hbm>>) target(%dma_start3A_135 : memref<2x128xi32, #tpu.memory_space<vmem>>) target_semaphore(%arg9 : memref<!tpu.dma_semaphore, #tpu.memory_space<semaphore_mem>>)
    }
    %scan3A_19 = arith.constant 3 : i32
    %dma_wait3A = arith.constant 0 : i32
    %dma_wait3A_20 = arith.constant 0 : i32
    %dma_wait3A_21 = arith.constant 0 : i32
    %dma_wait3A_22 = arith.constant 0 : i32
    %dma_wait3A_23 = tpu.memref_slice %arg6[%dma_wait3A_20, %dma_wait3A_21, %dma_wait3A_22] : memref<4x2x128xi32, #tpu.memory_space<vmem>> -> memref<1x2x128xi32, #tpu.memory_space<vmem>>
    %dma_wait3A_24 = tpu.memref_squeeze %dma_wait3A_23 : memref<1x2x128xi32, #tpu.memory_space<vmem>> -> memref<2x128xi32, #tpu.memory_space<vmem>>
    %dma_wait3A_25 = arith.constant 0 : i32
    %dma_wait3A_26 = arith.constant 0 : i32
    %dma_wait3A_27 = tpu.memref_slice %arg2[%arg0, %arg1, %dma_wait3A, %dma_wait3A_25, %dma_wait3A_26] : memref<2x16x129x2x128xi32, #tpu.memory_space<hbm>> -> memref<1x1x1x2x128xi32, #tpu.memory_space<hbm>>
    %dma_wait3A_28 = tpu.memref_squeeze %dma_wait3A_27 : memref<1x1x1x2x128xi32, #tpu.memory_space<hbm>> -> memref<2x128xi32, #tpu.memory_space<hbm>>
    %dma_wait3A_29 = arith.constant 0 : i32
    %dma_wait3A_30 = arith.constant 0 : i32
    %dma_wait3A_31 = tpu.memref_slice %arg6[%dma_wait3A_20, %dma_wait3A_29, %dma_wait3A_30] : memref<4x2x128xi32, #tpu.memory_space<vmem>> -> memref<1x2x128xi32, #tpu.memory_space<vmem>>
    %dma_wait3A_32 = tpu.memref_squeeze %dma_wait3A_31 : memref<1x2x128xi32, #tpu.memory_space<vmem>> -> memref<2x128xi32, #tpu.memory_space<vmem>>
    %dma_wait3A_33 = arith.constant 0 : i32
    %dma_wait3A_34 = arith.constant 0 : i32
    %dma_wait3A_35 = tpu.memref_slice %arg2[%arg0, %arg1, %dma_wait3A, %dma_wait3A_33, %dma_wait3A_34] : memref<2x16x129x2x128xi32, #tpu.memory_space<hbm>> -> memref<1x1x1x2x128xi32, #tpu.memory_space<hbm>>
    %dma_wait3A_36 = tpu.memref_squeeze %dma_wait3A_35 : memref<1x1x1x2x128xi32, #tpu.memory_space<hbm>> -> memref<2x128xi32, #tpu.memory_space<hbm>>
    tpu.wait_dma2 semaphore(%arg9 : memref<!tpu.dma_semaphore, #tpu.memory_space<semaphore_mem>>) src(%dma_wait3A_36 : memref<2x128xi32, #tpu.memory_space<hbm>>) dst(%dma_wait3A_32 : memref<2x128xi32, #tpu.memory_space<vmem>>)
    %dma_wait3A_37 = arith.constant 0 : i32
    %dma_wait3A_38 = arith.constant 0 : i32
    %dma_wait3A_39 = arith.constant 0 : i32
    %dma_wait3A_40 = arith.constant 0 : i32
    %dma_wait3A_41 = tpu.memref_slice %arg6[%dma_wait3A_38, %dma_wait3A_39, %dma_wait3A_40] : memref<4x2x128xi32, #tpu.memory_space<vmem>> -> memref<1x2x128xi32, #tpu.memory_space<vmem>>
    %dma_wait3A_42 = tpu.memref_squeeze %dma_wait3A_41 : memref<1x2x128xi32, #tpu.memory_space<vmem>> -> memref<2x128xi32, #tpu.memory_space<vmem>>
    %dma_wait3A_43 = arith.constant 0 : i32
    %dma_wait3A_44 = arith.constant 0 : i32
    %dma_wait3A_45 = tpu.memref_slice %arg2[%arg0, %arg1, %dma_wait3A_37, %dma_wait3A_43, %dma_wait3A_44] : memref<2x16x129x2x128xi32, #tpu.memory_space<hbm>> -> memref<1x1x1x2x128xi32, #tpu.memory_space<hbm>>
    %dma_wait3A_46 = tpu.memref_squeeze %dma_wait3A_45 : memref<1x1x1x2x128xi32, #tpu.memory_space<hbm>> -> memref<2x128xi32, #tpu.memory_space<hbm>>
    %dma_wait3A_47 = arith.constant 0 : i32
    %dma_wait3A_48 = arith.constant 0 : i32
    %dma_wait3A_49 = tpu.memref_slice %arg6[%dma_wait3A_38, %dma_wait3A_47, %dma_wait3A_48] : memref<4x2x128xi32, #tpu.memory_space<vmem>> -> memref<1x2x128xi32, #tpu.memory_space<vmem>>
    %dma_wait3A_50 = tpu.memref_squeeze %dma_wait3A_49 : memref<1x2x128xi32, #tpu.memory_space<vmem>> -> memref<2x128xi32, #tpu.memory_space<vmem>>
    %dma_wait3A_51 = arith.constant 0 : i32
    %dma_wait3A_52 = arith.constant 0 : i32
    %dma_wait3A_53 = tpu.memref_slice %arg2[%arg0, %arg1, %dma_wait3A_37, %dma_wait3A_51, %dma_wait3A_52] : memref<2x16x129x2x128xi32, #tpu.memory_space<hbm>> -> memref<1x1x1x2x128xi32, #tpu.memory_space<hbm>>
    %dma_wait3A_54 = tpu.memref_squeeze %dma_wait3A_53 : memref<1x1x1x2x128xi32, #tpu.memory_space<hbm>> -> memref<2x128xi32, #tpu.memory_space<hbm>>
    tpu.wait_dma2 semaphore(%arg9 : memref<!tpu.dma_semaphore, #tpu.memory_space<semaphore_mem>>) src(%dma_wait3A_54 : memref<2x128xi32, #tpu.memory_space<hbm>>) dst(%dma_wait3A_50 : memref<2x128xi32, #tpu.memory_space<vmem>>)
    %rem3A = arith.constant 0 : i32
    %rem3A_55 = arith.constant 4 : i32
    %rem3A_56 = arith.remsi %rem3A, %rem3A_55 : i32
    %rem3A_57 = arith.constant 0 : i32
    %rem3A_58 = arith.constant 3 : i32
    %rem3A_59 = arith.remsi %rem3A_57, %rem3A_58 : i32
    %mul3A = arith.constant 128 : i32
    %mul3A_60 = arith.muli %rem3A_59, %mul3A : i32
    %dma_start3A = arith.constant 0 : i32
    %dma_start3A_61 = arith.constant 0 : i32
    %dma_start3A_62 = tpu.memref_slice %arg7[%mul3A_60, %dma_start3A_61] : memref<384x128xf32, #tpu.memory_space<vmem>> -> memref<128x128xf32, #tpu.memory_space<vmem>>
    %dma_start3A_63 = arith.constant 0 : i32
    %dma_start3A_64 = tpu.memref_slice %arg6[%rem3A_56, %dma_start3A, %dma_start3A_63] : memref<4x2x128xi32, #tpu.memory_space<vmem>> -> memref<1x1x128xi32, #tpu.memory_space<vmem>>
    %dma_start3A_65 = tpu.memref_squeeze %dma_start3A_64 : memref<1x1x128xi32, #tpu.memory_space<vmem>> -> memref<128xi32, #tpu.memory_space<vmem>>
    %dma_start3A_66 = arith.constant 0 : i32
    %dma_start3A_67 = arith.constant 0 : i32
    %dma_start3A_68 = tpu.memref_slice %arg3[%dma_start3A_66, %dma_start3A_67] : memref<10000x128xf32, #tpu.memory_space<hbm>> -> memref<10000x128xf32, #tpu.memory_space<hbm>>
    tpu.enqueue_indirect_dma source(%dma_start3A_68 : memref<10000x128xf32, #tpu.memory_space<hbm>>) target(%dma_start3A_62 : memref<128x128xf32, #tpu.memory_space<vmem>>) offsets(%dma_start3A_65 : memref<128xi32, #tpu.memory_space<vmem>>) semaphore(%arg10 : memref<!tpu.dma_semaphore, #tpu.memory_space<semaphore_mem>>)
    %rem3A_69 = arith.constant 1 : i32
    %rem3A_70 = arith.constant 4 : i32
    %rem3A_71 = arith.remsi %rem3A_69, %rem3A_70 : i32
    %rem3A_72 = arith.constant 1 : i32
    %rem3A_73 = arith.constant 3 : i32
    %rem3A_74 = arith.remsi %rem3A_72, %rem3A_73 : i32
    %mul3A_75 = arith.constant 128 : i32
    %mul3A_76 = arith.muli %rem3A_74, %mul3A_75 : i32
    %dma_start3A_77 = arith.constant 0 : i32
    %dma_start3A_78 = arith.constant 0 : i32
    %dma_start3A_79 = tpu.memref_slice %arg7[%mul3A_76, %dma_start3A_78] : memref<384x128xf32, #tpu.memory_space<vmem>> -> memref<128x128xf32, #tpu.memory_space<vmem>>
    %dma_start3A_80 = arith.constant 0 : i32
    %dma_start3A_81 = tpu.memref_slice %arg6[%rem3A_71, %dma_start3A_77, %dma_start3A_80] : memref<4x2x128xi32, #tpu.memory_space<vmem>> -> memref<1x1x128xi32, #tpu.memory_space<vmem>>
    %dma_start3A_82 = tpu.memref_squeeze %dma_start3A_81 : memref<1x1x128xi32, #tpu.memory_space<vmem>> -> memref<128xi32, #tpu.memory_space<vmem>>
    %dma_start3A_83 = arith.constant 0 : i32
    %dma_start3A_84 = arith.constant 0 : i32
    %dma_start3A_85 = tpu.memref_slice %arg3[%dma_start3A_83, %dma_start3A_84] : memref<10000x128xf32, #tpu.memory_space<hbm>> -> memref<10000x128xf32, #tpu.memory_space<hbm>>
    tpu.enqueue_indirect_dma source(%dma_start3A_85 : memref<10000x128xf32, #tpu.memory_space<hbm>>) target(%dma_start3A_79 : memref<128x128xf32, #tpu.memory_space<vmem>>) offsets(%dma_start3A_82 : memref<128xi32, #tpu.memory_space<vmem>>) semaphore(%arg10 : memref<!tpu.dma_semaphore, #tpu.memory_space<semaphore_mem>>)
    %while3A = arith.constant 0 : i32
    %while3A_86 = arith.constant 0 : i32
    %while3A_87 = arith.subi %select_n3A, %while3A_86 : i32
    %while3A_88 = arith.addi %while3A_86, %while3A_87 : i32
    %while3A_89 = arith.constant 1 : i32
    %while3A_90 = arith.divsi %while3A_87, %while3A_89 : i32
    %while3A_91 = arith.muli %while3A_90, %while3A_89 : i32
    %while3A_92 = arith.addi %while3A_86, %while3A_91 : i32
    %while3A_93 = arith.constant 1 : i32
    scf.for %while3A_121 = %while3A_86 to %while3A_92 step %while3A_93  : i32 {
      %rem3A_122 = arith.constant 3 : i32
      %rem3A_123 = arith.remsi %while3A_121, %rem3A_122 : i32
      %mul3A_124 = arith.constant 128 : i32
      %mul3A_125 = arith.muli %rem3A_123, %mul3A_124 : i32
      %ge3A = arith.constant 1 : i32
      %ge3A_126 = arith.cmpi sge, %while3A_121, %ge3A : i32
      %convert_element_type3A_127 = arith.extui %ge3A_126 : i1 to i32
      %cond3A_128 = arith.constant 0 : i32
      %cond3A_129 = arith.cmpi ne, %convert_element_type3A_127, %cond3A_128 : i32
      scf.if %cond3A_129 {
        %add3A_164 = arith.constant 2 : i32
        %add3A_165 = arith.addi %while3A_121, %add3A_164 : i32
        %rem3A_166 = arith.constant 3 : i32
        %rem3A_167 = arith.remsi %add3A_165, %rem3A_166 : i32
        %mul3A_168 = arith.constant 128 : i32
        %mul3A_169 = arith.muli %rem3A_167, %mul3A_168 : i32
        %dma_wait3A_170 = arith.constant 0 : i32
        %dma_wait3A_171 = tpu.memref_slice %arg7[%mul3A_169, %dma_wait3A_170] : memref<384x128xf32, #tpu.memory_space<vmem>> -> memref<128x128xf32, #tpu.memory_space<vmem>>
        %dma_wait3A_172 = arith.constant 0 : i32
        %dma_wait3A_173 = arith.constant 0 : i32
        %dma_wait3A_174 = tpu.memref_slice %arg3[%dma_wait3A_172, %dma_wait3A_173] : memref<10000x128xf32, #tpu.memory_space<hbm>> -> memref<128x128xf32, #tpu.memory_space<hbm>>
        %dma_wait3A_175 = arith.constant 0 : i32
        %dma_wait3A_176 = tpu.memref_slice %arg7[%mul3A_169, %dma_wait3A_175] : memref<384x128xf32, #tpu.memory_space<vmem>> -> memref<128x128xf32, #tpu.memory_space<vmem>>
        %dma_wait3A_177 = arith.constant 0 : i32
        %dma_wait3A_178 = arith.constant 0 : i32
        %dma_wait3A_179 = tpu.memref_slice %arg3[%dma_wait3A_177, %dma_wait3A_178] : memref<10000x128xf32, #tpu.memory_space<hbm>> -> memref<128x128xf32, #tpu.memory_space<hbm>>
        tpu.wait_dma2 semaphore(%arg11 : memref<!tpu.dma_semaphore, #tpu.memory_space<semaphore_mem>>) src(%dma_wait3A_179 : memref<128x128xf32, #tpu.memory_space<hbm>>) dst(%dma_wait3A_176 : memref<128x128xf32, #tpu.memory_space<vmem>>)
      } else {
      }
      %add3A = arith.constant 4 : i32
      %add3A_130 = arith.addi %while3A_121, %add3A : i32
      %sub3A_131 = arith.constant 1 : i32
      %sub3A_132 = arith.subi %add3A_130, %sub3A_131 : i32
      %lt3A_133 = arith.cmpi slt, %sub3A_132, %select_n3A : i32
      %convert_element_type3A_134 = arith.extui %lt3A_133 : i1 to i32
      %cond3A_135 = arith.constant 0 : i32
      %cond3A_136 = arith.cmpi ne, %convert_element_type3A_134, %cond3A_135 : i32
      scf.if %cond3A_136 {
        %add3A_164 = arith.constant 4 : i32
        %add3A_165 = arith.addi %while3A_121, %add3A_164 : i32
        %sub3A_166 = arith.constant 1 : i32
        %sub3A_167 = arith.subi %add3A_165, %sub3A_166 : i32
        %rem3A_168 = arith.constant 4 : i32
        %rem3A_169 = arith.remsi %sub3A_167, %rem3A_168 : i32
        %dma_start3A_170 = arith.constant 0 : i32
        %dma_start3A_171 = arith.constant 0 : i32
        %dma_start3A_172 = tpu.memref_slice %arg6[%rem3A_169, %dma_start3A_170, %dma_start3A_171] : memref<4x2x128xi32, #tpu.memory_space<vmem>> -> memref<1x2x128xi32, #tpu.memory_space<vmem>>
        %dma_start3A_173 = tpu.memref_squeeze %dma_start3A_172 : memref<1x2x128xi32, #tpu.memory_space<vmem>> -> memref<2x128xi32, #tpu.memory_space<vmem>>
        %dma_start3A_174 = arith.constant 0 : i32
        %dma_start3A_175 = arith.constant 0 : i32
        %dma_start3A_176 = tpu.memref_slice %arg2[%arg0, %arg1, %sub3A_167, %dma_start3A_174, %dma_start3A_175] : memref<2x16x129x2x128xi32, #tpu.memory_space<hbm>> -> memref<1x1x1x2x128xi32, #tpu.memory_space<hbm>>
        %dma_start3A_177 = tpu.memref_squeeze %dma_start3A_176 : memref<1x1x1x2x128xi32, #tpu.memory_space<hbm>> -> memref<2x128xi32, #tpu.memory_space<hbm>>
        %dma_start3A_178 = arith.constant 0 : i32
        %dma_start3A_179 = arith.constant 0 : i32
        %dma_start3A_180 = tpu.memref_slice %arg6[%rem3A_169, %dma_start3A_178, %dma_start3A_179] : memref<4x2x128xi32, #tpu.memory_space<vmem>> -> memref<1x2x128xi32, #tpu.memory_space<vmem>>
        %dma_start3A_181 = tpu.memref_squeeze %dma_start3A_180 : memref<1x2x128xi32, #tpu.memory_space<vmem>> -> memref<2x128xi32, #tpu.memory_space<vmem>>
        %dma_start3A_182 = arith.constant 0 : i32
        %dma_start3A_183 = arith.constant 0 : i32
        %dma_start3A_184 = tpu.memref_slice %arg2[%arg0, %arg1, %sub3A_167, %dma_start3A_182, %dma_start3A_183] : memref<2x16x129x2x128xi32, #tpu.memory_space<hbm>> -> memref<1x1x1x2x128xi32, #tpu.memory_space<hbm>>
        %dma_start3A_185 = tpu.memref_squeeze %dma_start3A_184 : memref<1x1x1x2x128xi32, #tpu.memory_space<hbm>> -> memref<2x128xi32, #tpu.memory_space<hbm>>
        tpu.enqueue_dma source(%dma_start3A_185 : memref<2x128xi32, #tpu.memory_space<hbm>>) target(%dma_start3A_181 : memref<2x128xi32, #tpu.memory_space<vmem>>) target_semaphore(%arg9 : memref<!tpu.dma_semaphore, #tpu.memory_space<semaphore_mem>>)
      } else {
      }
      %add3A_137 = arith.constant 2 : i32
      %add3A_138 = arith.addi %while3A_121, %add3A_137 : i32
      %lt3A_139 = arith.cmpi slt, %add3A_138, %select_n3A : i32
      %convert_element_type3A_140 = arith.extui %lt3A_139 : i1 to i32
      %cond3A_141 = arith.constant 0 : i32
      %cond3A_142 = arith.cmpi ne, %convert_element_type3A_140, %cond3A_141 : i32
      scf.if %cond3A_142 {
        %dma_wait3A_164 = arith.constant 0 : i32
        %dma_wait3A_165 = arith.constant 0 : i32
        %dma_wait3A_166 = arith.constant 0 : i32
        %dma_wait3A_167 = arith.constant 0 : i32
        %dma_wait3A_168 = tpu.memref_slice %arg6[%dma_wait3A_165, %dma_wait3A_166, %dma_wait3A_167] : memref<4x2x128xi32, #tpu.memory_space<vmem>> -> memref<1x2x128xi32, #tpu.memory_space<vmem>>
        %dma_wait3A_169 = tpu.memref_squeeze %dma_wait3A_168 : memref<1x2x128xi32, #tpu.memory_space<vmem>> -> memref<2x128xi32, #tpu.memory_space<vmem>>
        %dma_wait3A_170 = arith.constant 0 : i32
        %dma_wait3A_171 = arith.constant 0 : i32
        %dma_wait3A_172 = tpu.memref_slice %arg2[%arg0, %arg1, %dma_wait3A_164, %dma_wait3A_170, %dma_wait3A_171] : memref<2x16x129x2x128xi32, #tpu.memory_space<hbm>> -> memref<1x1x1x2x128xi32, #tpu.memory_space<hbm>>
        %dma_wait3A_173 = tpu.memref_squeeze %dma_wait3A_172 : memref<1x1x1x2x128xi32, #tpu.memory_space<hbm>> -> memref<2x128xi32, #tpu.memory_space<hbm>>
        %dma_wait3A_174 = arith.constant 0 : i32
        %dma_wait3A_175 = arith.constant 0 : i32
        %dma_wait3A_176 = tpu.memref_slice %arg6[%dma_wait3A_165, %dma_wait3A_174, %dma_wait3A_175] : memref<4x2x128xi32, #tpu.memory_space<vmem>> -> memref<1x2x128xi32, #tpu.memory_space<vmem>>
        %dma_wait3A_177 = tpu.memref_squeeze %dma_wait3A_176 : memref<1x2x128xi32, #tpu.memory_space<vmem>> -> memref<2x128xi32, #tpu.memory_space<vmem>>
        %dma_wait3A_178 = arith.constant 0 : i32
        %dma_wait3A_179 = arith.constant 0 : i32
        %dma_wait3A_180 = tpu.memref_slice %arg2[%arg0, %arg1, %dma_wait3A_164, %dma_wait3A_178, %dma_wait3A_179] : memref<2x16x129x2x128xi32, #tpu.memory_space<hbm>> -> memref<1x1x1x2x128xi32, #tpu.memory_space<hbm>>
        %dma_wait3A_181 = tpu.memref_squeeze %dma_wait3A_180 : memref<1x1x1x2x128xi32, #tpu.memory_space<hbm>> -> memref<2x128xi32, #tpu.memory_space<hbm>>
        tpu.wait_dma2 semaphore(%arg9 : memref<!tpu.dma_semaphore, #tpu.memory_space<semaphore_mem>>) src(%dma_wait3A_181 : memref<2x128xi32, #tpu.memory_space<hbm>>) dst(%dma_wait3A_177 : memref<2x128xi32, #tpu.memory_space<vmem>>)
        %add3A_182 = arith.constant 2 : i32
        %add3A_183 = arith.addi %while3A_121, %add3A_182 : i32
        %rem3A_184 = arith.constant 4 : i32
        %rem3A_185 = arith.remsi %add3A_183, %rem3A_184 : i32
        %rem3A_186 = arith.constant 3 : i32
        %rem3A_187 = arith.remsi %add3A_183, %rem3A_186 : i32
        %mul3A_188 = arith.constant 128 : i32
        %mul3A_189 = arith.muli %rem3A_187, %mul3A_188 : i32
        %dma_start3A_190 = arith.constant 0 : i32
        %dma_start3A_191 = arith.constant 0 : i32
        %dma_start3A_192 = tpu.memref_slice %arg7[%mul3A_189, %dma_start3A_191] : memref<384x128xf32, #tpu.memory_space<vmem>> -> memref<128x128xf32, #tpu.memory_space<vmem>>
        %dma_start3A_193 = arith.constant 0 : i32
        %dma_start3A_194 = tpu.memref_slice %arg6[%rem3A_185, %dma_start3A_190, %dma_start3A_193] : memref<4x2x128xi32, #tpu.memory_space<vmem>> -> memref<1x1x128xi32, #tpu.memory_space<vmem>>
        %dma_start3A_195 = tpu.memref_squeeze %dma_start3A_194 : memref<1x1x128xi32, #tpu.memory_space<vmem>> -> memref<128xi32, #tpu.memory_space<vmem>>
        %dma_start3A_196 = arith.constant 0 : i32
        %dma_start3A_197 = arith.constant 0 : i32
        %dma_start3A_198 = tpu.memref_slice %arg3[%dma_start3A_196, %dma_start3A_197] : memref<10000x128xf32, #tpu.memory_space<hbm>> -> memref<10000x128xf32, #tpu.memory_space<hbm>>
        tpu.enqueue_indirect_dma source(%dma_start3A_198 : memref<10000x128xf32, #tpu.memory_space<hbm>>) target(%dma_start3A_192 : memref<128x128xf32, #tpu.memory_space<vmem>>) offsets(%dma_start3A_195 : memref<128xi32, #tpu.memory_space<vmem>>) semaphore(%arg10 : memref<!tpu.dma_semaphore, #tpu.memory_space<semaphore_mem>>)
      } else {
      }
      %dma_wait3A_143 = arith.constant 0 : i32
      %dma_wait3A_144 = tpu.memref_slice %arg7[%mul3A_125, %dma_wait3A_143] : memref<384x128xf32, #tpu.memory_space<vmem>> -> memref<128x128xf32, #tpu.memory_space<vmem>>
      %dma_wait3A_145 = arith.constant 0 : i32
      %dma_wait3A_146 = arith.constant 0 : i32
      %dma_wait3A_147 = tpu.memref_slice %arg3[%dma_wait3A_145, %dma_wait3A_146] : memref<10000x128xf32, #tpu.memory_space<hbm>> -> memref<128x128xf32, #tpu.memory_space<hbm>>
      %dma_wait3A_148 = arith.constant 0 : i32
      %dma_wait3A_149 = tpu.memref_slice %arg7[%mul3A_125, %dma_wait3A_148] : memref<384x128xf32, #tpu.memory_space<vmem>> -> memref<128x128xf32, #tpu.memory_space<vmem>>
      %dma_wait3A_150 = arith.constant 0 : i32
      %dma_wait3A_151 = arith.constant 0 : i32
      %dma_wait3A_152 = tpu.memref_slice %arg3[%dma_wait3A_150, %dma_wait3A_151] : memref<10000x128xf32, #tpu.memory_space<hbm>> -> memref<128x128xf32, #tpu.memory_space<hbm>>
      tpu.wait_dma2 semaphore(%arg10 : memref<!tpu.dma_semaphore, #tpu.memory_space<semaphore_mem>>) src(%dma_wait3A_152 : memref<128x128xf32, #tpu.memory_space<hbm>>) dst(%dma_wait3A_149 : memref<128x128xf32, #tpu.memory_space<vmem>>)
      %rem3A_153 = arith.constant 4 : i32
      %rem3A_154 = arith.remsi %while3A_121, %rem3A_153 : i32
      %dma_start3A_155 = arith.constant 1 : i32
      %dma_start3A_156 = arith.constant 0 : i32
      %dma_start3A_157 = tpu.memref_slice %arg7[%mul3A_125, %dma_start3A_156] : memref<384x128xf32, #tpu.memory_space<vmem>> -> memref<128x128xf32, #tpu.memory_space<vmem>>
      %dma_start3A_158 = arith.constant 0 : i32
      %dma_start3A_159 = tpu.memref_slice %arg6[%rem3A_154, %dma_start3A_155, %dma_start3A_158] : memref<4x2x128xi32, #tpu.memory_space<vmem>> -> memref<1x1x128xi32, #tpu.memory_space<vmem>>
      %dma_start3A_160 = tpu.memref_squeeze %dma_start3A_159 : memref<1x1x128xi32, #tpu.memory_space<vmem>> -> memref<128xi32, #tpu.memory_space<vmem>>
      %dma_start3A_161 = arith.constant 0 : i32
      %dma_start3A_162 = arith.constant 0 : i32
      %dma_start3A_163 = tpu.memref_slice %arg8[%dma_start3A_161, %dma_start3A_162] : memref<10008x128xf32, #tpu.memory_space<vmem_shared>> -> memref<10008x128xf32, #tpu.memory_space<vmem_shared>>
      tpu.enqueue_indirect_dma source(%dma_start3A_157 : memref<128x128xf32, #tpu.memory_space<vmem>>) target(%dma_start3A_163 : memref<10008x128xf32, #tpu.memory_space<vmem_shared>>) offsets(%dma_start3A_160 : memref<128xi32, #tpu.memory_space<vmem>>) semaphore(%arg11 : memref<!tpu.dma_semaphore, #tpu.memory_space<semaphore_mem>>) {add = true}
    }
    %while3A_94 = arith.constant 1 : i32
    scf.for %while3A_121 = %while3A_92 to %while3A_88 step %while3A_94  : i32 {
      %rem3A_122 = arith.constant 3 : i32
      %rem3A_123 = arith.remsi %while3A_121, %rem3A_122 : i32
      %mul3A_124 = arith.constant 128 : i32
      %mul3A_125 = arith.muli %rem3A_123, %mul3A_124 : i32
      %ge3A = arith.constant 1 : i32
      %ge3A_126 = arith.cmpi sge, %while3A_121, %ge3A : i32
      %convert_element_type3A_127 = arith.extui %ge3A_126 : i1 to i32
      %cond3A_128 = arith.constant 0 : i32
      %cond3A_129 = arith.cmpi ne, %convert_element_type3A_127, %cond3A_128 : i32
      scf.if %cond3A_129 {
        %add3A_164 = arith.constant 2 : i32
        %add3A_165 = arith.addi %while3A_121, %add3A_164 : i32
        %rem3A_166 = arith.constant 3 : i32
        %rem3A_167 = arith.remsi %add3A_165, %rem3A_166 : i32
        %mul3A_168 = arith.constant 128 : i32
        %mul3A_169 = arith.muli %rem3A_167, %mul3A_168 : i32
        %dma_wait3A_170 = arith.constant 0 : i32
        %dma_wait3A_171 = tpu.memref_slice %arg7[%mul3A_169, %dma_wait3A_170] : memref<384x128xf32, #tpu.memory_space<vmem>> -> memref<128x128xf32, #tpu.memory_space<vmem>>
        %dma_wait3A_172 = arith.constant 0 : i32
        %dma_wait3A_173 = arith.constant 0 : i32
        %dma_wait3A_174 = tpu.memref_slice %arg3[%dma_wait3A_172, %dma_wait3A_173] : memref<10000x128xf32, #tpu.memory_space<hbm>> -> memref<128x128xf32, #tpu.memory_space<hbm>>
        %dma_wait3A_175 = arith.constant 0 : i32
        %dma_wait3A_176 = tpu.memref_slice %arg7[%mul3A_169, %dma_wait3A_175] : memref<384x128xf32, #tpu.memory_space<vmem>> -> memref<128x128xf32, #tpu.memory_space<vmem>>
        %dma_wait3A_177 = arith.constant 0 : i32
        %dma_wait3A_178 = arith.constant 0 : i32
        %dma_wait3A_179 = tpu.memref_slice %arg3[%dma_wait3A_177, %dma_wait3A_178] : memref<10000x128xf32, #tpu.memory_space<hbm>> -> memref<128x128xf32, #tpu.memory_space<hbm>>
        tpu.wait_dma2 semaphore(%arg11 : memref<!tpu.dma_semaphore, #tpu.memory_space<semaphore_mem>>) src(%dma_wait3A_179 : memref<128x128xf32, #tpu.memory_space<hbm>>) dst(%dma_wait3A_176 : memref<128x128xf32, #tpu.memory_space<vmem>>)
      } else {
      }
      %add3A = arith.constant 4 : i32
      %add3A_130 = arith.addi %while3A_121, %add3A : i32
      %sub3A_131 = arith.constant 1 : i32
      %sub3A_132 = arith.subi %add3A_130, %sub3A_131 : i32
      %lt3A_133 = arith.cmpi slt, %sub3A_132, %select_n3A : i32
      %convert_element_type3A_134 = arith.extui %lt3A_133 : i1 to i32
      %cond3A_135 = arith.constant 0 : i32
      %cond3A_136 = arith.cmpi ne, %convert_element_type3A_134, %cond3A_135 : i32
      scf.if %cond3A_136 {
        %add3A_164 = arith.constant 4 : i32
        %add3A_165 = arith.addi %while3A_121, %add3A_164 : i32
        %sub3A_166 = arith.constant 1 : i32
        %sub3A_167 = arith.subi %add3A_165, %sub3A_166 : i32
        %rem3A_168 = arith.constant 4 : i32
        %rem3A_169 = arith.remsi %sub3A_167, %rem3A_168 : i32
        %dma_start3A_170 = arith.constant 0 : i32
        %dma_start3A_171 = arith.constant 0 : i32
        %dma_start3A_172 = tpu.memref_slice %arg6[%rem3A_169, %dma_start3A_170, %dma_start3A_171] : memref<4x2x128xi32, #tpu.memory_space<vmem>> -> memref<1x2x128xi32, #tpu.memory_space<vmem>>
        %dma_start3A_173 = tpu.memref_squeeze %dma_start3A_172 : memref<1x2x128xi32, #tpu.memory_space<vmem>> -> memref<2x128xi32, #tpu.memory_space<vmem>>
        %dma_start3A_174 = arith.constant 0 : i32
        %dma_start3A_175 = arith.constant 0 : i32
        %dma_start3A_176 = tpu.memref_slice %arg2[%arg0, %arg1, %sub3A_167, %dma_start3A_174, %dma_start3A_175] : memref<2x16x129x2x128xi32, #tpu.memory_space<hbm>> -> memref<1x1x1x2x128xi32, #tpu.memory_space<hbm>>
        %dma_start3A_177 = tpu.memref_squeeze %dma_start3A_176 : memref<1x1x1x2x128xi32, #tpu.memory_space<hbm>> -> memref<2x128xi32, #tpu.memory_space<hbm>>
        %dma_start3A_178 = arith.constant 0 : i32
        %dma_start3A_179 = arith.constant 0 : i32
        %dma_start3A_180 = tpu.memref_slice %arg6[%rem3A_169, %dma_start3A_178, %dma_start3A_179] : memref<4x2x128xi32, #tpu.memory_space<vmem>> -> memref<1x2x128xi32, #tpu.memory_space<vmem>>
        %dma_start3A_181 = tpu.memref_squeeze %dma_start3A_180 : memref<1x2x128xi32, #tpu.memory_space<vmem>> -> memref<2x128xi32, #tpu.memory_space<vmem>>
        %dma_start3A_182 = arith.constant 0 : i32
        %dma_start3A_183 = arith.constant 0 : i32
        %dma_start3A_184 = tpu.memref_slice %arg2[%arg0, %arg1, %sub3A_167, %dma_start3A_182, %dma_start3A_183] : memref<2x16x129x2x128xi32, #tpu.memory_space<hbm>> -> memref<1x1x1x2x128xi32, #tpu.memory_space<hbm>>
        %dma_start3A_185 = tpu.memref_squeeze %dma_start3A_184 : memref<1x1x1x2x128xi32, #tpu.memory_space<hbm>> -> memref<2x128xi32, #tpu.memory_space<hbm>>
        tpu.enqueue_dma source(%dma_start3A_185 : memref<2x128xi32, #tpu.memory_space<hbm>>) target(%dma_start3A_181 : memref<2x128xi32, #tpu.memory_space<vmem>>) target_semaphore(%arg9 : memref<!tpu.dma_semaphore, #tpu.memory_space<semaphore_mem>>)
      } else {
      }
      %add3A_137 = arith.constant 2 : i32
      %add3A_138 = arith.addi %while3A_121, %add3A_137 : i32
      %lt3A_139 = arith.cmpi slt, %add3A_138, %select_n3A : i32
      %convert_element_type3A_140 = arith.extui %lt3A_139 : i1 to i32
      %cond3A_141 = arith.constant 0 : i32
      %cond3A_142 = arith.cmpi ne, %convert_element_type3A_140, %cond3A_141 : i32
      scf.if %cond3A_142 {
        %dma_wait3A_164 = arith.constant 0 : i32
        %dma_wait3A_165 = arith.constant 0 : i32
        %dma_wait3A_166 = arith.constant 0 : i32
        %dma_wait3A_167 = arith.constant 0 : i32
        %dma_wait3A_168 = tpu.memref_slice %arg6[%dma_wait3A_165, %dma_wait3A_166, %dma_wait3A_167] : memref<4x2x128xi32, #tpu.memory_space<vmem>> -> memref<1x2x128xi32, #tpu.memory_space<vmem>>
        %dma_wait3A_169 = tpu.memref_squeeze %dma_wait3A_168 : memref<1x2x128xi32, #tpu.memory_space<vmem>> -> memref<2x128xi32, #tpu.memory_space<vmem>>
        %dma_wait3A_170 = arith.constant 0 : i32
        %dma_wait3A_171 = arith.constant 0 : i32
        %dma_wait3A_172 = tpu.memref_slice %arg2[%arg0, %arg1, %dma_wait3A_164, %dma_wait3A_170, %dma_wait3A_171] : memref<2x16x129x2x128xi32, #tpu.memory_space<hbm>> -> memref<1x1x1x2x128xi32, #tpu.memory_space<hbm>>
        %dma_wait3A_173 = tpu.memref_squeeze %dma_wait3A_172 : memref<1x1x1x2x128xi32, #tpu.memory_space<hbm>> -> memref<2x128xi32, #tpu.memory_space<hbm>>
        %dma_wait3A_174 = arith.constant 0 : i32
        %dma_wait3A_175 = arith.constant 0 : i32
        %dma_wait3A_176 = tpu.memref_slice %arg6[%dma_wait3A_165, %dma_wait3A_174, %dma_wait3A_175] : memref<4x2x128xi32, #tpu.memory_space<vmem>> -> memref<1x2x128xi32, #tpu.memory_space<vmem>>
        %dma_wait3A_177 = tpu.memref_squeeze %dma_wait3A_176 : memref<1x2x128xi32, #tpu.memory_space<vmem>> -> memref<2x128xi32, #tpu.memory_space<vmem>>
        %dma_wait3A_178 = arith.constant 0 : i32
        %dma_wait3A_179 = arith.constant 0 : i32
        %dma_wait3A_180 = tpu.memref_slice %arg2[%arg0, %arg1, %dma_wait3A_164, %dma_wait3A_178, %dma_wait3A_179] : memref<2x16x129x2x128xi32, #tpu.memory_space<hbm>> -> memref<1x1x1x2x128xi32, #tpu.memory_space<hbm>>
        %dma_wait3A_181 = tpu.memref_squeeze %dma_wait3A_180 : memref<1x1x1x2x128xi32, #tpu.memory_space<hbm>> -> memref<2x128xi32, #tpu.memory_space<hbm>>
        tpu.wait_dma2 semaphore(%arg9 : memref<!tpu.dma_semaphore, #tpu.memory_space<semaphore_mem>>) src(%dma_wait3A_181 : memref<2x128xi32, #tpu.memory_space<hbm>>) dst(%dma_wait3A_177 : memref<2x128xi32, #tpu.memory_space<vmem>>)
        %add3A_182 = arith.constant 2 : i32
        %add3A_183 = arith.addi %while3A_121, %add3A_182 : i32
        %rem3A_184 = arith.constant 4 : i32
        %rem3A_185 = arith.remsi %add3A_183, %rem3A_184 : i32
        %rem3A_186 = arith.constant 3 : i32
        %rem3A_187 = arith.remsi %add3A_183, %rem3A_186 : i32
        %mul3A_188 = arith.constant 128 : i32
        %mul3A_189 = arith.muli %rem3A_187, %mul3A_188 : i32
        %dma_start3A_190 = arith.constant 0 : i32
        %dma_start3A_191 = arith.constant 0 : i32
        %dma_start3A_192 = tpu.memref_slice %arg7[%mul3A_189, %dma_start3A_191] : memref<384x128xf32, #tpu.memory_space<vmem>> -> memref<128x128xf32, #tpu.memory_space<vmem>>
        %dma_start3A_193 = arith.constant 0 : i32
        %dma_start3A_194 = tpu.memref_slice %arg6[%rem3A_185, %dma_start3A_190, %dma_start3A_193] : memref<4x2x128xi32, #tpu.memory_space<vmem>> -> memref<1x1x128xi32, #tpu.memory_space<vmem>>
        %dma_start3A_195 = tpu.memref_squeeze %dma_start3A_194 : memref<1x1x128xi32, #tpu.memory_space<vmem>> -> memref<128xi32, #tpu.memory_space<vmem>>
        %dma_start3A_196 = arith.constant 0 : i32
        %dma_start3A_197 = arith.constant 0 : i32
        %dma_start3A_198 = tpu.memref_slice %arg3[%dma_start3A_196, %dma_start3A_197] : memref<10000x128xf32, #tpu.memory_space<hbm>> -> memref<10000x128xf32, #tpu.memory_space<hbm>>
        tpu.enqueue_indirect_dma source(%dma_start3A_198 : memref<10000x128xf32, #tpu.memory_space<hbm>>) target(%dma_start3A_192 : memref<128x128xf32, #tpu.memory_space<vmem>>) offsets(%dma_start3A_195 : memref<128xi32, #tpu.memory_space<vmem>>) semaphore(%arg10 : memref<!tpu.dma_semaphore, #tpu.memory_space<semaphore_mem>>)
      } else {
      }
      %dma_wait3A_143 = arith.constant 0 : i32
      %dma_wait3A_144 = tpu.memref_slice %arg7[%mul3A_125, %dma_wait3A_143] : memref<384x128xf32, #tpu.memory_space<vmem>> -> memref<128x128xf32, #tpu.memory_space<vmem>>
      %dma_wait3A_145 = arith.constant 0 : i32
      %dma_wait3A_146 = arith.constant 0 : i32
      %dma_wait3A_147 = tpu.memref_slice %arg3[%dma_wait3A_145, %dma_wait3A_146] : memref<10000x128xf32, #tpu.memory_space<hbm>> -> memref<128x128xf32, #tpu.memory_space<hbm>>
      %dma_wait3A_148 = arith.constant 0 : i32
      %dma_wait3A_149 = tpu.memref_slice %arg7[%mul3A_125, %dma_wait3A_148] : memref<384x128xf32, #tpu.memory_space<vmem>> -> memref<128x128xf32, #tpu.memory_space<vmem>>
      %dma_wait3A_150 = arith.constant 0 : i32
      %dma_wait3A_151 = arith.constant 0 : i32
      %dma_wait3A_152 = tpu.memref_slice %arg3[%dma_wait3A_150, %dma_wait3A_151] : memref<10000x128xf32, #tpu.memory_space<hbm>> -> memref<128x128xf32, #tpu.memory_space<hbm>>
      tpu.wait_dma2 semaphore(%arg10 : memref<!tpu.dma_semaphore, #tpu.memory_space<semaphore_mem>>) src(%dma_wait3A_152 : memref<128x128xf32, #tpu.memory_space<hbm>>) dst(%dma_wait3A_149 : memref<128x128xf32, #tpu.memory_space<vmem>>)
      %rem3A_153 = arith.constant 4 : i32
      %rem3A_154 = arith.remsi %while3A_121, %rem3A_153 : i32
      %dma_start3A_155 = arith.constant 1 : i32
      %dma_start3A_156 = arith.constant 0 : i32
      %dma_start3A_157 = tpu.memref_slice %arg7[%mul3A_125, %dma_start3A_156] : memref<384x128xf32, #tpu.memory_space<vmem>> -> memref<128x128xf32, #tpu.memory_space<vmem>>
      %dma_start3A_158 = arith.constant 0 : i32
      %dma_start3A_159 = tpu.memref_slice %arg6[%rem3A_154, %dma_start3A_155, %dma_start3A_158] : memref<4x2x128xi32, #tpu.memory_space<vmem>> -> memref<1x1x128xi32, #tpu.memory_space<vmem>>
      %dma_start3A_160 = tpu.memref_squeeze %dma_start3A_159 : memref<1x1x128xi32, #tpu.memory_space<vmem>> -> memref<128xi32, #tpu.memory_space<vmem>>
      %dma_start3A_161 = arith.constant 0 : i32
      %dma_start3A_162 = arith.constant 0 : i32
      %dma_start3A_163 = tpu.memref_slice %arg8[%dma_start3A_161, %dma_start3A_162] : memref<10008x128xf32, #tpu.memory_space<vmem_shared>> -> memref<10008x128xf32, #tpu.memory_space<vmem_shared>>
      tpu.enqueue_indirect_dma source(%dma_start3A_157 : memref<128x128xf32, #tpu.memory_space<vmem>>) target(%dma_start3A_163 : memref<10008x128xf32, #tpu.memory_space<vmem_shared>>) offsets(%dma_start3A_160 : memref<128xi32, #tpu.memory_space<vmem>>) semaphore(%arg11 : memref<!tpu.dma_semaphore, #tpu.memory_space<semaphore_mem>>) {add = true}
    }
    %sub3A = arith.constant 1 : i32
    %sub3A_95 = arith.subi %select_n3A, %sub3A : i32
    %rem3A_96 = arith.constant 3 : i32
    %rem3A_97 = arith.remsi %sub3A_95, %rem3A_96 : i32
    %mul3A_98 = arith.constant 128 : i32
    %mul3A_99 = arith.muli %rem3A_97, %mul3A_98 : i32
    %dma_wait3A_100 = arith.constant 0 : i32
    %dma_wait3A_101 = tpu.memref_slice %arg7[%mul3A_99, %dma_wait3A_100] : memref<384x128xf32, #tpu.memory_space<vmem>> -> memref<128x128xf32, #tpu.memory_space<vmem>>
    %dma_wait3A_102 = arith.constant 0 : i32
    %dma_wait3A_103 = arith.constant 0 : i32
    %dma_wait3A_104 = tpu.memref_slice %arg3[%dma_wait3A_102, %dma_wait3A_103] : memref<10000x128xf32, #tpu.memory_space<hbm>> -> memref<128x128xf32, #tpu.memory_space<hbm>>
    %dma_wait3A_105 = arith.constant 0 : i32
    %dma_wait3A_106 = tpu.memref_slice %arg7[%mul3A_99, %dma_wait3A_105] : memref<384x128xf32, #tpu.memory_space<vmem>> -> memref<128x128xf32, #tpu.memory_space<vmem>>
    %dma_wait3A_107 = arith.constant 0 : i32
    %dma_wait3A_108 = arith.constant 0 : i32
    %dma_wait3A_109 = tpu.memref_slice %arg3[%dma_wait3A_107, %dma_wait3A_108] : memref<10000x128xf32, #tpu.memory_space<hbm>> -> memref<128x128xf32, #tpu.memory_space<hbm>>
    tpu.wait_dma2 semaphore(%arg11 : memref<!tpu.dma_semaphore, #tpu.memory_space<semaphore_mem>>) src(%dma_wait3A_109 : memref<128x128xf32, #tpu.memory_space<hbm>>) dst(%dma_wait3A_106 : memref<128x128xf32, #tpu.memory_space<vmem>>)
    %barrier3A_110 = arith.constant 0 : index
    tpu.barrier barrier_id(%barrier3A_110)
    %lt3A_111 = arith.constant 15 : i32
    %lt3A_112 = arith.cmpi slt, %arg1, %lt3A_111 : i32
    %convert_element_type3A_113 = arith.extui %lt3A_112 : i1 to i32
    %cond3A_114 = arith.constant 0 : i32
    %cond3A_115 = arith.cmpi ne, %convert_element_type3A_113, %cond3A_114 : i32
    scf.if %cond3A_115 {
      %mul3A_121 = arith.constant 632 : i32
      %mul3A_122 = arith.muli %arg1, %mul3A_121 : i32
      %mul3A_123 = arith.constant 632 : i32
      %mul3A_124 = arith.muli %arg1, %mul3A_123 : i32
      "tpu.region"() ({
        %run_scoped3A = tpu.sem_alloc : memref<!tpu.dma_semaphore, #tpu.memory_space<semaphore_mem>>
        %dma_start3A_125 = arith.constant 0 : i32
        %dma_start3A_126 = tpu.memref_slice %arg5[%arg0, %mul3A_124, %dma_start3A_125] : memref<2x10008x128xf32, #tpu.memory_space<hbm>> -> memref<1x632x128xf32, #tpu.memory_space<hbm>>
        %dma_start3A_127 = tpu.memref_squeeze %dma_start3A_126 : memref<1x632x128xf32, #tpu.memory_space<hbm>> -> memref<632x128xf32, #tpu.memory_space<hbm>>
        %dma_start3A_128 = arith.constant 0 : i32
        %dma_start3A_129 = tpu.memref_slice %arg8[%mul3A_122, %dma_start3A_128] : memref<10008x128xf32, #tpu.memory_space<vmem_shared>> -> memref<632x128xf32, #tpu.memory_space<vmem_shared>>
        tpu.enqueue_dma source(%dma_start3A_129 : memref<632x128xf32, #tpu.memory_space<vmem_shared>>) target(%dma_start3A_127 : memref<632x128xf32, #tpu.memory_space<hbm>>) target_semaphore(%run_scoped3A : memref<!tpu.dma_semaphore, #tpu.memory_space<semaphore_mem>>)
        %dma_wait3A_130 = arith.constant 0 : i32
        %dma_wait3A_131 = tpu.memref_slice %arg5[%arg0, %mul3A_124, %dma_wait3A_130] : memref<2x10008x128xf32, #tpu.memory_space<hbm>> -> memref<1x632x128xf32, #tpu.memory_space<hbm>>
        %dma_wait3A_132 = tpu.memref_squeeze %dma_wait3A_131 : memref<1x632x128xf32, #tpu.memory_space<hbm>> -> memref<632x128xf32, #tpu.memory_space<hbm>>
        %dma_wait3A_133 = arith.constant 0 : i32
        %dma_wait3A_134 = tpu.memref_slice %arg8[%mul3A_122, %dma_wait3A_133] : memref<10008x128xf32, #tpu.memory_space<vmem_shared>> -> memref<632x128xf32, #tpu.memory_space<vmem_shared>>
        tpu.wait_dma2 semaphore(%run_scoped3A : memref<!tpu.dma_semaphore, #tpu.memory_space<semaphore_mem>>) src(%dma_wait3A_134 : memref<632x128xf32, #tpu.memory_space<vmem_shared>>) dst(%dma_wait3A_132 : memref<632x128xf32, #tpu.memory_space<hbm>>)
        tpu.yield
      }) : () -> ()
    } else {
    }
    %eq3A_116 = arith.constant 15 : i32
    %eq3A_117 = arith.cmpi eq, %arg1, %eq3A_116 : i32
    %convert_element_type3A_118 = arith.extui %eq3A_117 : i1 to i32
    %cond3A_119 = arith.constant 0 : i32
    %cond3A_120 = arith.cmpi ne, %convert_element_type3A_118, %cond3A_119 : i32
    scf.if %cond3A_120 {
      %mul3A_121 = arith.constant 632 : i32
      %mul3A_122 = arith.muli %arg1, %mul3A_121 : i32
      %mul3A_123 = arith.constant 632 : i32
      %mul3A_124 = arith.muli %arg1, %mul3A_123 : i32
      "tpu.region"() ({
        %run_scoped3A = tpu.sem_alloc : memref<!tpu.dma_semaphore, #tpu.memory_space<semaphore_mem>>
        %dma_start3A_125 = arith.constant 0 : i32
        %dma_start3A_126 = tpu.memref_slice %arg5[%arg0, %mul3A_124, %dma_start3A_125] : memref<2x10008x128xf32, #tpu.memory_space<hbm>> -> memref<1x528x128xf32, #tpu.memory_space<hbm>>
        %dma_start3A_127 = tpu.memref_squeeze %dma_start3A_126 : memref<1x528x128xf32, #tpu.memory_space<hbm>> -> memref<528x128xf32, #tpu.memory_space<hbm>>
        %dma_start3A_128 = arith.constant 0 : i32
        %dma_start3A_129 = tpu.memref_slice %arg8[%mul3A_122, %dma_start3A_128] : memref<10008x128xf32, #tpu.memory_space<vmem_shared>> -> memref<528x128xf32, #tpu.memory_space<vmem_shared>>
        tpu.enqueue_dma source(%dma_start3A_129 : memref<528x128xf32, #tpu.memory_space<vmem_shared>>) target(%dma_start3A_127 : memref<528x128xf32, #tpu.memory_space<hbm>>) target_semaphore(%run_scoped3A : memref<!tpu.dma_semaphore, #tpu.memory_space<semaphore_mem>>)
        %dma_wait3A_130 = arith.constant 0 : i32
        %dma_wait3A_131 = tpu.memref_slice %arg5[%arg0, %mul3A_124, %dma_wait3A_130] : memref<2x10008x128xf32, #tpu.memory_space<hbm>> -> memref<1x528x128xf32, #tpu.memory_space<hbm>>
        %dma_wait3A_132 = tpu.memref_squeeze %dma_wait3A_131 : memref<1x528x128xf32, #tpu.memory_space<hbm>> -> memref<528x128xf32, #tpu.memory_space<hbm>>
        %dma_wait3A_133 = arith.constant 0 : i32
        %dma_wait3A_134 = tpu.memref_slice %arg8[%mul3A_122, %dma_wait3A_133] : memref<10008x128xf32, #tpu.memory_space<vmem_shared>> -> memref<528x128xf32, #tpu.memory_space<vmem_shared>>
        tpu.wait_dma2 semaphore(%run_scoped3A : memref<!tpu.dma_semaphore, #tpu.memory_space<semaphore_mem>>) src(%dma_wait3A_134 : memref<528x128xf32, #tpu.memory_space<vmem_shared>>) dst(%dma_wait3A_132 : memref<528x128xf32, #tpu.memory_space<hbm>>)
        tpu.yield
      }) : () -> ()
    } else {
    }
    return
  }
}

module attributes {stable_mosaic.version = 14 : i64} {
  func.func @_pre_body(%arg0: i32, %arg1: memref<5000x128xf32, #tpu.memory_space<vmem>>, %arg2: memref<128x128xf32, #tpu.memory_space<vmem>>, %arg3: memref<1x128xf32, #tpu.memory_space<vmem>>, %arg4: memref<128x128xf32, #tpu.memory_space<vmem>>, %arg5: memref<5000x128xf32, #tpu.memory_space<vmem>>, %arg6: memref<5000x128xf32, #tpu.memory_space<vmem>>) attributes {dimension_semantics = [#tpu.dimension_semantics<arbitrary>], iteration_bounds = array<i64: 2>, scalar_prefetch = 0 : i64, scratch_operands = 0 : i64, tpu.core_type = #tpu.core_type<tc>, window_params = [{transform_indices = @transform_0, window_bounds = array<i64: 5000, 128>}, {pipeline_mode = #tpu.pipeline_mode<synchronous>, transform_indices = @transform_1, window_bounds = array<i64: 128, 128>}, {pipeline_mode = #tpu.pipeline_mode<synchronous>, transform_indices = @transform_2, window_bounds = array<i64: 1, 128>}, {pipeline_mode = #tpu.pipeline_mode<synchronous>, transform_indices = @transform_3, window_bounds = array<i64: 128, 128>}, {transform_indices = @transform_4, window_bounds = array<i64: 5000, 128>}, {transform_indices = @transform_5, window_bounds = array<i64: 5000, 128>}]} {
    %get3A = arith.constant 0 : index
    %get3A_0 = arith.constant 0 : index
    %get3A_1 = vector.load %arg1[%get3A, %get3A_0] : memref<5000x128xf32, #tpu.memory_space<vmem>>, vector<5000x128xf32>
    %get3A_2 = arith.constant 0 : index
    %get3A_3 = arith.constant 0 : index
    %get3A_4 = vector.load %arg2[%get3A_2, %get3A_3] : memref<128x128xf32, #tpu.memory_space<vmem>>, vector<128x128xf32>
    %dot_general3A = arith.constant dense<0.000000e+00> : vector<5000x128xf32>
    %dot_general3A_5 = tpu.matmul %get3A_1, %get3A_4, %dot_general3A {dimension_numbers = #tpu.dot_dimension_numbers<[1], [0], [0], [1], [0, 0, 1, 1], [], []>, transpose_lhs_hint = false} : vector<5000x128xf32>, vector<128x128xf32>, vector<5000x128xf32> -> vector<5000x128xf32>
    %get3A_6 = arith.constant 0 : index
    %get3A_7 = arith.constant 0 : index
    %get3A_8 = vector.load %arg3[%get3A_6, %get3A_7] : memref<1x128xf32, #tpu.memory_space<vmem>>, vector<1x128xf32>
    %add3A = vector.broadcast %get3A_8 : vector<1x128xf32> to vector<5000x128xf32>
    %add3A_9 = arith.addf %dot_general3A_5, %add3A : vector<5000x128xf32>
    %max3A = arith.constant 0.000000e+00 : f32
    %max3A_10 = vector.broadcast %max3A : f32 to vector<5000x128xf32>
    %max3A_11 = arith.maximumf %add3A_9, %max3A_10 : vector<5000x128xf32>
    %swap3A = arith.constant 0 : index
    %swap3A_12 = arith.constant 0 : index
    %swap3A_13 = vector.load %arg5[%swap3A, %swap3A_12] : memref<5000x128xf32, #tpu.memory_space<vmem>>, vector<5000x128xf32>
    tpu.vector_store %arg5[%swap3A, %swap3A_12], %max3A_11 {strides = array<i32>} : memref<5000x128xf32, #tpu.memory_space<vmem>>, vector<5000x128xf32>,
    %get3A_14 = arith.constant 0 : index
    %get3A_15 = arith.constant 0 : index
    %get3A_16 = vector.load %arg4[%get3A_14, %get3A_15] : memref<128x128xf32, #tpu.memory_space<vmem>>, vector<128x128xf32>
    %dot_general3A_17 = arith.constant dense<0.000000e+00> : vector<5000x128xf32>
    %dot_general3A_18 = tpu.matmul %max3A_11, %get3A_16, %dot_general3A_17 {dimension_numbers = #tpu.dot_dimension_numbers<[1], [0], [0], [1], [0, 0, 1, 1], [], []>, transpose_lhs_hint = false} : vector<5000x128xf32>, vector<128x128xf32>, vector<5000x128xf32> -> vector<5000x128xf32>
    %swap3A_19 = arith.constant 0 : index
    %swap3A_20 = arith.constant 0 : index
    %swap3A_21 = vector.load %arg6[%swap3A_19, %swap3A_20] : memref<5000x128xf32, #tpu.memory_space<vmem>>, vector<5000x128xf32>
    tpu.vector_store %arg6[%swap3A_19, %swap3A_20], %dot_general3A_18 {strides = array<i32>} : memref<5000x128xf32, #tpu.memory_space<vmem>>, vector<5000x128xf32>,
    return
  }
  func.func @transform_0(%arg0: i32) -> (i32, i32) {
    %c0_i32 = arith.constant 0 : i32
    %c0_i32_0 = arith.constant 0 : i32
    return %arg0, %c0_i32 : i32, i32
  }
  func.func @transform_1(%arg0: i32) -> (i32, i32) {
    %c0_i32 = arith.constant 0 : i32
    %c0_i32_0 = arith.constant 0 : i32
    %c0_i32_1 = arith.constant 0 : i32
    return %c0_i32, %c0_i32_0 : i32, i32
  }
  func.func @transform_2(%arg0: i32) -> (i32, i32) {
    %c0_i32 = arith.constant 0 : i32
    %c0_i32_0 = arith.constant 0 : i32
    %c0_i32_1 = arith.constant 0 : i32
    return %c0_i32, %c0_i32_0 : i32, i32
  }
  func.func @transform_3(%arg0: i32) -> (i32, i32) {
    %c0_i32 = arith.constant 0 : i32
    %c0_i32_0 = arith.constant 0 : i32
    %c0_i32_1 = arith.constant 0 : i32
    return %c0_i32, %c0_i32_0 : i32, i32
  }
  func.func @transform_4(%arg0: i32) -> (i32, i32) {
    %c0_i32 = arith.constant 0 : i32
    %c0_i32_0 = arith.constant 0 : i32
    return %arg0, %c0_i32 : i32, i32
  }
  func.func @transform_5(%arg0: i32) -> (i32, i32) {
    %c0_i32 = arith.constant 0 : i32
    %c0_i32_0 = arith.constant 0 : i32
    return %arg0, %c0_i32 : i32, i32
  }
}

module attributes {stable_mosaic.version = 14 : i64} {
  func.func @_gru_body(%arg0: i32, %arg1: memref<2x5000x128xf32, #tpu.memory_space<vmem>>, %arg2: memref<5000x128xf32, #tpu.memory_space<vmem>>, %arg3: memref<128x384xf32, #tpu.memory_space<vmem>>, %arg4: memref<128x384xf32, #tpu.memory_space<vmem>>, %arg5: memref<1x384xf32, #tpu.memory_space<vmem>>, %arg6: memref<1x384xf32, #tpu.memory_space<vmem>>, %arg7: memref<128x128xf32, #tpu.memory_space<vmem>>, %arg8: memref<5000x128xf32, #tpu.memory_space<vmem>>, %arg9: memref<5000x128xf32, #tpu.memory_space<vmem>>) attributes {dimension_semantics = [#tpu.dimension_semantics<arbitrary>], iteration_bounds = array<i64: 2>, scalar_prefetch = 0 : i64, scratch_operands = 0 : i64, tpu.core_type = #tpu.core_type<tc>, window_params = [{transform_indices = @transform_0, window_bounds = array<i64: 2, 5000, 128>}, {transform_indices = @transform_1, window_bounds = array<i64: 5000, 128>}, {pipeline_mode = #tpu.pipeline_mode<synchronous>, transform_indices = @transform_2, window_bounds = array<i64: 128, 384>}, {pipeline_mode = #tpu.pipeline_mode<synchronous>, transform_indices = @transform_3, window_bounds = array<i64: 128, 384>}, {pipeline_mode = #tpu.pipeline_mode<synchronous>, transform_indices = @transform_4, window_bounds = array<i64: 1, 384>}, {pipeline_mode = #tpu.pipeline_mode<synchronous>, transform_indices = @transform_5, window_bounds = array<i64: 1, 384>}, {pipeline_mode = #tpu.pipeline_mode<synchronous>, transform_indices = @transform_6, window_bounds = array<i64: 128, 128>}, {transform_indices = @transform_7, window_bounds = array<i64: 5000, 128>}, {transform_indices = @transform_8, window_bounds = array<i64: 5000, 128>}]} {
    %get3A = arith.constant 0 : index
    %get3A_0 = arith.constant 0 : index
    %get3A_1 = arith.constant 0 : index
    %get3A_2 = vector.load %arg1[%get3A, %get3A_0, %get3A_1] : memref<2x5000x128xf32, #tpu.memory_space<vmem>>, vector<1x5000x128xf32>
    %get3A_3 = vector.shape_cast %get3A_2 : vector<1x5000x128xf32> to vector<5000x128xf32>
    %get3A_4 = arith.constant 1 : index
    %get3A_5 = arith.constant 0 : index
    %get3A_6 = arith.constant 0 : index
    %get3A_7 = vector.load %arg1[%get3A_4, %get3A_5, %get3A_6] : memref<2x5000x128xf32, #tpu.memory_space<vmem>>, vector<1x5000x128xf32>
    %get3A_8 = vector.shape_cast %get3A_7 : vector<1x5000x128xf32> to vector<5000x128xf32>
    %add3A = arith.addf %get3A_3, %get3A_8 : vector<5000x128xf32>
    %get3A_9 = arith.constant 0 : index
    %get3A_10 = arith.constant 0 : index
    %get3A_11 = vector.load %arg2[%get3A_9, %get3A_10] : memref<5000x128xf32, #tpu.memory_space<vmem>>, vector<5000x128xf32>
    %get3A_12 = arith.constant 0 : index
    %get3A_13 = arith.constant 0 : index
    %get3A_14 = vector.load %arg3[%get3A_12, %get3A_13] : memref<128x384xf32, #tpu.memory_space<vmem>>, vector<128x384xf32>
    %dot_general3A = arith.constant dense<0.000000e+00> : vector<5000x384xf32>
    %dot_general3A_15 = tpu.matmul %add3A, %get3A_14, %dot_general3A {dimension_numbers = #tpu.dot_dimension_numbers<[1], [0], [0], [1], [0, 0, 1, 1], [], []>, transpose_lhs_hint = false} : vector<5000x128xf32>, vector<128x384xf32>, vector<5000x384xf32> -> vector<5000x384xf32>
    %get3A_16 = arith.constant 0 : index
    %get3A_17 = arith.constant 0 : index
    %get3A_18 = vector.load %arg5[%get3A_16, %get3A_17] : memref<1x384xf32, #tpu.memory_space<vmem>>, vector<1x384xf32>
    %add3A_19 = vector.broadcast %get3A_18 : vector<1x384xf32> to vector<5000x384xf32>
    %add3A_20 = arith.addf %dot_general3A_15, %add3A_19 : vector<5000x384xf32>
    %get3A_21 = arith.constant 0 : index
    %get3A_22 = arith.constant 0 : index
    %get3A_23 = vector.load %arg4[%get3A_21, %get3A_22] : memref<128x384xf32, #tpu.memory_space<vmem>>, vector<128x384xf32>
    %dot_general3A_24 = arith.constant dense<0.000000e+00> : vector<5000x384xf32>
    %dot_general3A_25 = tpu.matmul %get3A_11, %get3A_23, %dot_general3A_24 {dimension_numbers = #tpu.dot_dimension_numbers<[1], [0], [0], [1], [0, 0, 1, 1], [], []>, transpose_lhs_hint = false} : vector<5000x128xf32>, vector<128x384xf32>, vector<5000x384xf32> -> vector<5000x384xf32>
    %get3A_26 = arith.constant 0 : index
    %get3A_27 = arith.constant 0 : index
    %get3A_28 = vector.load %arg6[%get3A_26, %get3A_27] : memref<1x384xf32, #tpu.memory_space<vmem>>, vector<1x384xf32>
    %add3A_29 = vector.broadcast %get3A_28 : vector<1x384xf32> to vector<5000x384xf32>
    %add3A_30 = arith.addf %dot_general3A_25, %add3A_29 : vector<5000x384xf32>
    %slice3A = vector.extract_strided_slice %add3A_20 {offsets = [0, 0], sizes = [5000, 128], strides = [1, 1]} : vector<5000x384xf32> to vector<5000x128xf32>
    %slice3A_31 = vector.extract_strided_slice %add3A_30 {offsets = [0, 0], sizes = [5000, 128], strides = [1, 1]} : vector<5000x384xf32> to vector<5000x128xf32>
    %add3A_32 = arith.addf %slice3A, %slice3A_31 : vector<5000x128xf32>
    %logistic3A = arith.negf %add3A_32 : vector<5000x128xf32>
    %logistic3A_33 = math.exp %logistic3A : vector<5000x128xf32>
    %logistic3A_34 = arith.constant 1.000000e+00 : f32
    %logistic3A_35 = vector.broadcast %logistic3A_34 : f32 to vector<5000x128xf32>
    %logistic3A_36 = arith.addf %logistic3A_35, %logistic3A_33 : vector<5000x128xf32>
    %logistic3A_37 = arith.divf %logistic3A_35, %logistic3A_36 : vector<5000x128xf32>
    %slice3A_38 = vector.extract_strided_slice %add3A_20 {offsets = [0, 128], sizes = [5000, 128], strides = [1, 1]} : vector<5000x384xf32> to vector<5000x128xf32>
    %slice3A_39 = vector.extract_strided_slice %add3A_30 {offsets = [0, 128], sizes = [5000, 128], strides = [1, 1]} : vector<5000x384xf32> to vector<5000x128xf32>
    %add3A_40 = arith.addf %slice3A_38, %slice3A_39 : vector<5000x128xf32>
    %logistic3A_41 = arith.negf %add3A_40 : vector<5000x128xf32>
    %logistic3A_42 = math.exp %logistic3A_41 : vector<5000x128xf32>
    %logistic3A_43 = arith.constant 1.000000e+00 : f32
    %logistic3A_44 = vector.broadcast %logistic3A_43 : f32 to vector<5000x128xf32>
    %logistic3A_45 = arith.addf %logistic3A_44, %logistic3A_42 : vector<5000x128xf32>
    %logistic3A_46 = arith.divf %logistic3A_44, %logistic3A_45 : vector<5000x128xf32>
    %slice3A_47 = vector.extract_strided_slice %add3A_20 {offsets = [0, 256], sizes = [5000, 128], strides = [1, 1]} : vector<5000x384xf32> to vector<5000x128xf32>
    %slice3A_48 = vector.extract_strided_slice %add3A_30 {offsets = [0, 256], sizes = [5000, 128], strides = [1, 1]} : vector<5000x384xf32> to vector<5000x128xf32>
    %mul3A = arith.mulf %logistic3A_37, %slice3A_48 : vector<5000x128xf32>
    %add3A_49 = arith.addf %slice3A_47, %mul3A : vector<5000x128xf32>
    %tanh3A = math.tanh %add3A_49 : vector<5000x128xf32>
    %sub3A = arith.constant 1.000000e+00 : f32
    %sub3A_50 = vector.broadcast %sub3A : f32 to vector<5000x128xf32>
    %sub3A_51 = arith.subf %sub3A_50, %logistic3A_46 : vector<5000x128xf32>
    %mul3A_52 = arith.mulf %sub3A_51, %tanh3A : vector<5000x128xf32>
    %mul3A_53 = arith.mulf %logistic3A_46, %get3A_11 : vector<5000x128xf32>
    %add3A_54 = arith.addf %mul3A_52, %mul3A_53 : vector<5000x128xf32>
    %swap3A = arith.constant 0 : index
    %swap3A_55 = arith.constant 0 : index
    %swap3A_56 = vector.load %arg8[%swap3A, %swap3A_55] : memref<5000x128xf32, #tpu.memory_space<vmem>>, vector<5000x128xf32>
    tpu.vector_store %arg8[%swap3A, %swap3A_55], %add3A_54 {strides = array<i32>} : memref<5000x128xf32, #tpu.memory_space<vmem>>, vector<5000x128xf32>,
    %get3A_57 = arith.constant 0 : index
    %get3A_58 = arith.constant 0 : index
    %get3A_59 = vector.load %arg7[%get3A_57, %get3A_58] : memref<128x128xf32, #tpu.memory_space<vmem>>, vector<128x128xf32>
    %dot_general3A_60 = arith.constant dense<0.000000e+00> : vector<5000x128xf32>
    %dot_general3A_61 = tpu.matmul %add3A_54, %get3A_59, %dot_general3A_60 {dimension_numbers = #tpu.dot_dimension_numbers<[1], [0], [0], [1], [0, 0, 1, 1], [], []>, transpose_lhs_hint = false} : vector<5000x128xf32>, vector<128x128xf32>, vector<5000x128xf32> -> vector<5000x128xf32>
    %swap3A_62 = arith.constant 0 : index
    %swap3A_63 = arith.constant 0 : index
    %swap3A_64 = vector.load %arg9[%swap3A_62, %swap3A_63] : memref<5000x128xf32, #tpu.memory_space<vmem>>, vector<5000x128xf32>
    tpu.vector_store %arg9[%swap3A_62, %swap3A_63], %dot_general3A_61 {strides = array<i32>} : memref<5000x128xf32, #tpu.memory_space<vmem>>, vector<5000x128xf32>,
    return
  }
  func.func @transform_0(%arg0: i32) -> (i32, i32, i32) {
    %c0_i32 = arith.constant 0 : i32
    %c0_i32_0 = arith.constant 0 : i32
    %c0_i32_1 = arith.constant 0 : i32
    return %c0_i32, %arg0, %c0_i32_0 : i32, i32, i32
  }
  func.func @transform_1(%arg0: i32) -> (i32, i32) {
    %c0_i32 = arith.constant 0 : i32
    %c0_i32_0 = arith.constant 0 : i32
    return %arg0, %c0_i32 : i32, i32
  }
  func.func @transform_2(%arg0: i32) -> (i32, i32) {
    %c0_i32 = arith.constant 0 : i32
    %c0_i32_0 = arith.constant 0 : i32
    %c0_i32_1 = arith.constant 0 : i32
    return %c0_i32, %c0_i32_0 : i32, i32
  }
  func.func @transform_3(%arg0: i32) -> (i32, i32) {
    %c0_i32 = arith.constant 0 : i32
    %c0_i32_0 = arith.constant 0 : i32
    %c0_i32_1 = arith.constant 0 : i32
    return %c0_i32, %c0_i32_0 : i32, i32
  }
  func.func @transform_4(%arg0: i32) -> (i32, i32) {
    %c0_i32 = arith.constant 0 : i32
    %c0_i32_0 = arith.constant 0 : i32
    %c0_i32_1 = arith.constant 0 : i32
    return %c0_i32, %c0_i32_0 : i32, i32
  }
  func.func @transform_5(%arg0: i32) -> (i32, i32) {
    %c0_i32 = arith.constant 0 : i32
    %c0_i32_0 = arith.constant 0 : i32
    %c0_i32_1 = arith.constant 0 : i32
    return %c0_i32, %c0_i32_0 : i32, i32
  }
  func.func @transform_6(%arg0: i32) -> (i32, i32) {
    %c0_i32 = arith.constant 0 : i32
    %c0_i32_0 = arith.constant 0 : i32
    %c0_i32_1 = arith.constant 0 : i32
    return %c0_i32, %c0_i32_0 : i32, i32
  }
  func.func @transform_7(%arg0: i32) -> (i32, i32) {
    %c0_i32 = arith.constant 0 : i32
    %c0_i32_0 = arith.constant 0 : i32
    return %arg0, %c0_i32 : i32, i32
  }
  func.func @transform_8(%arg0: i32) -> (i32, i32) {
    %c0_i32 = arith.constant 0 : i32
    %c0_i32_0 = arith.constant 0 : i32
    return %arg0, %c0_i32 : i32, i32
  }
}

module attributes {stable_mosaic.version = 14 : i64} {
  func.func @_gru_out_body(%arg0: i32, %arg1: memref<2x5000x128xf32, #tpu.memory_space<vmem>>, %arg2: memref<5000x128xf32, #tpu.memory_space<vmem>>, %arg3: memref<128x384xf32, #tpu.memory_space<vmem>>, %arg4: memref<128x384xf32, #tpu.memory_space<vmem>>, %arg5: memref<1x384xf32, #tpu.memory_space<vmem>>, %arg6: memref<1x384xf32, #tpu.memory_space<vmem>>, %arg7: memref<128x128xf32, #tpu.memory_space<vmem>>, %arg8: memref<1x128xf32, #tpu.memory_space<vmem>>, %arg9: memref<5000x128xf32, #tpu.memory_space<vmem>>) attributes {dimension_semantics = [#tpu.dimension_semantics<arbitrary>], iteration_bounds = array<i64: 2>, scalar_prefetch = 0 : i64, scratch_operands = 0 : i64, tpu.core_type = #tpu.core_type<tc>, window_params = [{transform_indices = @transform_0, window_bounds = array<i64: 2, 5000, 128>}, {transform_indices = @transform_1, window_bounds = array<i64: 5000, 128>}, {pipeline_mode = #tpu.pipeline_mode<synchronous>, transform_indices = @transform_2, window_bounds = array<i64: 128, 384>}, {pipeline_mode = #tpu.pipeline_mode<synchronous>, transform_indices = @transform_3, window_bounds = array<i64: 128, 384>}, {pipeline_mode = #tpu.pipeline_mode<synchronous>, transform_indices = @transform_4, window_bounds = array<i64: 1, 384>}, {pipeline_mode = #tpu.pipeline_mode<synchronous>, transform_indices = @transform_5, window_bounds = array<i64: 1, 384>}, {pipeline_mode = #tpu.pipeline_mode<synchronous>, transform_indices = @transform_6, window_bounds = array<i64: 128, 128>}, {pipeline_mode = #tpu.pipeline_mode<synchronous>, transform_indices = @transform_7, window_bounds = array<i64: 1, 128>}, {transform_indices = @transform_8, window_bounds = array<i64: 5000, 128>}]} {
    %get3A = arith.constant 0 : index
    %get3A_0 = arith.constant 0 : index
    %get3A_1 = arith.constant 0 : index
    %get3A_2 = vector.load %arg1[%get3A, %get3A_0, %get3A_1] : memref<2x5000x128xf32, #tpu.memory_space<vmem>>, vector<1x5000x128xf32>
    %get3A_3 = vector.shape_cast %get3A_2 : vector<1x5000x128xf32> to vector<5000x128xf32>
    %get3A_4 = arith.constant 1 : index
    %get3A_5 = arith.constant 0 : index
    %get3A_6 = arith.constant 0 : index
    %get3A_7 = vector.load %arg1[%get3A_4, %get3A_5, %get3A_6] : memref<2x5000x128xf32, #tpu.memory_space<vmem>>, vector<1x5000x128xf32>
    %get3A_8 = vector.shape_cast %get3A_7 : vector<1x5000x128xf32> to vector<5000x128xf32>
    %add3A = arith.addf %get3A_3, %get3A_8 : vector<5000x128xf32>
    %get3A_9 = arith.constant 0 : index
    %get3A_10 = arith.constant 0 : index
    %get3A_11 = vector.load %arg2[%get3A_9, %get3A_10] : memref<5000x128xf32, #tpu.memory_space<vmem>>, vector<5000x128xf32>
    %get3A_12 = arith.constant 0 : index
    %get3A_13 = arith.constant 0 : index
    %get3A_14 = vector.load %arg3[%get3A_12, %get3A_13] : memref<128x384xf32, #tpu.memory_space<vmem>>, vector<128x384xf32>
    %dot_general3A = arith.constant dense<0.000000e+00> : vector<5000x384xf32>
    %dot_general3A_15 = tpu.matmul %add3A, %get3A_14, %dot_general3A {dimension_numbers = #tpu.dot_dimension_numbers<[1], [0], [0], [1], [0, 0, 1, 1], [], []>, transpose_lhs_hint = false} : vector<5000x128xf32>, vector<128x384xf32>, vector<5000x384xf32> -> vector<5000x384xf32>
    %get3A_16 = arith.constant 0 : index
    %get3A_17 = arith.constant 0 : index
    %get3A_18 = vector.load %arg5[%get3A_16, %get3A_17] : memref<1x384xf32, #tpu.memory_space<vmem>>, vector<1x384xf32>
    %add3A_19 = vector.broadcast %get3A_18 : vector<1x384xf32> to vector<5000x384xf32>
    %add3A_20 = arith.addf %dot_general3A_15, %add3A_19 : vector<5000x384xf32>
    %get3A_21 = arith.constant 0 : index
    %get3A_22 = arith.constant 0 : index
    %get3A_23 = vector.load %arg4[%get3A_21, %get3A_22] : memref<128x384xf32, #tpu.memory_space<vmem>>, vector<128x384xf32>
    %dot_general3A_24 = arith.constant dense<0.000000e+00> : vector<5000x384xf32>
    %dot_general3A_25 = tpu.matmul %get3A_11, %get3A_23, %dot_general3A_24 {dimension_numbers = #tpu.dot_dimension_numbers<[1], [0], [0], [1], [0, 0, 1, 1], [], []>, transpose_lhs_hint = false} : vector<5000x128xf32>, vector<128x384xf32>, vector<5000x384xf32> -> vector<5000x384xf32>
    %get3A_26 = arith.constant 0 : index
    %get3A_27 = arith.constant 0 : index
    %get3A_28 = vector.load %arg6[%get3A_26, %get3A_27] : memref<1x384xf32, #tpu.memory_space<vmem>>, vector<1x384xf32>
    %add3A_29 = vector.broadcast %get3A_28 : vector<1x384xf32> to vector<5000x384xf32>
    %add3A_30 = arith.addf %dot_general3A_25, %add3A_29 : vector<5000x384xf32>
    %slice3A = vector.extract_strided_slice %add3A_20 {offsets = [0, 0], sizes = [5000, 128], strides = [1, 1]} : vector<5000x384xf32> to vector<5000x128xf32>
    %slice3A_31 = vector.extract_strided_slice %add3A_30 {offsets = [0, 0], sizes = [5000, 128], strides = [1, 1]} : vector<5000x384xf32> to vector<5000x128xf32>
    %add3A_32 = arith.addf %slice3A, %slice3A_31 : vector<5000x128xf32>
    %logistic3A = arith.negf %add3A_32 : vector<5000x128xf32>
    %logistic3A_33 = math.exp %logistic3A : vector<5000x128xf32>
    %logistic3A_34 = arith.constant 1.000000e+00 : f32
    %logistic3A_35 = vector.broadcast %logistic3A_34 : f32 to vector<5000x128xf32>
    %logistic3A_36 = arith.addf %logistic3A_35, %logistic3A_33 : vector<5000x128xf32>
    %logistic3A_37 = arith.divf %logistic3A_35, %logistic3A_36 : vector<5000x128xf32>
    %slice3A_38 = vector.extract_strided_slice %add3A_20 {offsets = [0, 128], sizes = [5000, 128], strides = [1, 1]} : vector<5000x384xf32> to vector<5000x128xf32>
    %slice3A_39 = vector.extract_strided_slice %add3A_30 {offsets = [0, 128], sizes = [5000, 128], strides = [1, 1]} : vector<5000x384xf32> to vector<5000x128xf32>
    %add3A_40 = arith.addf %slice3A_38, %slice3A_39 : vector<5000x128xf32>
    %logistic3A_41 = arith.negf %add3A_40 : vector<5000x128xf32>
    %logistic3A_42 = math.exp %logistic3A_41 : vector<5000x128xf32>
    %logistic3A_43 = arith.constant 1.000000e+00 : f32
    %logistic3A_44 = vector.broadcast %logistic3A_43 : f32 to vector<5000x128xf32>
    %logistic3A_45 = arith.addf %logistic3A_44, %logistic3A_42 : vector<5000x128xf32>
    %logistic3A_46 = arith.divf %logistic3A_44, %logistic3A_45 : vector<5000x128xf32>
    %slice3A_47 = vector.extract_strided_slice %add3A_20 {offsets = [0, 256], sizes = [5000, 128], strides = [1, 1]} : vector<5000x384xf32> to vector<5000x128xf32>
    %slice3A_48 = vector.extract_strided_slice %add3A_30 {offsets = [0, 256], sizes = [5000, 128], strides = [1, 1]} : vector<5000x384xf32> to vector<5000x128xf32>
    %mul3A = arith.mulf %logistic3A_37, %slice3A_48 : vector<5000x128xf32>
    %add3A_49 = arith.addf %slice3A_47, %mul3A : vector<5000x128xf32>
    %tanh3A = math.tanh %add3A_49 : vector<5000x128xf32>
    %sub3A = arith.constant 1.000000e+00 : f32
    %sub3A_50 = vector.broadcast %sub3A : f32 to vector<5000x128xf32>
    %sub3A_51 = arith.subf %sub3A_50, %logistic3A_46 : vector<5000x128xf32>
    %mul3A_52 = arith.mulf %sub3A_51, %tanh3A : vector<5000x128xf32>
    %mul3A_53 = arith.mulf %logistic3A_46, %get3A_11 : vector<5000x128xf32>
    %add3A_54 = arith.addf %mul3A_52, %mul3A_53 : vector<5000x128xf32>
    %max3A = arith.constant 0.000000e+00 : f32
    %max3A_55 = vector.broadcast %max3A : f32 to vector<5000x128xf32>
    %max3A_56 = arith.maximumf %add3A_54, %max3A_55 : vector<5000x128xf32>
    %get3A_57 = arith.constant 0 : index
    %get3A_58 = arith.constant 0 : index
    %get3A_59 = vector.load %arg7[%get3A_57, %get3A_58] : memref<128x128xf32, #tpu.memory_space<vmem>>, vector<128x128xf32>
    %dot_general3A_60 = arith.constant dense<0.000000e+00> : vector<5000x128xf32>
    %dot_general3A_61 = tpu.matmul %max3A_56, %get3A_59, %dot_general3A_60 {dimension_numbers = #tpu.dot_dimension_numbers<[1], [0], [0], [1], [0, 0, 1, 1], [], []>, transpose_lhs_hint = false} : vector<5000x128xf32>, vector<128x128xf32>, vector<5000x128xf32> -> vector<5000x128xf32>
    %get3A_62 = arith.constant 0 : index
    %get3A_63 = arith.constant 0 : index
    %get3A_64 = vector.load %arg8[%get3A_62, %get3A_63] : memref<1x128xf32, #tpu.memory_space<vmem>>, vector<1x128xf32>
    %add3A_65 = vector.broadcast %get3A_64 : vector<1x128xf32> to vector<5000x128xf32>
    %add3A_66 = arith.addf %dot_general3A_61, %add3A_65 : vector<5000x128xf32>
    %swap3A = arith.constant 0 : index
    %swap3A_67 = arith.constant 0 : index
    %swap3A_68 = vector.load %arg9[%swap3A, %swap3A_67] : memref<5000x128xf32, #tpu.memory_space<vmem>>, vector<5000x128xf32>
    tpu.vector_store %arg9[%swap3A, %swap3A_67], %add3A_66 {strides = array<i32>} : memref<5000x128xf32, #tpu.memory_space<vmem>>, vector<5000x128xf32>,
    return
  }
  func.func @transform_0(%arg0: i32) -> (i32, i32, i32) {
    %c0_i32 = arith.constant 0 : i32
    %c0_i32_0 = arith.constant 0 : i32
    %c0_i32_1 = arith.constant 0 : i32
    return %c0_i32, %arg0, %c0_i32_0 : i32, i32, i32
  }
  func.func @transform_1(%arg0: i32) -> (i32, i32) {
    %c0_i32 = arith.constant 0 : i32
    %c0_i32_0 = arith.constant 0 : i32
    return %arg0, %c0_i32 : i32, i32
  }
  func.func @transform_2(%arg0: i32) -> (i32, i32) {
    %c0_i32 = arith.constant 0 : i32
    %c0_i32_0 = arith.constant 0 : i32
    %c0_i32_1 = arith.constant 0 : i32
    return %c0_i32, %c0_i32_0 : i32, i32
  }
  func.func @transform_3(%arg0: i32) -> (i32, i32) {
    %c0_i32 = arith.constant 0 : i32
    %c0_i32_0 = arith.constant 0 : i32
    %c0_i32_1 = arith.constant 0 : i32
    return %c0_i32, %c0_i32_0 : i32, i32
  }
  func.func @transform_4(%arg0: i32) -> (i32, i32) {
    %c0_i32 = arith.constant 0 : i32
    %c0_i32_0 = arith.constant 0 : i32
    %c0_i32_1 = arith.constant 0 : i32
    return %c0_i32, %c0_i32_0 : i32, i32
  }
  func.func @transform_5(%arg0: i32) -> (i32, i32) {
    %c0_i32 = arith.constant 0 : i32
    %c0_i32_0 = arith.constant 0 : i32
    %c0_i32_1 = arith.constant 0 : i32
    return %c0_i32, %c0_i32_0 : i32, i32
  }
  func.func @transform_6(%arg0: i32) -> (i32, i32) {
    %c0_i32 = arith.constant 0 : i32
    %c0_i32_0 = arith.constant 0 : i32
    %c0_i32_1 = arith.constant 0 : i32
    return %c0_i32, %c0_i32_0 : i32, i32
  }
  func.func @transform_7(%arg0: i32) -> (i32, i32) {
    %c0_i32 = arith.constant 0 : i32
    %c0_i32_0 = arith.constant 0 : i32
    %c0_i32_1 = arith.constant 0 : i32
    return %c0_i32, %c0_i32_0 : i32, i32
  }
  func.func @transform_8(%arg0: i32) -> (i32, i32) {
    %c0_i32 = arith.constant 0 : i32
    %c0_i32_0 = arith.constant 0 : i32
    return %arg0, %c0_i32 : i32, i32
  }
}

</mosaic_0001>

<sc_bundles>
// kernel: kernel.12.cloned.1.call-start
scs
__scs_entry_jumppad:
0x0: {  	(pc) =	sbr.rel $0x88, $3  }
0x1: {  	(tag) =	ssettag $0x0;
	lr =	simm.s32 $0x1  }
0x2: {  	[smem:$0x3F96] =	sst lr;
	_ =	strace $0xD0000000  }
0x3: {  	_ = 	snop  }
0x4: {  	_ = 	snop  }
0x5: {  	_ = 	snop  }
0x6: {  	_ = 	snop  }
0x7: {  	_ = 	snop  }
__scs_overlays_trampoline_lowered:
0x8: {  	[smem:$0x3FA5] =	sst s0  }
0x9: {  	[smem:$0x3FA6] =	sst s1  }
0xa: {  	[smem:$0x3FA7] =	sst s2  }
0xb: {  	[smem:$0x3FA8] =	sst s3  }
0xc: {  	[smem:$0x3FA9] =	sst s4  }
0xd: {  	[smem:$0x3FAA] =	sst s5  }
0xe: {  	[smem:$0x3FAB] =	sst s6  }
0xf: {  	[smem:$0x3FAC] =	sst s7  }
0x10: {  	[smem:$0x3FAD] =	sst s8  }
0x11: {  	[smem:$0x3FAE] =	sst s9;
	s0 =	simm.s32 @!p0 $0x0  }
0x12: {  	s1 =	sld [smem:$0x3F94];
	s0 =	simm.s32 @p0 $0x1  }
0x13: {  	[smem:$0x3FAF] =	sst s0;
	s0 =	simm.s32 @!p1 $0x0  }
0x14: {  	s2 =	sld [smem:$0x3F93];
	s0 =	simm.s32 @p1 $0x1  }
0x15: {  	[smem:$0x3FB0] =	sst s0;
	s0 =	simm.s32 @!p2 $0x0  }
0x16: {  	s3 =	sld [smem:$0x3FDB];
	s0 =	simm.s32 @p2 $0x1  }
0x17: {  	s4 =	simm.s32 $0x1BF5;
	[smem:$0x3FB2] =	sst s0  }
0x18: {  	s0 =	sld [smem:$0x3F95];
	_ =	swait.ge [sflag:s4], $0x0  }
0x19: {  	s7 =	sld [smem:$0x3F96]  }
0x1a: {  	s8 =	sadd.s32 $0xFFFFE003, lr  }
0x1b: {  	s9 =	sadd.s32 $0xFFFFFEF7, lr;
	s5 =	simm.s32 $0xFFFFFFFF;
	p2 =	slt.u32 s8, $0xFFFFF086  }
0x1c: {  	p1 =	slt.u32 s9, $0xF7A;
	s5 =	simm.s32 @!p2 $0x0  }
0x1d: {  	s5 =	simm.s32 @p1 $0x1;
	p0 =	seq.s32 s7, s2  }
0x1e: {  	s7 =	smul.u32 @!p0 $0xF7A, s2;
	p2 =	seq.s32 @!p0 s5, $0x0  }
0x1f: {  	s9 =	smul.u32 $0xF7A, s1;
	s8 =	simm.s32 @!p0 $0x1BF5;
	p2 =	por !p2, p0  }
0x20: {  	[sflag:s8] =	ssyncset.s32 @!p0 $0xFFFFF086;
	s6 =	sadd.s32 @!p0 s3, s7;
	s7 =	simm.s32 @!p0 $0x108  }
0x21: {  	s3 =	sadd.s32 s3, s9;
	s6 =	sadd.s32 @!p0 $0x88, s6;
	s7 =	simm.s32 @p2 $0x1082  }
0x22: {  	[simem:s7], [sflag:s8] =	dma.local @!p0 [hbm:s6], $0xF7A  }
0x23: {  	s9 =	sor.u32 $0xD0000000, s2;
	s6 =	simm.s32 $0x108;
	_ =	swait.ge @!p0 [sflag:s8], $0x0  }
0x24: {  	s3 =	sadd.s32 $0x88, s3;
	s6 =	simm.s32 @!p1 $0x1082;
	[sflag:s4] =	ssyncset.s32 $0xFFFFF086  }
0x25: {  	[simem:s6], [sflag:s4] =	dma.local [hbm:s3], $0xF7A  }
0x26: {  	[smem:$0x3F96] =	sst s1;
	(tag) =	ssettag s2;
	_ =	strace s9  }
0x27: {  	s1 =	sld [smem:$0x3FA6]  }
0x28: {  	s2 =	sld [smem:$0x3FA7]  }
0x29: {  	s4 =	sld [smem:$0x3FA9]  }
0x2a: {  	p0 =	seq.s32 s5, $0x0;
	s5 =	sld [smem:$0x3FAA]  }
0x2b: {  	s6 =	sld [smem:$0x3FAB]  }
0x2c: {  	s7 =	sld [smem:$0x3FAC]  }
0x2d: {  	s3 =	simm.s32 $0x108;
	s8 =	sld [smem:$0x3FAD]  }
0x2e: {  	s3 =	simm.s32 @!p0 $0x1082;
	s9 =	sld [smem:$0x3FAE]  }
0x2f: {  	lr =	sadd.s32 s0, s3;
	s0 =	sld [smem:$0x3FA5]  }
0x30: {  	s3 =	sld [smem:$0x3FA8]  }
0x31: {  	[smem:$0x3FB1] =	sst s10  }
0x32: {  	s10 =	sld [smem:$0x3FAF];
	_ =	sdelay $0x3  }
0x33: {  	p0 =	seq.s32 s10, $0x1;
	s10 =	sld [smem:$0x3FB1];
	_ =	sdelay $0x3  }
0x34: {  	[smem:$0x3FB1] =	sst s10  }
0x35: {  	s10 =	sld [smem:$0x3FB0];
	_ =	sdelay $0x3  }
0x36: {  	p1 =	seq.s32 s10, $0x1;
	s10 =	sld [smem:$0x3FB1];
	_ =	sdelay $0x3  }
0x37: {  	[smem:$0x3FB1] =	sst s10  }
0x38: {  	s10 =	sld [smem:$0x3FB2]  }
0x39: {  	_ = 	snop;
	(pc) =	sbr.ind lr, $3  }
0x3a: {  	_ = 	snop  }
0x3b: {  	_ = 	snop  }
0x3c: {  	p2 =	seq.s32 s10, $0x1;
	s10 =	sld [smem:$0x3FB1]  }
0x3d: {  	_ =	shalt  }
0x3e: {  	_ =	shalt  }
0x3f: {  	_ =	shalt  }
0x40: {  	_ =	shalt  }
0x41: {  	_ =	shalt  }
0x42: {  	_ =	shalt  }
0x43: {  	_ =	shalt  }
0x44: {  	_ =	shalt  }
0x45: {  	_ =	shalt  }
0x46: {  	_ =	shalt  }
0x47: {  	_ =	shalt  }
0x48: {  	_ =	shalt  }
0x49: {  	_ =	shalt  }
0x4a: {  	_ =	shalt  }
0x4b: {  	_ =	shalt  }
0x4c: {  	_ =	shalt  }
0x4d: {  	_ =	shalt  }
0x4e: {  	_ =	shalt  }
0x4f: {  	_ =	shalt  }
0x50: {  	_ =	shalt  }
0x51: {  	_ =	shalt  }
0x52: {  	_ =	shalt  }
0x53: {  	_ =	shalt  }
0x54: {  	_ =	shalt  }
0x55: {  	_ =	shalt  }
0x56: {  	_ =	shalt  }
0x57: {  	_ =	shalt  }
0x58: {  	_ =	shalt  }
0x59: {  	_ =	shalt  }
0x5a: {  	_ =	shalt  }
0x5b: {  	_ =	shalt  }
0x5c: {  	_ =	shalt  }
0x5d: {  	_ =	shalt  }
0x5e: {  	_ =	shalt  }
0x5f: {  	_ =	shalt  }
0x60: {  	_ =	shalt  }
0x61: {  	_ =	shalt  }
0x62: {  	_ =	shalt  }
0x63: {  	_ =	shalt  }
0x64: {  	_ =	shalt  }
0x65: {  	_ =	shalt  }
0x66: {  	_ =	shalt  }
0x67: {  	_ =	shalt  }
0x68: {  	_ =	shalt  }
0x69: {  	_ =	shalt  }
0x6a: {  	_ =	shalt  }
0x6b: {  	_ =	shalt  }
0x6c: {  	_ =	shalt  }
0x6d: {  	_ =	shalt  }
0x6e: {  	_ =	shalt  }
0x6f: {  	_ =	shalt  }
0x70: {  	_ =	shalt  }
0x71: {  	_ =	shalt  }
0x72: {  	_ =	shalt  }
0x73: {  	_ =	shalt  }
0x74: {  	_ =	shalt  }
0x75: {  	_ =	shalt  }
0x76: {  	_ =	shalt  }
0x77: {  	_ =	shalt  }
0x78: {  	_ =	shalt  }
0x79: {  	_ =	shalt  }
0x7a: {  	_ =	shalt  }
0x7b: {  	_ =	shalt  }
0x7c: {  	_ =	shalt  }
0x7d: {  	_ =	shalt  }
0x7e: {  	_ =	shalt  }
0x7f: {  	_ =	shalt  }
0x80: {  	_ =	shalt  }
0x81: {  	_ =	shalt  }
0x82: {  	_ =	shalt  }
0x83: {  	_ =	shalt  }
0x84: {  	_ =	shalt  }
0x85: {  	_ =	shalt  }
0x86: {  	_ =	shalt  }
0x87: {  	_ =	shalt  }
.Lfunc_end0:
.L_simem_size_0:
called_computation.1_lowered:
.L_overlay_start_0:
0x88: {  	s2 =	sld [smem:$0x3FD9]  }
0x89: {  	s3 =	sld [smem:$0x3FFE];
	_ =	sdelay $0x1  }
0x8a: {  	s1 =	srdreg.scid  }
0x8b: {  	s0 =	sand.u32 $0x1, s1  }
0x8c: {  	s17 =	sshll.u32 s0, $0xA;
	s2 =	sadd.s32 s3, s2  }
0x8d: {  	s2 =	sadd.s32 s2, s17  }
0x8e: {  	[smem:$0x3FBD] =	sst s2  }
0x8f: {  	_ = 	snop  }
0x90: {  	s2 =	sld [smem:$0x3FD0];
	(tm) =	ssettm $0x1  }
0x91: {  	s18 =	sld [smem:$0x3FFB];
	_ =	sdelay $0x3  }
0x92: {  	_ =	strace s18  }
0x93: {  	s3 =	sld [smem:$0x3FFC];
	_ =	sdelay $0x3  }
0x94: {  	_ =	strace s3  }
0x95: {  	s3 =	sld [smem:$0x3FFD];
	_ =	sdelay $0x3  }
0x96: {  	_ =	strace s3  }
0x97: {  	_ =	strace $0x8FFFFFFF  }
0x98: {  	s19 =	sld [smem:$0x3FDB];
	_ =	sdelay $0x1  }
0x99: {  	s4 =	simm.s32 $_scs_section_size  }
0x9a: {  	s5 =	simm.s32 $_size__tile_overlayer_lowered;
	s6 =	simm.s32 $_tile_overlayer_lowered  }
0x9b: {  	s22 =	simm.s32 $0x1BFF;
	s21 =	sshll.u32 s6, $0x1;
	s3 =	sadd.s32 s4, s19  }
0x9c: {  	s7 =	simm.s32 $0x0;
	s20 =	sshll.u32 s5, $0x1;
	s5 =	sadd.s32 s21, s3  }
0x9d: {  	[timem:s7], [sflag:s22] =	dma.local [hbm:s5], s20  }
0x9e: {  	_ =	swait.ge [sflag:s22], s20  }
0x9f: {  	s4 =	ssub.s32 $0x0, s20;
	[sflag:s22] =	ssyncset.done $0x0  }
0xa0: {  	[sflag:s22] =	ssyncadd.s32 s4;
	_ =	sdelay $0x1  }
0xa1: {  	s23 =	simm.s32 $0x1B8B  }
0xa2: {  	_ =	swait.ge [sflag:s23], $0x1  }
0xa3: {  	[sflag:s23] =	ssyncset.done $0x0  }
0xa4: {  	s25 =	simm.s32 $0x1B8E;
	s24 =	sld [smem:$0x3FFE];
	[sflag:s23] =	ssyncadd.s32 $0xFFFFFFFF  }
0xa5: {  	s26 =	simm.s32 $execute0_lowered;
	[smem:$0x3FD2] =	sst s25  }
0xa6: {  	s5 =	sshll.u32 s26, $0x1;
	_ =	strace $0x80000049;
	[dreg:$0x1] =	wrdreg $0xFFFFFFFF  }
0xa7: {  	s28 =	simm.s32 $_size_execute0_lowered;
	s3 =	sadd.s32 s3, s5;
	[dreg:$0x0] =	wrdreg $0x0  }
0xa8: {  	s5 =	sshll.u32 s28, $0x1;
	[dreg:$0x2] =	wrdreg s3  }
0xa9: {  	[dreg:$0x3] =	wrdreg s5  }
0xaa: {  	[dreg:$0x4] =	wrdreg $0xC0  }
0xab: {  	_ =	task [dreg:s7], $0x5FFFF  }
0xac: {  	[dreg:$0x1] =	wrdreg $0xFFFFFFFF  }
0xad: {  	[dreg:$0x0] =	wrdreg $0x60  }
0xae: {  	[dreg:$0x2] =	wrdreg s24  }
0xaf: {  	[dreg:$0x3] =	wrdreg s2  }
0xb0: {  	[dreg:$0x4] =	wrdreg $0xC4000  }
0xb1: {  	[dreg:$0x5] =	wrdreg $0x9  }
0xb2: {  	_ =	task.clear_ibuf [dreg:s7], $0x6FFFF;
	_ =	strace $0x90000049  }
0xb3: {  	s29 =	simm.s32 $0x9;
	_ =	strace $0x8000004B  }
0xb4: {  	_ =	swait.ge [sflag:s29], $0x1  }
0xb5: {  	[sflag:s29] =	ssyncadd.s32 $0xFFFFFFFF  }
0xb6: {  	_ =	strace $0x9000004B  }
0xb7: {  	_ =	sfence  }
0xb8: {  	s30 =	sld [smem:$0x0];
	_ =	sdelay $0x2  }
0xb9: {  	s31 =	sshll.u32 s1, $0xD;
	s1 =	sshrl.u32 s1, $0x2  }
0xba: {  	s3 =	sand.u32 $0x4000, s31;
	s1 =	sadd.s32 s1, s30  }
0xbb: {  	s0 =	sor.u32 s3, s0;
	s1 =	sshll.u32 s1, $0x11  }
0xbc: {  	s0 =	sor.u32 s1, s0  }
0xbd: {  	s0 =	sadd.s32 $0x8F2B, s0  }
0xbe: {  	[sflag:s0] =	ssyncadd.remote.s32 $0x1  }
0xbf: {  	_ =	sfence.sel $0xFFFF  }
0xc0: {  	[dreg:$0x0] =	wrdreg $0xFFFFFFFF;
	(pc) =	sbr.abs _section_cstart, $3  }
0xc1: {  	[dreg:$0x1] =	wrdreg $0xFFFFFFFF  }
0xc2: {  	_ =	task.clear_ibuf [dreg:s7], $0x2FFFF;
	_ =	strace $0x9FFFFFFF  }
0xc3: {  	(tm) =	ssettm $0x7FFFFFFF  }
tec
execute0_lowered:
.L_overlay_start_1:
0x0: {  	(tag) =	ssettag $0x1  }
0x1: {  	s0 =	rddreg [dreg:$0x0]  }
0x2: {  	s1 =	rddreg [dreg:$0x1]  }
0x3: {  	s2 =	rddreg [dreg:$0x2];
	s4 =	simm.s32 $0x0  }
0x4: {  	s3 =	srdreg.scid;
	s12 =	stileid.u32;
	s10 =	simm.s32 $0x1C  }
0x5: {  	s28 =	simm.s32 $0x80;
	s30 =	simm.s32 $0x2;
	[smem:$0x7FF] =	sst s4  }
0x6: {  	s5 =	sadd.s32 $0x3000, s0;
	s3 =	sand.u32 $0x1, s3;
	s6 =	smul.u32 $0x4F000, s12  }
0x7: {  	s7 =	sadd.s32 $0x23400, s0;
	s19 =	sadd.s32 $0x138400, s2;
	s11 =	smul.u32 $0x13C00, s12  }
0x8: {  	s0 =	sadd.s32 $0x23C00, s0;
	s20 =	smul.u32 $0x8100, s12;
	_ =	strace $0x8000004A  }
0x9: {  	[dreg:$0x4] =	wrdreg s7;
	s16 =	ssub.s32 $0x2, s3;
	s9 =	smul.u32 $0x81000, s3  }
0xa: {  	s17 =	smul.u32 $0x138C00, s3;
	[dreg:$0x7] =	wrdreg s19;
	s6 =	sshrl.u32 s6, $0x2  }
0xb: {  	p0 =	seq.s32 s3, $0x0;
	s8 =	sshrl.u32 s16, $0x1;
	s13 =	sadd.s32 s6, s2  }
0xc: {  	s8 =	ssub.s32 s16, s8;
	s18 =	sadd.s32 $0x10000, s13;
	[dreg:$0x5] =	wrdreg s13  }
0xd: {  	s11 =	sadd.s32 s11, s17;
	s23 =	smax.u32 s8, $0x1;
	[dreg:$0x6] =	wrdreg s18  }
0xe: {  	s6 =	sshrl.u32 s17, $0x3;
	s24 =	sadd.s32 $0x4000, s13;
	[dreg:$0xa] =	wrdreg s23  }
0xf: {  	s3 =	sadd.s32 s20, s9;
	s26 =	sadd.s32 $0x8000, s13;
	[dreg:$0xb] =	wrdreg s24  }
0x10: {  	s21 =	sshrl.u32 s11, $0x3;
	s29 =	sadd.s32 $0xC000, s13;
	[dreg:$0xc] =	wrdreg s26  }
0x11: {  	s25 =	sshrl.u32 s3, $0x3;
	s3 =	sadd.s32 $0x300, s3;
	[dreg:$0xd] =	wrdreg s29  }
0x12: {  	s6 =	sadd.s32 s0, s6;
	s0 =	sadd.s32 s0, s21;
	[dreg:$0x11] =	wrdreg s3  }
0x13: {  	s10 =	simm.s32 @!p0 $0x81;
	s22 =	sadd.s32 $0x25080, s6;
	[dreg:$0x8] =	wrdreg s0  }
0x14: {  	p0 =	seq.s32 s12, $0xF;
	s6 =	sadd.s32 s5, s25;
	[dreg:$0x9] =	wrdreg s22  }
0x15: {  	s21 =	simm.s32 $0x400;
	s31 =	sadd.s32 $0x20, s6;
	[dreg:$0xe] =	wrdreg s6  }
0x16: {  	s0 =	sadd.s32 $0x128400, s2;
	s6 =	sadd.s32 $0x40, s6;
	[dreg:$0xf] =	wrdreg s31  }
0x17: {  	s26 =	simm.s32 $0x1;
	[dreg:$0x10] =	wrdreg s6;
	s0 =	sshrl.u32 @p0 s0, $0x3  }
0x18: {  	s22 =	simm.s32 $0x4;
	[dreg:$0x12] =	wrdreg s0;
	s0 =	simm.s32 $0x0  }
.LBB2_1:
0x19: {  	s3 =	rddreg [dreg:$0x4]  }
0x1a: {  	[tilespmem:s21], [sflag:$0x4] =	stream.linear.gather [hbm4b:s3+s4], $0x4000, $0x38;
	[tilespmem:$0x1FCC0] =	vst v63  }
0x1b: {  	_ =	swait.ge [sflag:s22], $0x4000  }
0x1c: {  	[sflag:s22] =	ssyncset.done $0x0  }
0x1d: {  	[sflag:s22] =	ssyncadd.s32 $0xFFFFC000  }
0x1e: {  	[spmem:s13] =	stream.linear.scatter [tilespmem:s21], [sflag:$0x4], $0x4000, $0x38;
	[tilespmem:$0x1FCC0] =	vst v63  }
0x1f: {  	_ =	swait.ge [sflag:s22], $0x4000  }
0x20: {  	[sflag:s22] =	ssyncset.done $0x0  }
0x21: {  	s14 =	rddreg [dreg:$0xb];
	[sflag:s22] =	ssyncadd.s32 $0xFFFFC000  }
0x22: {  	[spmem:s14] =	stream.linear.scatter [tilespmem:s21], [sflag:$0x4], $0x4000, $0x38;
	[tilespmem:$0x1FCC0] =	vst v63  }
0x23: {  	_ =	swait.ge [sflag:s22], $0x4000  }
0x24: {  	[sflag:s22] =	ssyncset.done $0x0  }
0x25: {  	s15 =	rddreg [dreg:$0xc];
	[sflag:s22] =	ssyncadd.s32 $0xFFFFC000  }
0x26: {  	[spmem:s15] =	stream.linear.scatter [tilespmem:s21], [sflag:$0x4], $0x4000, $0x38;
	[tilespmem:$0x1FCC0] =	vst v63  }
0x27: {  	_ =	swait.ge [sflag:s22], $0x4000  }
0x28: {  	[sflag:s22] =	ssyncset.done $0x0  }
0x29: {  	s16 =	rddreg [dreg:$0xd];
	[sflag:s22] =	ssyncadd.s32 $0xFFFFC000  }
0x2a: {  	[spmem:s16] =	stream.linear.scatter [tilespmem:s21], [sflag:$0x4], $0x4000, $0x38;
	[tilespmem:$0x1FCC0] =	vst v63  }
0x2b: {  	_ =	swait.ge [sflag:s22], $0x4000  }
0x2c: {  	s24 =	simm.s32 @p0 $0x4;
	[sflag:s22] =	ssyncset.done $0x0  }
0x2d: {  	s3 =	simm.s32 @p0 $0x400;
	s6 =	rddreg [dreg:$0x7];
	[sflag:s22] =	ssyncadd.s32 $0xFFFFC000  }
0x2e: {  	[spmem:s6] =	stream.linear.scatter @p0 [tilespmem:s3], [sflag:$0x4], $0x800, $0x38;
	[tilespmem:$0x1FCC0] =	vst v63  }
0x2f: {  	_ =	swait.ge @p0 [sflag:s24], $0x800  }
0x30: {  	[sflag:s24] =	ssyncset.done @p0 $0x0  }
0x31: {  	s3 =	simm.s32 @!p0 $0x400;
	s6 =	rddreg [dreg:$0x6];
	[sflag:s24] =	ssyncadd.s32 @p0 $0xFFFFF800  }
0x32: {  	[spmem:s6] =	stream.linear.scatter @!p0 [tilespmem:s3], [sflag:$0x4], $0x3C00, $0x38;
	[tilespmem:$0x1FCC0] =	vst v63  }
0x33: {  	s3 =	simm.s32 @!p0 $0x4  }
0x34: {  	_ =	swait.ge @!p0 [sflag:s3], $0x3C00  }
0x35: {  	[sflag:s3] =	ssyncset.done @!p0 $0x0  }
0x36: {  	[sflag:s3] =	ssyncadd.s32 @!p0 $0xFFFFC400  }
0x37: {  	[bflag:$0x0] =	sbarrier.arrive $0xFFFF  }
0x38: {  	s17 =	rddreg [dreg:$0xe]  }
0x39: {  	[tilespmem:s4], [sflag:$0x1] =	stream.linear.gather [hbm4b:s17+s4], $0x100, $0x38;
	[tilespmem:$0x1FCC0] =	vst v63  }
0x3a: {  	s7 =	simm.s32 $0x100;
	s18 =	rddreg [dreg:$0xf]  }
0x3b: {  	[tilespmem:s7], [sflag:$0x1] =	stream.linear.gather [hbm4b:s18+s4], $0x100, $0x38;
	[tilespmem:$0x1FCC0] =	vst v63  }
0x3c: {  	s8 =	simm.s32 $0x200;
	s19 =	rddreg [dreg:$0x10]  }
0x3d: {  	[tilespmem:s8], [sflag:$0x1] =	stream.linear.gather [hbm4b:s19+s4], $0x100, $0x38;
	[tilespmem:$0x1FCC0] =	vst v63  }
0x3e: {  	s20 =	simm.s32 $0x4400;
	s29 =	simm.s32 $0x1;
	_ =	swait.ge [sflag:s26], $0x100  }
0x3f: {  	p1 =	sne.s32 s10, $0x1;
	p2 =	por $0x1, $0x1;
	[sflag:s26] =	ssyncset.done $0x0  }
0x40: {  	s12 =	smulhi.u32 $0xAAAAAAAB, s30;
	s9 =	simm.s32 $0xC00;
	[sflag:s26] =	ssyncadd.s32 $0xFFFFFF00  }
0x41: {  	p3 =	sle.u32 s10, $0x3;
	s23 =	smulhi.u32 $0xAAAAAAAB, s4;
	_ =	swait.ge [sflag:s26], $0x100  }
0x42: {  	s31 =	simm.s32 $0x0;
	s25 =	sshrl.u32 s12, $0x1;
	[sflag:s26] =	ssyncset.done $0x0  }
0x43: {  	s12 =	simm.s32 $0xC400;
	s15 =	simm.s32 @!p3 $0xC00;
	[sflag:s26] =	ssyncadd.s32 $0xFFFFFF00  }
0x44: {  	[tilespmem:s21], [sflag:$0x2] =	stream.indirect.gather [hbm4b:s1+s28], $0x80, s4, s28, $0xb8;
	[tilespmem:$0x1FCC0] =	vst v63  }
0x45: {  	s13 =	simm.s32 $0x800;
	s14 =	simm.s32 @!p2 $0x3;
	s15 =	sand.u32 @!p3 $0xC00, s15  }
0x46: {  	[tilespmem:s20], [sflag:$0x2] =	stream.indirect.gather [hbm4b:s1+s28], $0x80, s7, s28, $0xb8;
	[tilespmem:$0x1FCC0] =	vst v63  }
0x47: {  	s15 =	sshrl.u32 @!p3 s15, $0x2;
	s7 =	rddreg [dreg:$0x11];
	_ =	swait.ge @!p2 [sflag:s14], $0x4000  }
0x48: {  	s16 =	simm.s32 @!p3 $0x0;
	s6 =	simm.s32 $0x4400;
	[sflag:s14] =	ssyncset.done @!p2 $0x0  }
0x49: {  	[sflag:s14] =	ssyncadd.s32 @!p2 $0xFFFFC000;
	s14 =	sshrl.u32 @!p3 s7, $0x3;
	p2 =	sle.u32 s10, $0x2  }
0x4a: {  	s8 =	simm.s32 $0xFFFFFFFF;
	s14 =	sadd.s32 @!p3 s5, s14;
	s13 =	sand.u32 @!p2 $0xC00, s13  }
0x4b: {  	[tilespmem:s15], [sflag:$0x1] =	stream.linear.gather @!p3 [hbm4b:s14+s16], $0x100, $0x38;
	[tilespmem:$0x1FCC0] =	vst v63  }
0x4c: {  	s16 =	simm.s32 @!p2 $0x1;
	s15 =	smul.u32 $0xFFFD0000, s25;
	s14 =	sshrl.u32 s23, $0x1  }
0x4d: {  	s13 =	sshrl.u32 @!p2 s13, $0x2;
	_ =	swait.ge @!p2 [sflag:s16], $0x100;
	s14 =	smul.u32 $0xFFFD0000, s14  }
.Ltmp0:
0x4e: {  	[sflag:s16] =	ssyncset.done @!p2 $0x0;
	s15 =	sshra.s32 s15, $0x2;
	(pc) =	sbr.rel @!p1 .LBB2_3-.Ltmp0, $4  }
0x4f: {  	[sflag:s16] =	ssyncadd.s32 @!p2 $0xFFFFFF00;
	s16 =	simm.s32 @!p2 $0x80;
	s15 =	sadd.s32 $0x8400, s15  }
0x50: {  	[tilespmem:s15], [sflag:$0x2] =	stream.indirect.gather @!p2 [hbm4b:s1+s16], $0x80, s13, s16, $0xb8;
	[tilespmem:$0x1FCC0] =	vst v63  }
0x51: {  	s11 =	sadd.s32 $0x100, s7;
	s13 =	simm.s32 $0x3;
	s15 =	sshra.s32 s14, $0x2  }
0x52: {  	s16 =	sand.u32 $0xC00, s31;
	s14 =	simm.s32 $0x400;
	_ =	swait.ge [sflag:s30], $0x4000  }
.LBB2_2:
0x53: {  	s15 =	sadd.s32 s15, s14;
	[sflag:s30] =	ssyncset.done $0x0;
	s16 =	sshrl.u32 s16, $0x2  }
0x54: {  	s18 =	smov.u32 s29;
	s14 =	smov.u32 s6;
	s19 =	smov.u32 s8  }
0x55: {  	s29 =	sadd.s32 $0x1, s29;
	[sflag:s30] =	ssyncadd.s32 $0xFFFFC000;
	s16 =	sor.u32 $0x80, s16  }
0x56: {  	[spmem:s2] =	stream.indirect.scatter.add.f32 [tilespmem:s15], [sflag:$0x3], $0x80, s16, s28, $0xb8;
	[tilespmem:$0x1FCC0] =	vst v63  }
0x57: {  	p1 =	sne.s32 s29, s10;
	s15 =	smov.u32 s9;
	s16 =	smov.u32 s11  }
0x58: {  	s6 =	sadd.s32 $0x4000, s6;
	s8 =	sadd.s32 $0xFFFFFFFF, s8;
	s23 =	smov.u32 s12  }
0x59: {  	s25 =	smulhi.u32 $0xAAAAAAAB, s13;
	s9 =	sadd.s32 $0x400, s9;
	s11 =	sadd.s32 $0x100, s11  }
0x5a: {  	s12 =	sadd.s32 $0x4000, s12;
	s13 =	sadd.s32 $0x1, s13;
	s17 =	smulhi.u32 $0xAAAAAAAB, s18  }
0x5b: {  	p3 =	seq.s32 s19, $0x0;
	s19 =	sadd.s32 $0x3, s18;
	s18 =	sadd.s32 $0x2, s18  }
0x5c: {  	s31 =	simm.s32 @!p3 $0x3;
	p2 =	sge.u32 s19, s10;
	s17 =	sshrl.u32 s17, $0x1  }
0x5d: {  	s19 =	sadd.s32 @!p2 $0x400, s15;
	s7 =	simm.s32 @!p2 $0x0;
	_ =	swait.ge @!p3 [sflag:s31], $0x4000  }
0x5e: {  	s16 =	sshrl.u32 @!p2 s16, $0x3;
	s19 =	sand.u32 @!p2 $0xC00, s19;
	[sflag:s31] =	ssyncset.done @!p3 $0x0  }
0x5f: {  	s25 =	sshrl.u32 s25, $0x1;
	s19 =	sshrl.u32 @!p2 s19, $0x2;
	[sflag:s31] =	ssyncadd.s32 @!p3 $0xFFFFC000  }
0x60: {  	s25 =	smul.u32 $0xFFFD0000, s25;
	s16 =	sadd.s32 @!p2 s5, s16;
	p3 =	sge.u32 s18, s10  }
0x61: {  	s18 =	simm.s32 @!p3 $0x1;
	s31 =	sand.u32 @!p3 $0xC00, s15;
	s20 =	simm.s32 @!p3 $0x80  }
0x62: {  	[tilespmem:s19], [sflag:$0x1] =	stream.linear.gather @!p2 [hbm4b:s16+s7], $0x100, $0x38;
	[tilespmem:$0x1FCC0] =	vst v63  }
.Ltmp1:
0x63: {  	s7 =	sshra.s32 s25, $0x2;
	_ =	swait.ge @!p3 [sflag:s18], $0x100;
	(pc) =	sbr.rel @p1 .LBB2_2-.Ltmp1, $4  }
0x64: {  	s16 =	sshrl.u32 @!p3 s31, $0x2;
	s7 =	sadd.s32 s7, s23;
	[sflag:s18] =	ssyncset.done @!p3 $0x0  }
0x65: {  	s17 =	smul.u32 $0xFFFD0000, s17;
	[sflag:s18] =	ssyncadd.s32 @!p3 $0xFFFFFF00;
	s18 =	sadd.s32 $0xFFFFF800, s15  }
0x66: {  	[tilespmem:s7], [sflag:$0x2] =	stream.indirect.gather @!p3 [hbm4b:s1+s20], $0x80, s16, s20, $0xb8;
	[tilespmem:$0x1FCC0] =	vst v63  }
0x67: {  	s15 =	sshra.s32 s17, $0x2;
	s16 =	sand.u32 $0xC00, s18;
	_ =	swait.ge [sflag:s30], $0x4000  }
.LBB2_3:
0x68: {  	[sflag:s30] =	ssyncset.done $0x0;
	s6 =	sshrl.u32 s16, $0x2;
	s7 =	sadd.s32 s15, s14  }
0x69: {  	s29 =	simm.s32 $0x3;
	[sflag:s30] =	ssyncadd.s32 $0xFFFFC000;
	s6 =	sor.u32 $0x80, s6  }
0x6a: {  	[spmem:s2] =	stream.indirect.scatter.add.f32 [tilespmem:s7], [sflag:$0x3], $0x80, s6, s28, $0xb8;
	[tilespmem:$0x1FCC0] =	vst v63  }
0x6b: {  	_ =	swait.ge [sflag:s29], $0x4000  }
0x6c: {  	[sflag:s29] =	ssyncset.done $0x0  }
0x6d: {  	[sflag:s29] =	ssyncadd.s32 $0xFFFFC000  }
0x6e: {  	[bflag:$0x0] =	sbarrier.arrive $0xFFFF  }
0x6f: {  	s7 =	rddreg [dreg:$0x9]  }
0x70: {  	s6 =	simm.s32 @p0 $0x1FC4;
	s8 =	rddreg [dreg:$0x12]  }
0x71: {  	[hbm:s7], [sflag:s6] =	dma.local @p0 [spmem:s8], $0x2100  }
0x72: {  	s6 =	stileid.u32  }
0x73: {  	_ =	swait.ge @p0 [sflag:s24], $0x2100;
	s6 =	sshll.u32 @!p0 s6, $0x6  }
0x74: {  	[sflag:s24] =	ssyncset.done @p0 $0x0;
	s6 =	sor.u32 @!p0 $0x1C04, s6;
	s13 =	rddreg [dreg:$0x5]  }
0x75: {  	s8 =	rddreg [dreg:$0x8];
	[sflag:s24] =	ssyncadd.s32 @p0 $0xFFFFDF00;
	s7 =	sshrl.u32 @!p0 s13, $0x3  }
0x76: {  	[hbm:s8], [sflag:s6] =	dma.local @!p0 [spmem:s7], $0x2780  }
0x77: {  	_ =	swait.ge @!p0 [sflag:s3], $0x2780  }
0x78: {  	s0 =	sadd.s32 $0x1, s0;
	s31 =	rddreg [dreg:$0xa]  }
0x79: {  	p1 =	sne.s32 s0, s31  }
.Ltmp2:
0x7a: {  	_ = 	snop;
	(pc) =	sbr.rel @p1 .LBB2_1-.Ltmp2, $3  }
0x7b: {  	_ =	sdelay $0x1  }
0x7c: {  	[sflag:s3] =	ssyncset.done @!p0 $0x0  }
0x7d: {  	[sflag:s3] =	ssyncadd.s32 @!p0 $0xFFFFD880  }
0x7e: {  	_ =	sfence.sel $0x180000  }
0x7f: {  	[bflag:$0x0] =	sbarrier.arrive $0xFFFF  }
0x80: {  	_ =	strace $0x9000004A  }
0x81: {  	s0 =	stileid.u32;
	[bflag:$0x2] =	sbarrier.arrive $0xFFFF  }
0x82: {  	p0 =	sne.s32 s0, $0x0;
	s0 =	rddreg [dreg:$0x3]  }
0x83: {  	s0 =	sadd.s32 @!p0 $0x100000, s0  }
0x84: {  	[sflag:s0] =	ssyncadd.tile.s32 @!p0 $0x1;
	_ =	shalt  }
.Lfunc_end2:
_tile_overlayer_lowered:
.L_overlay_start_2:
0x85: {  	(tag) =	ssettag $0x2  }
0x86: {  	s0 =	rddreg [dreg:$0x0];
	s2 =	stileid.u32  }
0x87: {  	s1 =	rddreg [dreg:$0x1];
	p0 =	sne.s32 s2, $0x0  }
0x88: {  	s3 =	rddreg [dreg:$0x2];
	[bflag:$0x3] =	sbarrier.arrive $0xFFFF;
	s2 =	simm.s32 @!p0 $0x1C04  }
0x89: {  	[timem:s3], [sflag:s2] =	dma.local @!p0 [hbm:s0], s1  }
0x8a: {  	s0 =	simm.s32 @!p0 $0x4  }
0x8b: {  	_ =	swait.ge @!p0 [sflag:s0], s1  }
0x8c: {  	s1 =	ssub.s32 @!p0 $0x0, s1;
	[sflag:s0] =	ssyncset.done @!p0 $0x0  }
0x8d: {  	[sflag:s0] =	ssyncadd.s32 @!p0 s1  }
0x8e: {  	[bflag:$0x3] =	sbarrier.arrive $0xFFFF  }
0x8f: {  	_ =	shalt  }

// kernel: kernel.15.cloned.1.call-start
scs
__scs_entry_jumppad:
0x0: {  	(pc) =	sbr.rel $0x88, $3  }
0x1: {  	(tag) =	ssettag $0x0;
	lr =	simm.s32 $0x1  }
0x2: {  	[smem:$0x3F96] =	sst lr;
	_ =	strace $0xD0000000  }
0x3: {  	_ = 	snop  }
0x4: {  	_ = 	snop  }
0x5: {  	_ = 	snop  }
0x6: {  	_ = 	snop  }
0x7: {  	_ = 	snop  }
__scs_overlays_trampoline_lowered:
0x8: {  	[smem:$0x3FA5] =	sst s0  }
0x9: {  	[smem:$0x3FA6] =	sst s1  }
0xa: {  	[smem:$0x3FA7] =	sst s2  }
0xb: {  	[smem:$0x3FA8] =	sst s3  }
0xc: {  	[smem:$0x3FA9] =	sst s4  }
0xd: {  	[smem:$0x3FAA] =	sst s5  }
0xe: {  	[smem:$0x3FAB] =	sst s6  }
0xf: {  	[smem:$0x3FAC] =	sst s7  }
0x10: {  	[smem:$0x3FAD] =	sst s8  }
0x11: {  	[smem:$0x3FAE] =	sst s9;
	s0 =	simm.s32 @!p0 $0x0  }
0x12: {  	s1 =	sld [smem:$0x3F94];
	s0 =	simm.s32 @p0 $0x1  }
0x13: {  	[smem:$0x3FAF] =	sst s0;
	s0 =	simm.s32 @!p1 $0x0  }
0x14: {  	s2 =	sld [smem:$0x3F93];
	s0 =	simm.s32 @p1 $0x1  }
0x15: {  	[smem:$0x3FB0] =	sst s0;
	s0 =	simm.s32 @!p2 $0x0  }
0x16: {  	s3 =	sld [smem:$0x3FDB];
	s0 =	simm.s32 @p2 $0x1  }
0x17: {  	s4 =	simm.s32 $0x1BF5;
	[smem:$0x3FB2] =	sst s0  }
0x18: {  	s0 =	sld [smem:$0x3F95];
	_ =	swait.ge [sflag:s4], $0x0  }
0x19: {  	s7 =	sld [smem:$0x3F96]  }
0x1a: {  	s8 =	sadd.s32 $0xFFFFE003, lr  }
0x1b: {  	s9 =	sadd.s32 $0xFFFFFEF7, lr;
	s5 =	simm.s32 $0xFFFFFFFF;
	p2 =	slt.u32 s8, $0xFFFFF086  }
0x1c: {  	p1 =	slt.u32 s9, $0xF7A;
	s5 =	simm.s32 @!p2 $0x0  }
0x1d: {  	s5 =	simm.s32 @p1 $0x1;
	p0 =	seq.s32 s7, s2  }
0x1e: {  	s7 =	smul.u32 @!p0 $0xF7A, s2;
	p2 =	seq.s32 @!p0 s5, $0x0  }
0x1f: {  	s9 =	smul.u32 $0xF7A, s1;
	s8 =	simm.s32 @!p0 $0x1BF5;
	p2 =	por !p2, p0  }
0x20: {  	[sflag:s8] =	ssyncset.s32 @!p0 $0xFFFFF086;
	s6 =	sadd.s32 @!p0 s3, s7;
	s7 =	simm.s32 @!p0 $0x108  }
0x21: {  	s3 =	sadd.s32 s3, s9;
	s6 =	sadd.s32 @!p0 $0x88, s6;
	s7 =	simm.s32 @p2 $0x1082  }
0x22: {  	[simem:s7], [sflag:s8] =	dma.local @!p0 [hbm:s6], $0xF7A  }
0x23: {  	s9 =	sor.u32 $0xD0000000, s2;
	s6 =	simm.s32 $0x108;
	_ =	swait.ge @!p0 [sflag:s8], $0x0  }
0x24: {  	s3 =	sadd.s32 $0x88, s3;
	s6 =	simm.s32 @!p1 $0x1082;
	[sflag:s4] =	ssyncset.s32 $0xFFFFF086  }
0x25: {  	[simem:s6], [sflag:s4] =	dma.local [hbm:s3], $0xF7A  }
0x26: {  	[smem:$0x3F96] =	sst s1;
	(tag) =	ssettag s2;
	_ =	strace s9  }
0x27: {  	s1 =	sld [smem:$0x3FA6]  }
0x28: {  	s2 =	sld [smem:$0x3FA7]  }
0x29: {  	s4 =	sld [smem:$0x3FA9]  }
0x2a: {  	p0 =	seq.s32 s5, $0x0;
	s5 =	sld [smem:$0x3FAA]  }
0x2b: {  	s6 =	sld [smem:$0x3FAB]  }
0x2c: {  	s7 =	sld [smem:$0x3FAC]  }
0x2d: {  	s3 =	simm.s32 $0x108;
	s8 =	sld [smem:$0x3FAD]  }
0x2e: {  	s3 =	simm.s32 @!p0 $0x1082;
	s9 =	sld [smem:$0x3FAE]  }
0x2f: {  	lr =	sadd.s32 s0, s3;
	s0 =	sld [smem:$0x3FA5]  }
0x30: {  	s3 =	sld [smem:$0x3FA8]  }
0x31: {  	[smem:$0x3FB1] =	sst s10  }
0x32: {  	s10 =	sld [smem:$0x3FAF];
	_ =	sdelay $0x3  }
0x33: {  	p0 =	seq.s32 s10, $0x1;
	s10 =	sld [smem:$0x3FB1];
	_ =	sdelay $0x3  }
0x34: {  	[smem:$0x3FB1] =	sst s10  }
0x35: {  	s10 =	sld [smem:$0x3FB0];
	_ =	sdelay $0x3  }
0x36: {  	p1 =	seq.s32 s10, $0x1;
	s10 =	sld [smem:$0x3FB1];
	_ =	sdelay $0x3  }
0x37: {  	[smem:$0x3FB1] =	sst s10  }
0x38: {  	s10 =	sld [smem:$0x3FB2]  }
0x39: {  	_ = 	snop;
	(pc) =	sbr.ind lr, $3  }
0x3a: {  	_ = 	snop  }
0x3b: {  	_ = 	snop  }
0x3c: {  	p2 =	seq.s32 s10, $0x1;
	s10 =	sld [smem:$0x3FB1]  }
0x3d: {  	_ =	shalt  }
0x3e: {  	_ =	shalt  }
0x3f: {  	_ =	shalt  }
0x40: {  	_ =	shalt  }
0x41: {  	_ =	shalt  }
0x42: {  	_ =	shalt  }
0x43: {  	_ =	shalt  }
0x44: {  	_ =	shalt  }
0x45: {  	_ =	shalt  }
0x46: {  	_ =	shalt  }
0x47: {  	_ =	shalt  }
0x48: {  	_ =	shalt  }
0x49: {  	_ =	shalt  }
0x4a: {  	_ =	shalt  }
0x4b: {  	_ =	shalt  }
0x4c: {  	_ =	shalt  }
0x4d: {  	_ =	shalt  }
0x4e: {  	_ =	shalt  }
0x4f: {  	_ =	shalt  }
0x50: {  	_ =	shalt  }
0x51: {  	_ =	shalt  }
0x52: {  	_ =	shalt  }
0x53: {  	_ =	shalt  }
0x54: {  	_ =	shalt  }
0x55: {  	_ =	shalt  }
0x56: {  	_ =	shalt  }
0x57: {  	_ =	shalt  }
0x58: {  	_ =	shalt  }
0x59: {  	_ =	shalt  }
0x5a: {  	_ =	shalt  }
0x5b: {  	_ =	shalt  }
0x5c: {  	_ =	shalt  }
0x5d: {  	_ =	shalt  }
0x5e: {  	_ =	shalt  }
0x5f: {  	_ =	shalt  }
0x60: {  	_ =	shalt  }
0x61: {  	_ =	shalt  }
0x62: {  	_ =	shalt  }
0x63: {  	_ =	shalt  }
0x64: {  	_ =	shalt  }
0x65: {  	_ =	shalt  }
0x66: {  	_ =	shalt  }
0x67: {  	_ =	shalt  }
0x68: {  	_ =	shalt  }
0x69: {  	_ =	shalt  }
0x6a: {  	_ =	shalt  }
0x6b: {  	_ =	shalt  }
0x6c: {  	_ =	shalt  }
0x6d: {  	_ =	shalt  }
0x6e: {  	_ =	shalt  }
0x6f: {  	_ =	shalt  }
0x70: {  	_ =	shalt  }
0x71: {  	_ =	shalt  }
0x72: {  	_ =	shalt  }
0x73: {  	_ =	shalt  }
0x74: {  	_ =	shalt  }
0x75: {  	_ =	shalt  }
0x76: {  	_ =	shalt  }
0x77: {  	_ =	shalt  }
0x78: {  	_ =	shalt  }
0x79: {  	_ =	shalt  }
0x7a: {  	_ =	shalt  }
0x7b: {  	_ =	shalt  }
0x7c: {  	_ =	shalt  }
0x7d: {  	_ =	shalt  }
0x7e: {  	_ =	shalt  }
0x7f: {  	_ =	shalt  }
0x80: {  	_ =	shalt  }
0x81: {  	_ =	shalt  }
0x82: {  	_ =	shalt  }
0x83: {  	_ =	shalt  }
0x84: {  	_ =	shalt  }
0x85: {  	_ =	shalt  }
0x86: {  	_ =	shalt  }
0x87: {  	_ =	shalt  }
.Lfunc_end0:
.L_simem_size_0:
called_computation.2_lowered:
.L_overlay_start_0:
0x88: {  	s2 =	sld [smem:$0x3FD9]  }
0x89: {  	s3 =	sld [smem:$0x3FFE];
	_ =	sdelay $0x1  }
0x8a: {  	s1 =	srdreg.scid  }
0x8b: {  	s0 =	sand.u32 $0x1, s1  }
0x8c: {  	s17 =	sshll.u32 s0, $0xA;
	s2 =	sadd.s32 s3, s2  }
0x8d: {  	s2 =	sadd.s32 s2, s17  }
0x8e: {  	[smem:$0x3FBD] =	sst s2  }
0x8f: {  	_ = 	snop  }
0x90: {  	s2 =	sld [smem:$0x3FD0];
	(tm) =	ssettm $0x1  }
0x91: {  	s18 =	sld [smem:$0x3FFB];
	_ =	sdelay $0x3  }
0x92: {  	_ =	strace s18  }
0x93: {  	s3 =	sld [smem:$0x3FFC];
	_ =	sdelay $0x3  }
0x94: {  	_ =	strace s3  }
0x95: {  	s3 =	sld [smem:$0x3FFD];
	_ =	sdelay $0x3  }
0x96: {  	_ =	strace s3  }
0x97: {  	_ =	strace $0x8FFFFFFF  }
0x98: {  	s19 =	sld [smem:$0x3FDB];
	_ =	sdelay $0x1  }
0x99: {  	s4 =	simm.s32 $_scs_section_size  }
0x9a: {  	s5 =	simm.s32 $_size__tile_overlayer_lowered;
	s6 =	simm.s32 $_tile_overlayer_lowered  }
0x9b: {  	s22 =	simm.s32 $0x1BFF;
	s21 =	sshll.u32 s6, $0x1;
	s3 =	sadd.s32 s4, s19  }
0x9c: {  	s7 =	simm.s32 $0x0;
	s20 =	sshll.u32 s5, $0x1;
	s5 =	sadd.s32 s21, s3  }
0x9d: {  	[timem:s7], [sflag:s22] =	dma.local [hbm:s5], s20  }
0x9e: {  	_ =	swait.ge [sflag:s22], s20  }
0x9f: {  	s4 =	ssub.s32 $0x0, s20;
	[sflag:s22] =	ssyncset.done $0x0  }
0xa0: {  	[sflag:s22] =	ssyncadd.s32 s4;
	_ =	sdelay $0x1  }
0xa1: {  	s23 =	simm.s32 $0x1B8B  }
0xa2: {  	_ =	swait.ge [sflag:s23], $0x1  }
0xa3: {  	[sflag:s23] =	ssyncset.done $0x0  }
0xa4: {  	s25 =	simm.s32 $0x1B8E;
	s24 =	sld [smem:$0x3FFE];
	[sflag:s23] =	ssyncadd.s32 $0xFFFFFFFF  }
0xa5: {  	s26 =	simm.s32 $execute0_lowered;
	[smem:$0x3FD2] =	sst s25  }
0xa6: {  	s5 =	sshll.u32 s26, $0x1;
	_ =	strace $0x8000004C;
	[dreg:$0x1] =	wrdreg $0xFFFFFFFF  }
0xa7: {  	s28 =	simm.s32 $_size_execute0_lowered;
	s3 =	sadd.s32 s3, s5;
	[dreg:$0x0] =	wrdreg $0x0  }
0xa8: {  	s5 =	sshll.u32 s28, $0x1;
	[dreg:$0x2] =	wrdreg s3  }
0xa9: {  	[dreg:$0x3] =	wrdreg s5  }
0xaa: {  	[dreg:$0x4] =	wrdreg $0xC0  }
0xab: {  	_ =	task [dreg:s7], $0x5FFFF  }
0xac: {  	[dreg:$0x1] =	wrdreg $0xFFFFFFFF  }
0xad: {  	[dreg:$0x0] =	wrdreg $0x60  }
0xae: {  	[dreg:$0x2] =	wrdreg s24  }
0xaf: {  	[dreg:$0x3] =	wrdreg s2  }
0xb0: {  	[dreg:$0x4] =	wrdreg $0xC4000  }
0xb1: {  	[dreg:$0x5] =	wrdreg $0x9  }
0xb2: {  	_ =	task.clear_ibuf [dreg:s7], $0x6FFFF;
	_ =	strace $0x9000004C  }
0xb3: {  	s29 =	simm.s32 $0x9;
	_ =	strace $0x8000004E  }
0xb4: {  	_ =	swait.ge [sflag:s29], $0x1  }
0xb5: {  	[sflag:s29] =	ssyncadd.s32 $0xFFFFFFFF  }
0xb6: {  	_ =	strace $0x9000004E  }
0xb7: {  	_ =	sfence  }
0xb8: {  	s30 =	sld [smem:$0x0];
	_ =	sdelay $0x2  }
0xb9: {  	s31 =	sshll.u32 s1, $0xD;
	s1 =	sshrl.u32 s1, $0x2  }
0xba: {  	s3 =	sand.u32 $0x4000, s31;
	s1 =	sadd.s32 s1, s30  }
0xbb: {  	s0 =	sor.u32 s3, s0;
	s1 =	sshll.u32 s1, $0x11  }
0xbc: {  	s0 =	sor.u32 s1, s0  }
0xbd: {  	s0 =	sadd.s32 $0x8F2B, s0  }
0xbe: {  	[sflag:s0] =	ssyncadd.remote.s32 $0x1  }
0xbf: {  	_ =	sfence.sel $0xFFFF  }
0xc0: {  	[dreg:$0x0] =	wrdreg $0xFFFFFFFF;
	(pc) =	sbr.abs _section_cstart, $3  }
0xc1: {  	[dreg:$0x1] =	wrdreg $0xFFFFFFFF  }
0xc2: {  	_ =	task.clear_ibuf [dreg:s7], $0x2FFFF;
	_ =	strace $0x9FFFFFFF  }
0xc3: {  	(tm) =	ssettm $0x7FFFFFFF  }
tec
execute0_lowered:
.L_overlay_start_1:
0x0: {  	(tag) =	ssettag $0x1  }
0x1: {  	s0 =	rddreg [dreg:$0x0]  }
0x2: {  	s1 =	rddreg [dreg:$0x1]  }
0x3: {  	s2 =	rddreg [dreg:$0x2];
	s4 =	simm.s32 $0x0  }
0x4: {  	s3 =	srdreg.scid;
	s12 =	stileid.u32;
	s10 =	simm.s32 $0x1C  }
0x5: {  	s28 =	simm.s32 $0x80;
	s30 =	simm.s32 $0x2;
	[smem:$0x7FF] =	sst s4  }
0x6: {  	s5 =	sadd.s32 $0x3000, s0;
	s3 =	sand.u32 $0x1, s3;
	s6 =	smul.u32 $0x4F000, s12  }
0x7: {  	s7 =	sadd.s32 $0x23400, s0;
	s19 =	sadd.s32 $0x138400, s2;
	s11 =	smul.u32 $0x13C00, s12  }
0x8: {  	s0 =	sadd.s32 $0x23C00, s0;
	s20 =	smul.u32 $0x8100, s12;
	_ =	strace $0x8000004D  }
0x9: {  	[dreg:$0x4] =	wrdreg s7;
	s16 =	ssub.s32 $0x2, s3;
	s9 =	smul.u32 $0x81000, s3  }
0xa: {  	s17 =	smul.u32 $0x138C00, s3;
	[dreg:$0x7] =	wrdreg s19;
	s6 =	sshrl.u32 s6, $0x2  }
0xb: {  	p0 =	seq.s32 s3, $0x0;
	s8 =	sshrl.u32 s16, $0x1;
	s13 =	sadd.s32 s6, s2  }
0xc: {  	s8 =	ssub.s32 s16, s8;
	s18 =	sadd.s32 $0x10000, s13;
	[dreg:$0x5] =	wrdreg s13  }
0xd: {  	s11 =	sadd.s32 s11, s17;
	s23 =	smax.u32 s8, $0x1;
	[dreg:$0x6] =	wrdreg s18  }
0xe: {  	s6 =	sshrl.u32 s17, $0x3;
	s24 =	sadd.s32 $0x4000, s13;
	[dreg:$0xa] =	wrdreg s23  }
0xf: {  	s3 =	sadd.s32 s20, s9;
	s26 =	sadd.s32 $0x8000, s13;
	[dreg:$0xb] =	wrdreg s24  }
0x10: {  	s21 =	sshrl.u32 s11, $0x3;
	s29 =	sadd.s32 $0xC000, s13;
	[dreg:$0xc] =	wrdreg s26  }
0x11: {  	s25 =	sshrl.u32 s3, $0x3;
	s3 =	sadd.s32 $0x300, s3;
	[dreg:$0xd] =	wrdreg s29  }
0x12: {  	s6 =	sadd.s32 s0, s6;
	s0 =	sadd.s32 s0, s21;
	[dreg:$0x11] =	wrdreg s3  }
0x13: {  	s10 =	simm.s32 @!p0 $0x81;
	s22 =	sadd.s32 $0x25080, s6;
	[dreg:$0x8] =	wrdreg s0  }
0x14: {  	p0 =	seq.s32 s12, $0xF;
	s6 =	sadd.s32 s5, s25;
	[dreg:$0x9] =	wrdreg s22  }
0x15: {  	s21 =	simm.s32 $0x400;
	s31 =	sadd.s32 $0x20, s6;
	[dreg:$0xe] =	wrdreg s6  }
0x16: {  	s0 =	sadd.s32 $0x128400, s2;
	s6 =	sadd.s32 $0x40, s6;
	[dreg:$0xf] =	wrdreg s31  }
0x17: {  	s26 =	simm.s32 $0x1;
	[dreg:$0x10] =	wrdreg s6;
	s0 =	sshrl.u32 @p0 s0, $0x3  }
0x18: {  	s22 =	simm.s32 $0x4;
	[dreg:$0x12] =	wrdreg s0;
	s0 =	simm.s32 $0x0  }
.LBB2_1:
0x19: {  	s3 =	rddreg [dreg:$0x4]  }
0x1a: {  	[tilespmem:s21], [sflag:$0x4] =	stream.linear.gather [hbm4b:s3+s4], $0x4000, $0x38;
	[tilespmem:$0x1FCC0] =	vst v63  }
0x1b: {  	_ =	swait.ge [sflag:s22], $0x4000  }
0x1c: {  	[sflag:s22] =	ssyncset.done $0x0  }
0x1d: {  	[sflag:s22] =	ssyncadd.s32 $0xFFFFC000  }
0x1e: {  	[spmem:s13] =	stream.linear.scatter [tilespmem:s21], [sflag:$0x4], $0x4000, $0x38;
	[tilespmem:$0x1FCC0] =	vst v63  }
0x1f: {  	_ =	swait.ge [sflag:s22], $0x4000  }
0x20: {  	[sflag:s22] =	ssyncset.done $0x0  }
0x21: {  	s14 =	rddreg [dreg:$0xb];
	[sflag:s22] =	ssyncadd.s32 $0xFFFFC000  }
0x22: {  	[spmem:s14] =	stream.linear.scatter [tilespmem:s21], [sflag:$0x4], $0x4000, $0x38;
	[tilespmem:$0x1FCC0] =	vst v63  }
0x23: {  	_ =	swait.ge [sflag:s22], $0x4000  }
0x24: {  	[sflag:s22] =	ssyncset.done $0x0  }
0x25: {  	s15 =	rddreg [dreg:$0xc];
	[sflag:s22] =	ssyncadd.s32 $0xFFFFC000  }
0x26: {  	[spmem:s15] =	stream.linear.scatter [tilespmem:s21], [sflag:$0x4], $0x4000, $0x38;
	[tilespmem:$0x1FCC0] =	vst v63  }
0x27: {  	_ =	swait.ge [sflag:s22], $0x4000  }
0x28: {  	[sflag:s22] =	ssyncset.done $0x0  }
0x29: {  	s16 =	rddreg [dreg:$0xd];
	[sflag:s22] =	ssyncadd.s32 $0xFFFFC000  }
0x2a: {  	[spmem:s16] =	stream.linear.scatter [tilespmem:s21], [sflag:$0x4], $0x4000, $0x38;
	[tilespmem:$0x1FCC0] =	vst v63  }
0x2b: {  	_ =	swait.ge [sflag:s22], $0x4000  }
0x2c: {  	s24 =	simm.s32 @p0 $0x4;
	[sflag:s22] =	ssyncset.done $0x0  }
0x2d: {  	s3 =	simm.s32 @p0 $0x400;
	s6 =	rddreg [dreg:$0x7];
	[sflag:s22] =	ssyncadd.s32 $0xFFFFC000  }
0x2e: {  	[spmem:s6] =	stream.linear.scatter @p0 [tilespmem:s3], [sflag:$0x4], $0x800, $0x38;
	[tilespmem:$0x1FCC0] =	vst v63  }
0x2f: {  	_ =	swait.ge @p0 [sflag:s24], $0x800  }
0x30: {  	[sflag:s24] =	ssyncset.done @p0 $0x0  }
0x31: {  	s3 =	simm.s32 @!p0 $0x400;
	s6 =	rddreg [dreg:$0x6];
	[sflag:s24] =	ssyncadd.s32 @p0 $0xFFFFF800  }
0x32: {  	[spmem:s6] =	stream.linear.scatter @!p0 [tilespmem:s3], [sflag:$0x4], $0x3C00, $0x38;
	[tilespmem:$0x1FCC0] =	vst v63  }
0x33: {  	s3 =	simm.s32 @!p0 $0x4  }
0x34: {  	_ =	swait.ge @!p0 [sflag:s3], $0x3C00  }
0x35: {  	[sflag:s3] =	ssyncset.done @!p0 $0x0  }
0x36: {  	[sflag:s3] =	ssyncadd.s32 @!p0 $0xFFFFC400  }
0x37: {  	[bflag:$0x0] =	sbarrier.arrive $0xFFFF  }
0x38: {  	s17 =	rddreg [dreg:$0xe]  }
0x39: {  	[tilespmem:s4], [sflag:$0x1] =	stream.linear.gather [hbm4b:s17+s4], $0x100, $0x38;
	[tilespmem:$0x1FCC0] =	vst v63  }
0x3a: {  	s7 =	simm.s32 $0x100;
	s18 =	rddreg [dreg:$0xf]  }
0x3b: {  	[tilespmem:s7], [sflag:$0x1] =	stream.linear.gather [hbm4b:s18+s4], $0x100, $0x38;
	[tilespmem:$0x1FCC0] =	vst v63  }
0x3c: {  	s8 =	simm.s32 $0x200;
	s19 =	rddreg [dreg:$0x10]  }
0x3d: {  	[tilespmem:s8], [sflag:$0x1] =	stream.linear.gather [hbm4b:s19+s4], $0x100, $0x38;
	[tilespmem:$0x1FCC0] =	vst v63  }
0x3e: {  	s20 =	simm.s32 $0x4400;
	s29 =	simm.s32 $0x1;
	_ =	swait.ge [sflag:s26], $0x100  }
0x3f: {  	p1 =	sne.s32 s10, $0x1;
	p2 =	por $0x1, $0x1;
	[sflag:s26] =	ssyncset.done $0x0  }
0x40: {  	s12 =	smulhi.u32 $0xAAAAAAAB, s30;
	s9 =	simm.s32 $0xC00;
	[sflag:s26] =	ssyncadd.s32 $0xFFFFFF00  }
0x41: {  	p3 =	sle.u32 s10, $0x3;
	s23 =	smulhi.u32 $0xAAAAAAAB, s4;
	_ =	swait.ge [sflag:s26], $0x100  }
0x42: {  	s31 =	simm.s32 $0x0;
	s25 =	sshrl.u32 s12, $0x1;
	[sflag:s26] =	ssyncset.done $0x0  }
0x43: {  	s12 =	simm.s32 $0xC400;
	s15 =	simm.s32 @!p3 $0xC00;
	[sflag:s26] =	ssyncadd.s32 $0xFFFFFF00  }
0x44: {  	[tilespmem:s21], [sflag:$0x2] =	stream.indirect.gather [hbm4b:s1+s28], $0x80, s4, s28, $0xb8;
	[tilespmem:$0x1FCC0] =	vst v63  }
0x45: {  	s13 =	simm.s32 $0x800;
	s14 =	simm.s32 @!p2 $0x3;
	s15 =	sand.u32 @!p3 $0xC00, s15  }
0x46: {  	[tilespmem:s20], [sflag:$0x2] =	stream.indirect.gather [hbm4b:s1+s28], $0x80, s7, s28, $0xb8;
	[tilespmem:$0x1FCC0] =	vst v63  }
0x47: {  	s15 =	sshrl.u32 @!p3 s15, $0x2;
	s7 =	rddreg [dreg:$0x11];
	_ =	swait.ge @!p2 [sflag:s14], $0x4000  }
0x48: {  	s16 =	simm.s32 @!p3 $0x0;
	s6 =	simm.s32 $0x4400;
	[sflag:s14] =	ssyncset.done @!p2 $0x0  }
0x49: {  	[sflag:s14] =	ssyncadd.s32 @!p2 $0xFFFFC000;
	s14 =	sshrl.u32 @!p3 s7, $0x3;
	p2 =	sle.u32 s10, $0x2  }
0x4a: {  	s8 =	simm.s32 $0xFFFFFFFF;
	s14 =	sadd.s32 @!p3 s5, s14;
	s13 =	sand.u32 @!p2 $0xC00, s13  }
0x4b: {  	[tilespmem:s15], [sflag:$0x1] =	stream.linear.gather @!p3 [hbm4b:s14+s16], $0x100, $0x38;
	[tilespmem:$0x1FCC0] =	vst v63  }
0x4c: {  	s16 =	simm.s32 @!p2 $0x1;
	s15 =	smul.u32 $0xFFFD0000, s25;
	s14 =	sshrl.u32 s23, $0x1  }
0x4d: {  	s13 =	sshrl.u32 @!p2 s13, $0x2;
	_ =	swait.ge @!p2 [sflag:s16], $0x100;
	s14 =	smul.u32 $0xFFFD0000, s14  }
.Ltmp0:
0x4e: {  	[sflag:s16] =	ssyncset.done @!p2 $0x0;
	s15 =	sshra.s32 s15, $0x2;
	(pc) =	sbr.rel @!p1 .LBB2_3-.Ltmp0, $4  }
0x4f: {  	[sflag:s16] =	ssyncadd.s32 @!p2 $0xFFFFFF00;
	s16 =	simm.s32 @!p2 $0x80;
	s15 =	sadd.s32 $0x8400, s15  }
0x50: {  	[tilespmem:s15], [sflag:$0x2] =	stream.indirect.gather @!p2 [hbm4b:s1+s16], $0x80, s13, s16, $0xb8;
	[tilespmem:$0x1FCC0] =	vst v63  }
0x51: {  	s11 =	sadd.s32 $0x100, s7;
	s13 =	simm.s32 $0x3;
	s15 =	sshra.s32 s14, $0x2  }
0x52: {  	s16 =	sand.u32 $0xC00, s31;
	s14 =	simm.s32 $0x400;
	_ =	swait.ge [sflag:s30], $0x4000  }
.LBB2_2:
0x53: {  	s15 =	sadd.s32 s15, s14;
	[sflag:s30] =	ssyncset.done $0x0;
	s16 =	sshrl.u32 s16, $0x2  }
0x54: {  	s18 =	smov.u32 s29;
	s14 =	smov.u32 s6;
	s19 =	smov.u32 s8  }
0x55: {  	s29 =	sadd.s32 $0x1, s29;
	[sflag:s30] =	ssyncadd.s32 $0xFFFFC000;
	s16 =	sor.u32 $0x80, s16  }
0x56: {  	[spmem:s2] =	stream.indirect.scatter.add.f32 [tilespmem:s15], [sflag:$0x3], $0x80, s16, s28, $0xb8;
	[tilespmem:$0x1FCC0] =	vst v63  }
0x57: {  	p1 =	sne.s32 s29, s10;
	s15 =	smov.u32 s9;
	s16 =	smov.u32 s11  }
0x58: {  	s6 =	sadd.s32 $0x4000, s6;
	s8 =	sadd.s32 $0xFFFFFFFF, s8;
	s23 =	smov.u32 s12  }
0x59: {  	s25 =	smulhi.u32 $0xAAAAAAAB, s13;
	s9 =	sadd.s32 $0x400, s9;
	s11 =	sadd.s32 $0x100, s11  }
0x5a: {  	s12 =	sadd.s32 $0x4000, s12;
	s13 =	sadd.s32 $0x1, s13;
	s17 =	smulhi.u32 $0xAAAAAAAB, s18  }
0x5b: {  	p3 =	seq.s32 s19, $0x0;
	s19 =	sadd.s32 $0x3, s18;
	s18 =	sadd.s32 $0x2, s18  }
0x5c: {  	s31 =	simm.s32 @!p3 $0x3;
	p2 =	sge.u32 s19, s10;
	s17 =	sshrl.u32 s17, $0x1  }
0x5d: {  	s19 =	sadd.s32 @!p2 $0x400, s15;
	s7 =	simm.s32 @!p2 $0x0;
	_ =	swait.ge @!p3 [sflag:s31], $0x4000  }
0x5e: {  	s16 =	sshrl.u32 @!p2 s16, $0x3;
	s19 =	sand.u32 @!p2 $0xC00, s19;
	[sflag:s31] =	ssyncset.done @!p3 $0x0  }
0x5f: {  	s25 =	sshrl.u32 s25, $0x1;
	s19 =	sshrl.u32 @!p2 s19, $0x2;
	[sflag:s31] =	ssyncadd.s32 @!p3 $0xFFFFC000  }
0x60: {  	s25 =	smul.u32 $0xFFFD0000, s25;
	s16 =	sadd.s32 @!p2 s5, s16;
	p3 =	sge.u32 s18, s10  }
0x61: {  	s18 =	simm.s32 @!p3 $0x1;
	s31 =	sand.u32 @!p3 $0xC00, s15;
	s20 =	simm.s32 @!p3 $0x80  }
0x62: {  	[tilespmem:s19], [sflag:$0x1] =	stream.linear.gather @!p2 [hbm4b:s16+s7], $0x100, $0x38;
	[tilespmem:$0x1FCC0] =	vst v63  }
.Ltmp1:
0x63: {  	s7 =	sshra.s32 s25, $0x2;
	_ =	swait.ge @!p3 [sflag:s18], $0x100;
	(pc) =	sbr.rel @p1 .LBB2_2-.Ltmp1, $4  }
0x64: {  	s16 =	sshrl.u32 @!p3 s31, $0x2;
	s7 =	sadd.s32 s7, s23;
	[sflag:s18] =	ssyncset.done @!p3 $0x0  }
0x65: {  	s17 =	smul.u32 $0xFFFD0000, s17;
	[sflag:s18] =	ssyncadd.s32 @!p3 $0xFFFFFF00;
	s18 =	sadd.s32 $0xFFFFF800, s15  }
0x66: {  	[tilespmem:s7], [sflag:$0x2] =	stream.indirect.gather @!p3 [hbm4b:s1+s20], $0x80, s16, s20, $0xb8;
	[tilespmem:$0x1FCC0] =	vst v63  }
0x67: {  	s15 =	sshra.s32 s17, $0x2;
	s16 =	sand.u32 $0xC00, s18;
	_ =	swait.ge [sflag:s30], $0x4000  }
.LBB2_3:
0x68: {  	[sflag:s30] =	ssyncset.done $0x0;
	s6 =	sshrl.u32 s16, $0x2;
	s7 =	sadd.s32 s15, s14  }
0x69: {  	s29 =	simm.s32 $0x3;
	[sflag:s30] =	ssyncadd.s32 $0xFFFFC000;
	s6 =	sor.u32 $0x80, s6  }
0x6a: {  	[spmem:s2] =	stream.indirect.scatter.add.f32 [tilespmem:s7], [sflag:$0x3], $0x80, s6, s28, $0xb8;
	[tilespmem:$0x1FCC0] =	vst v63  }
0x6b: {  	_ =	swait.ge [sflag:s29], $0x4000  }
0x6c: {  	[sflag:s29] =	ssyncset.done $0x0  }
0x6d: {  	[sflag:s29] =	ssyncadd.s32 $0xFFFFC000  }
0x6e: {  	[bflag:$0x0] =	sbarrier.arrive $0xFFFF  }
0x6f: {  	s7 =	rddreg [dreg:$0x9]  }
0x70: {  	s6 =	simm.s32 @p0 $0x1FC4;
	s8 =	rddreg [dreg:$0x12]  }
0x71: {  	[hbm:s7], [sflag:s6] =	dma.local @p0 [spmem:s8], $0x2100  }
0x72: {  	s6 =	stileid.u32  }
0x73: {  	_ =	swait.ge @p0 [sflag:s24], $0x2100;
	s6 =	sshll.u32 @!p0 s6, $0x6  }
0x74: {  	[sflag:s24] =	ssyncset.done @p0 $0x0;
	s6 =	sor.u32 @!p0 $0x1C04, s6;
	s13 =	rddreg [dreg:$0x5]  }
0x75: {  	s8 =	rddreg [dreg:$0x8];
	[sflag:s24] =	ssyncadd.s32 @p0 $0xFFFFDF00;
	s7 =	sshrl.u32 @!p0 s13, $0x3  }
0x76: {  	[hbm:s8], [sflag:s6] =	dma.local @!p0 [spmem:s7], $0x2780  }
0x77: {  	_ =	swait.ge @!p0 [sflag:s3], $0x2780  }
0x78: {  	s0 =	sadd.s32 $0x1, s0;
	s31 =	rddreg [dreg:$0xa]  }
0x79: {  	p1 =	sne.s32 s0, s31  }
.Ltmp2:
0x7a: {  	_ = 	snop;
	(pc) =	sbr.rel @p1 .LBB2_1-.Ltmp2, $3  }
0x7b: {  	_ =	sdelay $0x1  }
0x7c: {  	[sflag:s3] =	ssyncset.done @!p0 $0x0  }
0x7d: {  	[sflag:s3] =	ssyncadd.s32 @!p0 $0xFFFFD880  }
0x7e: {  	_ =	sfence.sel $0x180000  }
0x7f: {  	[bflag:$0x0] =	sbarrier.arrive $0xFFFF  }
0x80: {  	_ =	strace $0x9000004D  }
0x81: {  	s0 =	stileid.u32;
	[bflag:$0x2] =	sbarrier.arrive $0xFFFF  }
0x82: {  	p0 =	sne.s32 s0, $0x0;
	s0 =	rddreg [dreg:$0x3]  }
0x83: {  	s0 =	sadd.s32 @!p0 $0x100000, s0  }
0x84: {  	[sflag:s0] =	ssyncadd.tile.s32 @!p0 $0x1;
	_ =	shalt  }
.Lfunc_end2:
_tile_overlayer_lowered:
.L_overlay_start_2:
0x85: {  	(tag) =	ssettag $0x2  }
0x86: {  	s0 =	rddreg [dreg:$0x0];
	s2 =	stileid.u32  }
0x87: {  	s1 =	rddreg [dreg:$0x1];
	p0 =	sne.s32 s2, $0x0  }
0x88: {  	s3 =	rddreg [dreg:$0x2];
	[bflag:$0x3] =	sbarrier.arrive $0xFFFF;
	s2 =	simm.s32 @!p0 $0x1C04  }
0x89: {  	[timem:s3], [sflag:s2] =	dma.local @!p0 [hbm:s0], s1  }
0x8a: {  	s0 =	simm.s32 @!p0 $0x4  }
0x8b: {  	_ =	swait.ge @!p0 [sflag:s0], s1  }
0x8c: {  	s1 =	ssub.s32 @!p0 $0x0, s1;
	[sflag:s0] =	ssyncset.done @!p0 $0x0  }
0x8d: {  	[sflag:s0] =	ssyncadd.s32 @!p0 s1  }
0x8e: {  	[bflag:$0x3] =	sbarrier.arrive $0xFFFF  }
0x8f: {  	_ =	shalt  }

// kernel: kernel.9.cloned.1.call-start
scs
__scs_entry_jumppad:
0x0: {  	(pc) =	sbr.rel $0x88, $3  }
0x1: {  	(tag) =	ssettag $0x0;
	lr =	simm.s32 $0x1  }
0x2: {  	[smem:$0x3F96] =	sst lr;
	_ =	strace $0xD0000000  }
0x3: {  	_ = 	snop  }
0x4: {  	_ = 	snop  }
0x5: {  	_ = 	snop  }
0x6: {  	_ = 	snop  }
0x7: {  	_ = 	snop  }
__scs_overlays_trampoline_lowered:
0x8: {  	[smem:$0x3FA5] =	sst s0  }
0x9: {  	[smem:$0x3FA6] =	sst s1  }
0xa: {  	[smem:$0x3FA7] =	sst s2  }
0xb: {  	[smem:$0x3FA8] =	sst s3  }
0xc: {  	[smem:$0x3FA9] =	sst s4  }
0xd: {  	[smem:$0x3FAA] =	sst s5  }
0xe: {  	[smem:$0x3FAB] =	sst s6  }
0xf: {  	[smem:$0x3FAC] =	sst s7  }
0x10: {  	[smem:$0x3FAD] =	sst s8  }
0x11: {  	[smem:$0x3FAE] =	sst s9;
	s0 =	simm.s32 @!p0 $0x0  }
0x12: {  	s1 =	sld [smem:$0x3F94];
	s0 =	simm.s32 @p0 $0x1  }
0x13: {  	[smem:$0x3FAF] =	sst s0;
	s0 =	simm.s32 @!p1 $0x0  }
0x14: {  	s2 =	sld [smem:$0x3F93];
	s0 =	simm.s32 @p1 $0x1  }
0x15: {  	[smem:$0x3FB0] =	sst s0;
	s0 =	simm.s32 @!p2 $0x0  }
0x16: {  	s3 =	sld [smem:$0x3FDB];
	s0 =	simm.s32 @p2 $0x1  }
0x17: {  	s4 =	simm.s32 $0x1BF5;
	[smem:$0x3FB2] =	sst s0  }
0x18: {  	s0 =	sld [smem:$0x3F95];
	_ =	swait.ge [sflag:s4], $0x0  }
0x19: {  	s7 =	sld [smem:$0x3F96]  }
0x1a: {  	s8 =	sadd.s32 $0xFFFFE003, lr  }
0x1b: {  	s9 =	sadd.s32 $0xFFFFFEF7, lr;
	s5 =	simm.s32 $0xFFFFFFFF;
	p2 =	slt.u32 s8, $0xFFFFF086  }
0x1c: {  	p1 =	slt.u32 s9, $0xF7A;
	s5 =	simm.s32 @!p2 $0x0  }
0x1d: {  	s5 =	simm.s32 @p1 $0x1;
	p0 =	seq.s32 s7, s2  }
0x1e: {  	s7 =	smul.u32 @!p0 $0xF7A, s2;
	p2 =	seq.s32 @!p0 s5, $0x0  }
0x1f: {  	s9 =	smul.u32 $0xF7A, s1;
	s8 =	simm.s32 @!p0 $0x1BF5;
	p2 =	por !p2, p0  }
0x20: {  	[sflag:s8] =	ssyncset.s32 @!p0 $0xFFFFF086;
	s6 =	sadd.s32 @!p0 s3, s7;
	s7 =	simm.s32 @!p0 $0x108  }
0x21: {  	s3 =	sadd.s32 s3, s9;
	s6 =	sadd.s32 @!p0 $0x88, s6;
	s7 =	simm.s32 @p2 $0x1082  }
0x22: {  	[simem:s7], [sflag:s8] =	dma.local @!p0 [hbm:s6], $0xF7A  }
0x23: {  	s9 =	sor.u32 $0xD0000000, s2;
	s6 =	simm.s32 $0x108;
	_ =	swait.ge @!p0 [sflag:s8], $0x0  }
0x24: {  	s3 =	sadd.s32 $0x88, s3;
	s6 =	simm.s32 @!p1 $0x1082;
	[sflag:s4] =	ssyncset.s32 $0xFFFFF086  }
0x25: {  	[simem:s6], [sflag:s4] =	dma.local [hbm:s3], $0xF7A  }
0x26: {  	[smem:$0x3F96] =	sst s1;
	(tag) =	ssettag s2;
	_ =	strace s9  }
0x27: {  	s1 =	sld [smem:$0x3FA6]  }
0x28: {  	s2 =	sld [smem:$0x3FA7]  }
0x29: {  	s4 =	sld [smem:$0x3FA9]  }
0x2a: {  	p0 =	seq.s32 s5, $0x0;
	s5 =	sld [smem:$0x3FAA]  }
0x2b: {  	s6 =	sld [smem:$0x3FAB]  }
0x2c: {  	s7 =	sld [smem:$0x3FAC]  }
0x2d: {  	s3 =	simm.s32 $0x108;
	s8 =	sld [smem:$0x3FAD]  }
0x2e: {  	s3 =	simm.s32 @!p0 $0x1082;
	s9 =	sld [smem:$0x3FAE]  }
0x2f: {  	lr =	sadd.s32 s0, s3;
	s0 =	sld [smem:$0x3FA5]  }
0x30: {  	s3 =	sld [smem:$0x3FA8]  }
0x31: {  	[smem:$0x3FB1] =	sst s10  }
0x32: {  	s10 =	sld [smem:$0x3FAF];
	_ =	sdelay $0x3  }
0x33: {  	p0 =	seq.s32 s10, $0x1;
	s10 =	sld [smem:$0x3FB1];
	_ =	sdelay $0x3  }
0x34: {  	[smem:$0x3FB1] =	sst s10  }
0x35: {  	s10 =	sld [smem:$0x3FB0];
	_ =	sdelay $0x3  }
0x36: {  	p1 =	seq.s32 s10, $0x1;
	s10 =	sld [smem:$0x3FB1];
	_ =	sdelay $0x3  }
0x37: {  	[smem:$0x3FB1] =	sst s10  }
0x38: {  	s10 =	sld [smem:$0x3FB2]  }
0x39: {  	_ = 	snop;
	(pc) =	sbr.ind lr, $3  }
0x3a: {  	_ = 	snop  }
0x3b: {  	_ = 	snop  }
0x3c: {  	p2 =	seq.s32 s10, $0x1;
	s10 =	sld [smem:$0x3FB1]  }
0x3d: {  	_ =	shalt  }
0x3e: {  	_ =	shalt  }
0x3f: {  	_ =	shalt  }
0x40: {  	_ =	shalt  }
0x41: {  	_ =	shalt  }
0x42: {  	_ =	shalt  }
0x43: {  	_ =	shalt  }
0x44: {  	_ =	shalt  }
0x45: {  	_ =	shalt  }
0x46: {  	_ =	shalt  }
0x47: {  	_ =	shalt  }
0x48: {  	_ =	shalt  }
0x49: {  	_ =	shalt  }
0x4a: {  	_ =	shalt  }
0x4b: {  	_ =	shalt  }
0x4c: {  	_ =	shalt  }
0x4d: {  	_ =	shalt  }
0x4e: {  	_ =	shalt  }
0x4f: {  	_ =	shalt  }
0x50: {  	_ =	shalt  }
0x51: {  	_ =	shalt  }
0x52: {  	_ =	shalt  }
0x53: {  	_ =	shalt  }
0x54: {  	_ =	shalt  }
0x55: {  	_ =	shalt  }
0x56: {  	_ =	shalt  }
0x57: {  	_ =	shalt  }
0x58: {  	_ =	shalt  }
0x59: {  	_ =	shalt  }
0x5a: {  	_ =	shalt  }
0x5b: {  	_ =	shalt  }
0x5c: {  	_ =	shalt  }
0x5d: {  	_ =	shalt  }
0x5e: {  	_ =	shalt  }
0x5f: {  	_ =	shalt  }
0x60: {  	_ =	shalt  }
0x61: {  	_ =	shalt  }
0x62: {  	_ =	shalt  }
0x63: {  	_ =	shalt  }
0x64: {  	_ =	shalt  }
0x65: {  	_ =	shalt  }
0x66: {  	_ =	shalt  }
0x67: {  	_ =	shalt  }
0x68: {  	_ =	shalt  }
0x69: {  	_ =	shalt  }
0x6a: {  	_ =	shalt  }
0x6b: {  	_ =	shalt  }
0x6c: {  	_ =	shalt  }
0x6d: {  	_ =	shalt  }
0x6e: {  	_ =	shalt  }
0x6f: {  	_ =	shalt  }
0x70: {  	_ =	shalt  }
0x71: {  	_ =	shalt  }
0x72: {  	_ =	shalt  }
0x73: {  	_ =	shalt  }
0x74: {  	_ =	shalt  }
0x75: {  	_ =	shalt  }
0x76: {  	_ =	shalt  }
0x77: {  	_ =	shalt  }
0x78: {  	_ =	shalt  }
0x79: {  	_ =	shalt  }
0x7a: {  	_ =	shalt  }
0x7b: {  	_ =	shalt  }
0x7c: {  	_ =	shalt  }
0x7d: {  	_ =	shalt  }
0x7e: {  	_ =	shalt  }
0x7f: {  	_ =	shalt  }
0x80: {  	_ =	shalt  }
0x81: {  	_ =	shalt  }
0x82: {  	_ =	shalt  }
0x83: {  	_ =	shalt  }
0x84: {  	_ =	shalt  }
0x85: {  	_ =	shalt  }
0x86: {  	_ =	shalt  }
0x87: {  	_ =	shalt  }
.Lfunc_end0:
.L_simem_size_0:
called_computation_lowered:
.L_overlay_start_0:
0x88: {  	s2 =	sld [smem:$0x3FD9]  }
0x89: {  	s3 =	sld [smem:$0x3FFE];
	_ =	sdelay $0x1  }
0x8a: {  	s1 =	srdreg.scid  }
0x8b: {  	s0 =	sand.u32 $0x1, s1  }
0x8c: {  	s17 =	sshll.u32 s0, $0xA;
	s2 =	sadd.s32 s3, s2  }
0x8d: {  	s2 =	sadd.s32 s2, s17  }
0x8e: {  	[smem:$0x3FBD] =	sst s2  }
0x8f: {  	_ = 	snop  }
0x90: {  	s2 =	sld [smem:$0x3FD0];
	(tm) =	ssettm $0x1  }
0x91: {  	s18 =	sld [smem:$0x3FFB];
	_ =	sdelay $0x3  }
0x92: {  	_ =	strace s18  }
0x93: {  	s3 =	sld [smem:$0x3FFC];
	_ =	sdelay $0x3  }
0x94: {  	_ =	strace s3  }
0x95: {  	s3 =	sld [smem:$0x3FFD];
	_ =	sdelay $0x3  }
0x96: {  	_ =	strace s3  }
0x97: {  	_ =	strace $0x8FFFFFFF  }
0x98: {  	s19 =	sld [smem:$0x3FDB];
	_ =	sdelay $0x1  }
0x99: {  	s4 =	simm.s32 $_scs_section_size  }
0x9a: {  	s5 =	simm.s32 $_size__tile_overlayer_lowered;
	s6 =	simm.s32 $_tile_overlayer_lowered  }
0x9b: {  	s22 =	simm.s32 $0x1BFF;
	s21 =	sshll.u32 s6, $0x1;
	s3 =	sadd.s32 s4, s19  }
0x9c: {  	s7 =	simm.s32 $0x0;
	s20 =	sshll.u32 s5, $0x1;
	s5 =	sadd.s32 s21, s3  }
0x9d: {  	[timem:s7], [sflag:s22] =	dma.local [hbm:s5], s20  }
0x9e: {  	_ =	swait.ge [sflag:s22], s20  }
0x9f: {  	s4 =	ssub.s32 $0x0, s20;
	[sflag:s22] =	ssyncset.done $0x0  }
0xa0: {  	[sflag:s22] =	ssyncadd.s32 s4;
	_ =	sdelay $0x1  }
0xa1: {  	s23 =	simm.s32 $0x1B8B  }
0xa2: {  	_ =	swait.ge [sflag:s23], $0x1  }
0xa3: {  	[sflag:s23] =	ssyncset.done $0x0  }
0xa4: {  	s25 =	simm.s32 $0x1B8E;
	s24 =	sld [smem:$0x3FFE];
	[sflag:s23] =	ssyncadd.s32 $0xFFFFFFFF  }
0xa5: {  	s26 =	simm.s32 $execute0_lowered;
	[smem:$0x3FD2] =	sst s25  }
0xa6: {  	s5 =	sshll.u32 s26, $0x1;
	_ =	strace $0x80000046;
	[dreg:$0x1] =	wrdreg $0xFFFFFFFF  }
0xa7: {  	s28 =	simm.s32 $_size_execute0_lowered;
	s3 =	sadd.s32 s3, s5;
	[dreg:$0x0] =	wrdreg $0x0  }
0xa8: {  	s5 =	sshll.u32 s28, $0x1;
	[dreg:$0x2] =	wrdreg s3  }
0xa9: {  	[dreg:$0x3] =	wrdreg s5  }
0xaa: {  	[dreg:$0x4] =	wrdreg $0xC0  }
0xab: {  	_ =	task [dreg:s7], $0x5FFFF  }
0xac: {  	[dreg:$0x1] =	wrdreg $0xFFFFFFFF  }
0xad: {  	[dreg:$0x0] =	wrdreg $0x60  }
0xae: {  	[dreg:$0x2] =	wrdreg s24  }
0xaf: {  	[dreg:$0x3] =	wrdreg s2  }
0xb0: {  	[dreg:$0x4] =	wrdreg $0xC4000  }
0xb1: {  	[dreg:$0x5] =	wrdreg $0x9  }
0xb2: {  	_ =	task.clear_ibuf [dreg:s7], $0x6FFFF;
	_ =	strace $0x90000046  }
0xb3: {  	s29 =	simm.s32 $0x9;
	_ =	strace $0x80000048  }
0xb4: {  	_ =	swait.ge [sflag:s29], $0x1  }
0xb5: {  	[sflag:s29] =	ssyncadd.s32 $0xFFFFFFFF  }
0xb6: {  	_ =	strace $0x90000048  }
0xb7: {  	_ =	sfence  }
0xb8: {  	s30 =	sld [smem:$0x0];
	_ =	sdelay $0x2  }
0xb9: {  	s31 =	sshll.u32 s1, $0xD;
	s1 =	sshrl.u32 s1, $0x2  }
0xba: {  	s3 =	sand.u32 $0x4000, s31;
	s1 =	sadd.s32 s1, s30  }
0xbb: {  	s0 =	sor.u32 s3, s0;
	s1 =	sshll.u32 s1, $0x11  }
0xbc: {  	s0 =	sor.u32 s1, s0  }
0xbd: {  	s0 =	sadd.s32 $0x8F2B, s0  }
0xbe: {  	[sflag:s0] =	ssyncadd.remote.s32 $0x1  }
0xbf: {  	_ =	sfence.sel $0xFFFF  }
0xc0: {  	[dreg:$0x0] =	wrdreg $0xFFFFFFFF;
	(pc) =	sbr.abs _section_cstart, $3  }
0xc1: {  	[dreg:$0x1] =	wrdreg $0xFFFFFFFF  }
0xc2: {  	_ =	task.clear_ibuf [dreg:s7], $0x2FFFF;
	_ =	strace $0x9FFFFFFF  }
0xc3: {  	(tm) =	ssettm $0x7FFFFFFF  }
tec
execute0_lowered:
.L_overlay_start_1:
0x0: {  	(tag) =	ssettag $0x1  }
0x1: {  	s0 =	rddreg [dreg:$0x0]  }
0x2: {  	s1 =	rddreg [dreg:$0x1]  }
0x3: {  	s2 =	rddreg [dreg:$0x2];
	s4 =	simm.s32 $0x0  }
0x4: {  	s3 =	srdreg.scid;
	s12 =	stileid.u32;
	s10 =	simm.s32 $0x1C  }
0x5: {  	s28 =	simm.s32 $0x80;
	s30 =	simm.s32 $0x2;
	[smem:$0x7FF] =	sst s4  }
0x6: {  	s5 =	sadd.s32 $0x3000, s0;
	s3 =	sand.u32 $0x1, s3;
	s6 =	smul.u32 $0x4F000, s12  }
0x7: {  	s7 =	sadd.s32 $0x23400, s0;
	s19 =	sadd.s32 $0x138400, s2;
	s11 =	smul.u32 $0x13C00, s12  }
0x8: {  	s0 =	sadd.s32 $0x23C00, s0;
	s20 =	smul.u32 $0x8100, s12;
	_ =	strace $0x80000047  }
0x9: {  	[dreg:$0x4] =	wrdreg s7;
	s16 =	ssub.s32 $0x2, s3;
	s9 =	smul.u32 $0x81000, s3  }
0xa: {  	s17 =	smul.u32 $0x138C00, s3;
	[dreg:$0x7] =	wrdreg s19;
	s6 =	sshrl.u32 s6, $0x2  }
0xb: {  	p0 =	seq.s32 s3, $0x0;
	s8 =	sshrl.u32 s16, $0x1;
	s13 =	sadd.s32 s6, s2  }
0xc: {  	s8 =	ssub.s32 s16, s8;
	s18 =	sadd.s32 $0x10000, s13;
	[dreg:$0x5] =	wrdreg s13  }
0xd: {  	s11 =	sadd.s32 s11, s17;
	s23 =	smax.u32 s8, $0x1;
	[dreg:$0x6] =	wrdreg s18  }
0xe: {  	s6 =	sshrl.u32 s17, $0x3;
	s24 =	sadd.s32 $0x4000, s13;
	[dreg:$0xa] =	wrdreg s23  }
0xf: {  	s3 =	sadd.s32 s20, s9;
	s26 =	sadd.s32 $0x8000, s13;
	[dreg:$0xb] =	wrdreg s24  }
0x10: {  	s21 =	sshrl.u32 s11, $0x3;
	s29 =	sadd.s32 $0xC000, s13;
	[dreg:$0xc] =	wrdreg s26  }
0x11: {  	s25 =	sshrl.u32 s3, $0x3;
	s3 =	sadd.s32 $0x300, s3;
	[dreg:$0xd] =	wrdreg s29  }
0x12: {  	s6 =	sadd.s32 s0, s6;
	s0 =	sadd.s32 s0, s21;
	[dreg:$0x11] =	wrdreg s3  }
0x13: {  	s10 =	simm.s32 @!p0 $0x81;
	s22 =	sadd.s32 $0x25080, s6;
	[dreg:$0x8] =	wrdreg s0  }
0x14: {  	p0 =	seq.s32 s12, $0xF;
	s6 =	sadd.s32 s5, s25;
	[dreg:$0x9] =	wrdreg s22  }
0x15: {  	s21 =	simm.s32 $0x400;
	s31 =	sadd.s32 $0x20, s6;
	[dreg:$0xe] =	wrdreg s6  }
0x16: {  	s0 =	sadd.s32 $0x128400, s2;
	s6 =	sadd.s32 $0x40, s6;
	[dreg:$0xf] =	wrdreg s31  }
0x17: {  	s26 =	simm.s32 $0x1;
	[dreg:$0x10] =	wrdreg s6;
	s0 =	sshrl.u32 @p0 s0, $0x3  }
0x18: {  	s22 =	simm.s32 $0x4;
	[dreg:$0x12] =	wrdreg s0;
	s0 =	simm.s32 $0x0  }
.LBB2_1:
0x19: {  	s3 =	rddreg [dreg:$0x4]  }
0x1a: {  	[tilespmem:s21], [sflag:$0x4] =	stream.linear.gather [hbm4b:s3+s4], $0x4000, $0x38;
	[tilespmem:$0x1FCC0] =	vst v63  }
0x1b: {  	_ =	swait.ge [sflag:s22], $0x4000  }
0x1c: {  	[sflag:s22] =	ssyncset.done $0x0  }
0x1d: {  	[sflag:s22] =	ssyncadd.s32 $0xFFFFC000  }
0x1e: {  	[spmem:s13] =	stream.linear.scatter [tilespmem:s21], [sflag:$0x4], $0x4000, $0x38;
	[tilespmem:$0x1FCC0] =	vst v63  }
0x1f: {  	_ =	swait.ge [sflag:s22], $0x4000  }
0x20: {  	[sflag:s22] =	ssyncset.done $0x0  }
0x21: {  	s14 =	rddreg [dreg:$0xb];
	[sflag:s22] =	ssyncadd.s32 $0xFFFFC000  }
0x22: {  	[spmem:s14] =	stream.linear.scatter [tilespmem:s21], [sflag:$0x4], $0x4000, $0x38;
	[tilespmem:$0x1FCC0] =	vst v63  }
0x23: {  	_ =	swait.ge [sflag:s22], $0x4000  }
0x24: {  	[sflag:s22] =	ssyncset.done $0x0  }
0x25: {  	s15 =	rddreg [dreg:$0xc];
	[sflag:s22] =	ssyncadd.s32 $0xFFFFC000  }
0x26: {  	[spmem:s15] =	stream.linear.scatter [tilespmem:s21], [sflag:$0x4], $0x4000, $0x38;
	[tilespmem:$0x1FCC0] =	vst v63  }
0x27: {  	_ =	swait.ge [sflag:s22], $0x4000  }
0x28: {  	[sflag:s22] =	ssyncset.done $0x0  }
0x29: {  	s16 =	rddreg [dreg:$0xd];
	[sflag:s22] =	ssyncadd.s32 $0xFFFFC000  }
0x2a: {  	[spmem:s16] =	stream.linear.scatter [tilespmem:s21], [sflag:$0x4], $0x4000, $0x38;
	[tilespmem:$0x1FCC0] =	vst v63  }
0x2b: {  	_ =	swait.ge [sflag:s22], $0x4000  }
0x2c: {  	s24 =	simm.s32 @p0 $0x4;
	[sflag:s22] =	ssyncset.done $0x0  }
0x2d: {  	s3 =	simm.s32 @p0 $0x400;
	s6 =	rddreg [dreg:$0x7];
	[sflag:s22] =	ssyncadd.s32 $0xFFFFC000  }
0x2e: {  	[spmem:s6] =	stream.linear.scatter @p0 [tilespmem:s3], [sflag:$0x4], $0x800, $0x38;
	[tilespmem:$0x1FCC0] =	vst v63  }
0x2f: {  	_ =	swait.ge @p0 [sflag:s24], $0x800  }
0x30: {  	[sflag:s24] =	ssyncset.done @p0 $0x0  }
0x31: {  	s3 =	simm.s32 @!p0 $0x400;
	s6 =	rddreg [dreg:$0x6];
	[sflag:s24] =	ssyncadd.s32 @p0 $0xFFFFF800  }
0x32: {  	[spmem:s6] =	stream.linear.scatter @!p0 [tilespmem:s3], [sflag:$0x4], $0x3C00, $0x38;
	[tilespmem:$0x1FCC0] =	vst v63  }
0x33: {  	s3 =	simm.s32 @!p0 $0x4  }
0x34: {  	_ =	swait.ge @!p0 [sflag:s3], $0x3C00  }
0x35: {  	[sflag:s3] =	ssyncset.done @!p0 $0x0  }
0x36: {  	[sflag:s3] =	ssyncadd.s32 @!p0 $0xFFFFC400  }
0x37: {  	[bflag:$0x0] =	sbarrier.arrive $0xFFFF  }
0x38: {  	s17 =	rddreg [dreg:$0xe]  }
0x39: {  	[tilespmem:s4], [sflag:$0x1] =	stream.linear.gather [hbm4b:s17+s4], $0x100, $0x38;
	[tilespmem:$0x1FCC0] =	vst v63  }
0x3a: {  	s7 =	simm.s32 $0x100;
	s18 =	rddreg [dreg:$0xf]  }
0x3b: {  	[tilespmem:s7], [sflag:$0x1] =	stream.linear.gather [hbm4b:s18+s4], $0x100, $0x38;
	[tilespmem:$0x1FCC0] =	vst v63  }
0x3c: {  	s8 =	simm.s32 $0x200;
	s19 =	rddreg [dreg:$0x10]  }
0x3d: {  	[tilespmem:s8], [sflag:$0x1] =	stream.linear.gather [hbm4b:s19+s4], $0x100, $0x38;
	[tilespmem:$0x1FCC0] =	vst v63  }
0x3e: {  	s20 =	simm.s32 $0x4400;
	s29 =	simm.s32 $0x1;
	_ =	swait.ge [sflag:s26], $0x100  }
0x3f: {  	p1 =	sne.s32 s10, $0x1;
	p2 =	por $0x1, $0x1;
	[sflag:s26] =	ssyncset.done $0x0  }
0x40: {  	s12 =	smulhi.u32 $0xAAAAAAAB, s30;
	s9 =	simm.s32 $0xC00;
	[sflag:s26] =	ssyncadd.s32 $0xFFFFFF00  }
0x41: {  	p3 =	sle.u32 s10, $0x3;
	s23 =	smulhi.u32 $0xAAAAAAAB, s4;
	_ =	swait.ge [sflag:s26], $0x100  }
0x42: {  	s31 =	simm.s32 $0x0;
	s25 =	sshrl.u32 s12, $0x1;
	[sflag:s26] =	ssyncset.done $0x0  }
0x43: {  	s12 =	simm.s32 $0xC400;
	s15 =	simm.s32 @!p3 $0xC00;
	[sflag:s26] =	ssyncadd.s32 $0xFFFFFF00  }
0x44: {  	[tilespmem:s21], [sflag:$0x2] =	stream.indirect.gather [hbm4b:s1+s28], $0x80, s4, s28, $0xb8;
	[tilespmem:$0x1FCC0] =	vst v63  }
0x45: {  	s13 =	simm.s32 $0x800;
	s14 =	simm.s32 @!p2 $0x3;
	s15 =	sand.u32 @!p3 $0xC00, s15  }
0x46: {  	[tilespmem:s20], [sflag:$0x2] =	stream.indirect.gather [hbm4b:s1+s28], $0x80, s7, s28, $0xb8;
	[tilespmem:$0x1FCC0] =	vst v63  }
0x47: {  	s15 =	sshrl.u32 @!p3 s15, $0x2;
	s7 =	rddreg [dreg:$0x11];
	_ =	swait.ge @!p2 [sflag:s14], $0x4000  }
0x48: {  	s16 =	simm.s32 @!p3 $0x0;
	s6 =	simm.s32 $0x4400;
	[sflag:s14] =	ssyncset.done @!p2 $0x0  }
0x49: {  	[sflag:s14] =	ssyncadd.s32 @!p2 $0xFFFFC000;
	s14 =	sshrl.u32 @!p3 s7, $0x3;
	p2 =	sle.u32 s10, $0x2  }
0x4a: {  	s8 =	simm.s32 $0xFFFFFFFF;
	s14 =	sadd.s32 @!p3 s5, s14;
	s13 =	sand.u32 @!p2 $0xC00, s13  }
0x4b: {  	[tilespmem:s15], [sflag:$0x1] =	stream.linear.gather @!p3 [hbm4b:s14+s16], $0x100, $0x38;
	[tilespmem:$0x1FCC0] =	vst v63  }
0x4c: {  	s16 =	simm.s32 @!p2 $0x1;
	s15 =	smul.u32 $0xFFFD0000, s25;
	s14 =	sshrl.u32 s23, $0x1  }
0x4d: {  	s13 =	sshrl.u32 @!p2 s13, $0x2;
	_ =	swait.ge @!p2 [sflag:s16], $0x100;
	s14 =	smul.u32 $0xFFFD0000, s14  }
.Ltmp0:
0x4e: {  	[sflag:s16] =	ssyncset.done @!p2 $0x0;
	s15 =	sshra.s32 s15, $0x2;
	(pc) =	sbr.rel @!p1 .LBB2_3-.Ltmp0, $4  }
0x4f: {  	[sflag:s16] =	ssyncadd.s32 @!p2 $0xFFFFFF00;
	s16 =	simm.s32 @!p2 $0x80;
	s15 =	sadd.s32 $0x8400, s15  }
0x50: {  	[tilespmem:s15], [sflag:$0x2] =	stream.indirect.gather @!p2 [hbm4b:s1+s16], $0x80, s13, s16, $0xb8;
	[tilespmem:$0x1FCC0] =	vst v63  }
0x51: {  	s11 =	sadd.s32 $0x100, s7;
	s13 =	simm.s32 $0x3;
	s15 =	sshra.s32 s14, $0x2  }
0x52: {  	s16 =	sand.u32 $0xC00, s31;
	s14 =	simm.s32 $0x400;
	_ =	swait.ge [sflag:s30], $0x4000  }
.LBB2_2:
0x53: {  	s15 =	sadd.s32 s15, s14;
	[sflag:s30] =	ssyncset.done $0x0;
	s16 =	sshrl.u32 s16, $0x2  }
0x54: {  	s18 =	smov.u32 s29;
	s14 =	smov.u32 s6;
	s19 =	smov.u32 s8  }
0x55: {  	s29 =	sadd.s32 $0x1, s29;
	[sflag:s30] =	ssyncadd.s32 $0xFFFFC000;
	s16 =	sor.u32 $0x80, s16  }
0x56: {  	[spmem:s2] =	stream.indirect.scatter.add.f32 [tilespmem:s15], [sflag:$0x3], $0x80, s16, s28, $0xb8;
	[tilespmem:$0x1FCC0] =	vst v63  }
0x57: {  	p1 =	sne.s32 s29, s10;
	s15 =	smov.u32 s9;
	s16 =	smov.u32 s11  }
0x58: {  	s6 =	sadd.s32 $0x4000, s6;
	s8 =	sadd.s32 $0xFFFFFFFF, s8;
	s23 =	smov.u32 s12  }
0x59: {  	s25 =	smulhi.u32 $0xAAAAAAAB, s13;
	s9 =	sadd.s32 $0x400, s9;
	s11 =	sadd.s32 $0x100, s11  }
0x5a: {  	s12 =	sadd.s32 $0x4000, s12;
	s13 =	sadd.s32 $0x1, s13;
	s17 =	smulhi.u32 $0xAAAAAAAB, s18  }
0x5b: {  	p3 =	seq.s32 s19, $0x0;
	s19 =	sadd.s32 $0x3, s18;
	s18 =	sadd.s32 $0x2, s18  }
0x5c: {  	s31 =	simm.s32 @!p3 $0x3;
	p2 =	sge.u32 s19, s10;
	s17 =	sshrl.u32 s17, $0x1  }
0x5d: {  	s19 =	sadd.s32 @!p2 $0x400, s15;
	s7 =	simm.s32 @!p2 $0x0;
	_ =	swait.ge @!p3 [sflag:s31], $0x4000  }
0x5e: {  	s16 =	sshrl.u32 @!p2 s16, $0x3;
	s19 =	sand.u32 @!p2 $0xC00, s19;
	[sflag:s31] =	ssyncset.done @!p3 $0x0  }
0x5f: {  	s25 =	sshrl.u32 s25, $0x1;
	s19 =	sshrl.u32 @!p2 s19, $0x2;
	[sflag:s31] =	ssyncadd.s32 @!p3 $0xFFFFC000  }
0x60: {  	s25 =	smul.u32 $0xFFFD0000, s25;
	s16 =	sadd.s32 @!p2 s5, s16;
	p3 =	sge.u32 s18, s10  }
0x61: {  	s18 =	simm.s32 @!p3 $0x1;
	s31 =	sand.u32 @!p3 $0xC00, s15;
	s20 =	simm.s32 @!p3 $0x80  }
0x62: {  	[tilespmem:s19], [sflag:$0x1] =	stream.linear.gather @!p2 [hbm4b:s16+s7], $0x100, $0x38;
	[tilespmem:$0x1FCC0] =	vst v63  }
.Ltmp1:
0x63: {  	s7 =	sshra.s32 s25, $0x2;
	_ =	swait.ge @!p3 [sflag:s18], $0x100;
	(pc) =	sbr.rel @p1 .LBB2_2-.Ltmp1, $4  }
0x64: {  	s16 =	sshrl.u32 @!p3 s31, $0x2;
	s7 =	sadd.s32 s7, s23;
	[sflag:s18] =	ssyncset.done @!p3 $0x0  }
0x65: {  	s17 =	smul.u32 $0xFFFD0000, s17;
	[sflag:s18] =	ssyncadd.s32 @!p3 $0xFFFFFF00;
	s18 =	sadd.s32 $0xFFFFF800, s15  }
0x66: {  	[tilespmem:s7], [sflag:$0x2] =	stream.indirect.gather @!p3 [hbm4b:s1+s20], $0x80, s16, s20, $0xb8;
	[tilespmem:$0x1FCC0] =	vst v63  }
0x67: {  	s15 =	sshra.s32 s17, $0x2;
	s16 =	sand.u32 $0xC00, s18;
	_ =	swait.ge [sflag:s30], $0x4000  }
.LBB2_3:
0x68: {  	[sflag:s30] =	ssyncset.done $0x0;
	s6 =	sshrl.u32 s16, $0x2;
	s7 =	sadd.s32 s15, s14  }
0x69: {  	s29 =	simm.s32 $0x3;
	[sflag:s30] =	ssyncadd.s32 $0xFFFFC000;
	s6 =	sor.u32 $0x80, s6  }
0x6a: {  	[spmem:s2] =	stream.indirect.scatter.add.f32 [tilespmem:s7], [sflag:$0x3], $0x80, s6, s28, $0xb8;
	[tilespmem:$0x1FCC0] =	vst v63  }
0x6b: {  	_ =	swait.ge [sflag:s29], $0x4000  }
0x6c: {  	[sflag:s29] =	ssyncset.done $0x0  }
0x6d: {  	[sflag:s29] =	ssyncadd.s32 $0xFFFFC000  }
0x6e: {  	[bflag:$0x0] =	sbarrier.arrive $0xFFFF  }
0x6f: {  	s7 =	rddreg [dreg:$0x9]  }
0x70: {  	s6 =	simm.s32 @p0 $0x1FC4;
	s8 =	rddreg [dreg:$0x12]  }
0x71: {  	[hbm:s7], [sflag:s6] =	dma.local @p0 [spmem:s8], $0x2100  }
0x72: {  	s6 =	stileid.u32  }
0x73: {  	_ =	swait.ge @p0 [sflag:s24], $0x2100;
	s6 =	sshll.u32 @!p0 s6, $0x6  }
0x74: {  	[sflag:s24] =	ssyncset.done @p0 $0x0;
	s6 =	sor.u32 @!p0 $0x1C04, s6;
	s13 =	rddreg [dreg:$0x5]  }
0x75: {  	s8 =	rddreg [dreg:$0x8];
	[sflag:s24] =	ssyncadd.s32 @p0 $0xFFFFDF00;
	s7 =	sshrl.u32 @!p0 s13, $0x3  }
0x76: {  	[hbm:s8], [sflag:s6] =	dma.local @!p0 [spmem:s7], $0x2780  }
0x77: {  	_ =	swait.ge @!p0 [sflag:s3], $0x2780  }
0x78: {  	s0 =	sadd.s32 $0x1, s0;
	s31 =	rddreg [dreg:$0xa]  }
0x79: {  	p1 =	sne.s32 s0, s31  }
.Ltmp2:
0x7a: {  	_ = 	snop;
	(pc) =	sbr.rel @p1 .LBB2_1-.Ltmp2, $3  }
0x7b: {  	_ =	sdelay $0x1  }
0x7c: {  	[sflag:s3] =	ssyncset.done @!p0 $0x0  }
0x7d: {  	[sflag:s3] =	ssyncadd.s32 @!p0 $0xFFFFD880  }
0x7e: {  	_ =	sfence.sel $0x180000  }
0x7f: {  	[bflag:$0x0] =	sbarrier.arrive $0xFFFF  }
0x80: {  	_ =	strace $0x90000047  }
0x81: {  	s0 =	stileid.u32;
	[bflag:$0x2] =	sbarrier.arrive $0xFFFF  }
0x82: {  	p0 =	sne.s32 s0, $0x0;
	s0 =	rddreg [dreg:$0x3]  }
0x83: {  	s0 =	sadd.s32 @!p0 $0x100000, s0  }
0x84: {  	[sflag:s0] =	ssyncadd.tile.s32 @!p0 $0x1;
	_ =	shalt  }
.Lfunc_end2:
_tile_overlayer_lowered:
.L_overlay_start_2:
0x85: {  	(tag) =	ssettag $0x2  }
0x86: {  	s0 =	rddreg [dreg:$0x0];
	s2 =	stileid.u32  }
0x87: {  	s1 =	rddreg [dreg:$0x1];
	p0 =	sne.s32 s2, $0x0  }
0x88: {  	s3 =	rddreg [dreg:$0x2];
	[bflag:$0x3] =	sbarrier.arrive $0xFFFF;
	s2 =	simm.s32 @!p0 $0x1C04  }
0x89: {  	[timem:s3], [sflag:s2] =	dma.local @!p0 [hbm:s0], s1  }
0x8a: {  	s0 =	simm.s32 @!p0 $0x4  }
0x8b: {  	_ =	swait.ge @!p0 [sflag:s0], s1  }
0x8c: {  	s1 =	ssub.s32 @!p0 $0x0, s1;
	[sflag:s0] =	ssyncset.done @!p0 $0x0  }
0x8d: {  	[sflag:s0] =	ssyncadd.s32 @!p0 s1  }
0x8e: {  	[bflag:$0x3] =	sbarrier.arrive $0xFFFF  }
0x8f: {  	_ =	shalt  }

</sc_bundles>
